<compile_context>
chip_gen: v7x
topology: tpu7x:2x2x1
jax: 0.10.2.dev20260603
libtpu: 0.0.44.dev20260713+nightly
codegen_flags: <defaults>
</compile_context>

<pallas_src>
import dataclasses
import functools

import jax
import jax.numpy as jnp
from jax import lax
from jax.experimental import pallas as pl
from jax.experimental.pallas import tpu as pltpu
from jax.experimental.pallas import tpu_sc as plsc

_NC = 2
_NS = 16
_CH = 128


def _linear_relu(x, W, b):
    n, d = x.shape
    blk = 1000

    def body(x_ref, w_ref, b_ref, o_ref):
        h = jnp.dot(x_ref[...], w_ref[...],
                    preferred_element_type=jnp.float32,
                    precision=jax.lax.Precision.HIGHEST)
        o_ref[...] = jnp.maximum(h + b_ref[...], 0.0)

    return pl.pallas_call(
        body,
        grid=(n // blk,),
        in_specs=[
            pl.BlockSpec((blk, d), lambda i: (i, 0)),
            pl.BlockSpec((d, d), lambda i: (0, 0)),
            pl.BlockSpec((1, d), lambda i: (0, 0)),
        ],
        out_specs=pl.BlockSpec((blk, d), lambda i: (i, 0)),
        out_shape=jax.ShapeDtypeStruct((n, d), jnp.float32),
    )(x, W, b.reshape(1, d))


def _combine_ln(h, a0, a1, g, bt, W=None, b=None):
    n, d = h.shape
    blk = 1000
    fused = W is not None

    def body(h_ref, a0_ref, a1_ref, g_ref, bt_ref, *rest):
        if fused:
            w_ref, b_ref, o_ref = rest
        else:
            (o_ref,) = rest
        s = h_ref[...] + a0_ref[...] + a1_ref[...]
        mu = jnp.mean(s, axis=-1, keepdims=True)
        var = jnp.mean((s - mu) ** 2, axis=-1, keepdims=True)
        t = (s - mu) * jax.lax.rsqrt(var + 1e-5) * g_ref[...] + bt_ref[...]
        if fused:
            t = jnp.dot(t, w_ref[...], preferred_element_type=jnp.float32,
                        precision=jax.lax.Precision.HIGHEST)
            t = jnp.maximum(t + b_ref[...], 0.0)
        o_ref[...] = t

    in_specs = [
        pl.BlockSpec((blk, d), lambda i: (i, 0)),
        pl.BlockSpec((blk, d), lambda i: (i, 0)),
        pl.BlockSpec((blk, d), lambda i: (i, 0)),
        pl.BlockSpec((1, d), lambda i: (0, 0)),
        pl.BlockSpec((1, d), lambda i: (0, 0)),
    ]
    args = [h, a0, a1, g.reshape(1, d), bt.reshape(1, d)]
    if fused:
        in_specs += [pl.BlockSpec((d, d), lambda i: (0, 0)),
                     pl.BlockSpec((1, d), lambda i: (0, 0))]
        args += [W, b.reshape(1, d)]

    return pl.pallas_call(
        body,
        grid=(n // blk,),
        in_specs=in_specs,
        out_specs=pl.BlockSpec((blk, d), lambda i: (i, 0)),
        out_shape=jax.ShapeDtypeStruct((n, d), jnp.float32),
    )(*args)


def _edge_pass(h, src_flat, dst2d, w_flat, zeros):
    n, d = h.shape
    nw = _NC * _NS
    per_w = src_flat.shape[0] // nw
    n_chunks = per_w // _CH
    assert n_chunks % 4 == 0 and n_chunks >= 8
    slab = ((n + _NS - 1) // _NS + 7) // 8 * 8
    last_slab = n - (_NS - 1) * slab
    assert last_slab > 0 and last_slab % 8 == 0

    mesh = plsc.VectorSubcoreMesh(core_axis_name="c", subcore_axis_name="s")

    cp = pltpu.CompilerParams()
    if "needs_layout_passes" in pltpu.CompilerParams.__dataclass_fields__:
        cp = dataclasses.replace(cp, needs_layout_passes=False)

    @functools.partial(
        pl.kernel,
        compiler_params=cp,
        out_type=jax.ShapeDtypeStruct((_NC, n, d), jnp.float32),
        mesh=mesh,
        scratch_types=[
            pltpu.VMEM((n_chunks, _CH), jnp.int32),
            pltpu.VMEM((4, _CH), jnp.int32),
            pltpu.VMEM((4 * _CH,), jnp.float32),
            pltpu.VMEM((2, _CH, d), jnp.float32),
            pltpu.SemaphoreType.DMA,
            pltpu.SemaphoreType.DMA,
            pltpu.SemaphoreType.DMA,
            pltpu.SemaphoreType.DMA,
            pltpu.SemaphoreType.DMA,
            pltpu.SemaphoreType.DMA,
            pltpu.VMEM_SHARED((n, d), jnp.float32),
        ],
    )
    def ek(h_hbm, src_hbm, dst_hbm, w_hbm, z_hbm, out_hbm,
           dst_all, src_r, w_r, rows, ga, gb, sa, sb, ia, ib, acc_sh):
        gsem = (ga, gb)
        ssem = (sa, sb)
        isem = (ia, ib)
        cid = lax.axis_index("c")
        sid = lax.axis_index("s")
        wid = cid * _NS + sid
        ebase = wid * per_w

        def idx_fetch(slot, c):
            pltpu.async_copy(src_hbm.at[pl.ds(ebase + c * _CH, _CH)],
                             src_r.at[slot], isem[slot % 2])
            pltpu.async_copy(w_hbm.at[pl.ds(ebase + c * _CH, _CH)],
                             w_r.at[pl.ds(slot * _CH, _CH)], isem[slot % 2])

        def idx_wait(slot):
            pltpu.make_async_copy(src_hbm.at[pl.ds(0, _CH)],
                                  src_r.at[slot],
                                  isem[slot % 2]).wait()
            pltpu.make_async_copy(w_hbm.at[pl.ds(0, _CH)],
                                  w_r.at[pl.ds(slot * _CH, _CH)],
                                  isem[slot % 2]).wait()

        def gather(buf, slot):
            pltpu.async_copy(h_hbm.at[src_r.at[slot]], rows.at[buf],
                             gsem[buf])

        def gather_wait(buf, slot):
            pltpu.make_async_copy(h_hbm.at[src_r.at[slot]], rows.at[buf],
                                  gsem[buf]).wait()

        pltpu.sync_copy(dst_hbm.at[pl.ds(wid * n_chunks, n_chunks)], dst_all)

        base = sid * slab

        @pl.when(sid < _NS - 1)
        def _():
            pltpu.sync_copy(z_hbm.at[pl.ds(base, slab)],
                            acc_sh.at[pl.ds(base, slab)])

        @pl.when(sid == _NS - 1)
        def _():
            pltpu.sync_copy(z_hbm.at[pl.ds((_NS - 1) * slab, last_slab)],
                            acc_sh.at[pl.ds((_NS - 1) * slab, last_slab)])

        plsc.subcore_barrier()

        idx_fetch(0, 0)
        idx_fetch(1, 1)
        idx_wait(0)
        gather(0, 0)

        @pl.loop(0, n_chunks, step=4)
        def _(g):
            for b in range(4):
                c = g + b
                buf = b % 2
                nbuf = (b + 1) % 2
                gather_wait(buf, b)

                @pl.when(c >= 1)
                def _():
                    pltpu.make_async_copy(
                        rows.at[nbuf], acc_sh.at[dst_all.at[c]],
                        ssem[nbuf]).wait()

                @pl.when(c + 1 < n_chunks)
                def _():
                    idx_wait((b + 1) % 4)
                    gather(nbuf, (b + 1) % 4)

                @pl.loop(0, _CH)
                def _(i):
                    idx = jnp.full((16,), b * _CH + i, jnp.int32)
                    wgt = plsc.load_gather(w_r, [idx])
                    for j in range(d // 16):
                        sl = (buf, i, pl.ds(16 * j, 16))
                        rows[sl] = rows[sl] * wgt

                pltpu.async_copy(rows.at[buf], acc_sh.at[dst_all.at[c]],
                                 ssem[buf], add=True)

                @pl.when(c + 2 < n_chunks)
                def _():
                    idx_fetch((b + 2) % 4, c + 2)

        pltpu.make_async_copy(rows.at[(n_chunks - 1) % 2],
                              acc_sh.at[dst_all.at[0]],
                              ssem[(n_chunks - 1) % 2]).wait()

        plsc.subcore_barrier()

        @pl.when(sid < _NS - 1)
        def _():
            pltpu.sync_copy(acc_sh.at[pl.ds(base, slab)],
                            out_hbm.at[cid, pl.ds(base, slab)])

        @pl.when(sid == _NS - 1)
        def _():
            pltpu.sync_copy(acc_sh.at[pl.ds((_NS - 1) * slab, last_slab)],
                            out_hbm.at[cid, pl.ds((_NS - 1) * slab, last_slab)])

    return ek(h, src_flat, dst2d, w_flat, zeros)


def kernel(x, edge_index, edge_weights, W1, b1, g1, bt1, W2, b2, g2, bt2):
    n, d = x.shape
    src = edge_index[0].astype(jnp.int32)
    dst = edge_index[1].astype(jnp.int32)
    w = edge_weights.astype(jnp.float32)

    e = src.shape[0]
    unit = _NC * _NS * _CH * 8
    e_pad = ((e + unit - 1) // unit) * unit
    pad = e_pad - e
    if pad:
        src = jnp.concatenate([src, jnp.zeros((pad,), jnp.int32)])
        dst = jnp.concatenate([dst, jnp.zeros((pad,), jnp.int32)])
        w = jnp.concatenate([w, jnp.zeros((pad,), jnp.float32)])
    dst = dst.reshape(e_pad // _CH, _CH)
    zeros = jnp.zeros((n, d), jnp.float32)

    h1 = _linear_relu(x, W1, b1)
    acc = _edge_pass(h1, src, dst, w, zeros)
    h2 = _combine_ln(h1, acc[0], acc[1], g1, bt1, W2, b2)
    acc = _edge_pass(h2, src, dst, w, zeros)
    return _combine_ln(h2, acc[0], acc[1], g2, bt2)

# --- scband reference (transcript-rebuilt; emitter-appended) ---
"""Pipeline reference for scband-dynamic-gcn-71382356459940 (READ-ONLY COPY).

The authoritative reference and input builder live on the scoring server;
editing this copy changes nothing except your own understanding.
"""

import jax, jax.numpy as jnp
import numpy as np

N = 10000
E = 320000
D = 128

def setup_inputs(seed: int = 0) -> dict:
    key = jax.random.key(seed)
    ks = jax.random.split(key, 12)
    x = jax.random.normal(ks[0], (N, D), dtype=jnp.float32)
    edge_index = jax.random.randint(ks[1], (2, E), 0, N, dtype=jnp.int64)
    edge_weights = jax.random.uniform(ks[2], (E,), dtype=jnp.float32)
    W1 = jax.random.normal(ks[3], (D, D), dtype=jnp.float32) * 0.02
    b1 = jnp.zeros((D,), dtype=jnp.float32)
    g1 = jnp.ones((D,), dtype=jnp.float32)
    bt1 = jnp.zeros((D,), dtype=jnp.float32)
    W2 = jax.random.normal(ks[4], (D, D), dtype=jnp.float32) * 0.02
    b2 = jnp.zeros((D,), dtype=jnp.float32)
    g2 = jnp.ones((D,), dtype=jnp.float32)
    bt2 = jnp.zeros((D,), dtype=jnp.float32)
    return {"x": x, "edge_index": edge_index, "edge_weights": edge_weights,
            "W1": W1, "b1": b1, "g1": g1, "bt1": bt1,
            "W2": W2, "b2": b2, "g2": g2, "bt2": bt2}

def _layer(x, edge_index, edge_weights, W, b, g, bt):
    h = x @ W + b
    h = jax.nn.relu(h)
    src = edge_index[0]
    dst = edge_index[1]
    # scatter-add of weighted source messages onto destinations
    # (torch loop reads original h for sources, so plain scatter-add is faithful)
    msg = edge_weights[:, None] * jnp.take(h, src, axis=0)
    h = h + jnp.zeros_like(h).at[dst].add(msg)
    # LayerNorm (eps=1e-5, biased variance, matching torch)
    mu = jnp.mean(h, axis=-1, keepdims=True)
    var = jnp.mean((h - mu) ** 2, axis=-1, keepdims=True)
    h = (h - mu) / jnp.sqrt(var + 1e-5) * g + bt
    # dropout is identity in eval mode
    return h

def reference(x, edge_index, edge_weights, W1, b1, g1, bt1, W2, b2, g2, bt2):
    h = _layer(x, edge_index, edge_weights, W1, b1, g1, bt1)
    h = _layer(h, edge_index, edge_weights, W2, b2, g2, bt2)
    return h

if __name__ == "__main__":
    import jax
    _d = setup_inputs()
    print(jax.jit(kernel)(*tuple(_d.values())))

</pallas_src>

<mosaic_0001>
#map = affine_map<(d0, d1) -> (0, 0)>
#map1 = affine_map<(d0, d1) -> (0)>
#map2 = affine_map<(d0, d1) -> (0, 0, 0)>
module attributes {stable_mosaic.version = 14 : i64} {
  func.func @ek(%arg0: i32, %arg1: i32, %arg2: memref<10000x128xf32, #tpu.memory_space<hbm>>, %arg3: memref<327680xi32, #tpu.memory_space<hbm>>, %arg4: memref<2560x128xi32, #tpu.memory_space<hbm>>, %arg5: memref<327680xf32, #tpu.memory_space<hbm>>, %arg6: memref<10000x128xf32, #tpu.memory_space<hbm>>, %arg7: memref<2x10000x128xf32, #tpu.memory_space<hbm>>, %arg8: memref<80x128xi32, #tpu.memory_space<vmem>>, %arg9: memref<4x128xi32, #tpu.memory_space<vmem>>, %arg10: memref<512xf32, #tpu.memory_space<vmem>>, %arg11: memref<2x128x128xf32, #tpu.memory_space<vmem>>, %arg12: memref<!tpu.dma_semaphore, #tpu.memory_space<semaphore_mem>>, %arg13: memref<!tpu.dma_semaphore, #tpu.memory_space<semaphore_mem>>, %arg14: memref<!tpu.dma_semaphore, #tpu.memory_space<semaphore_mem>>, %arg15: memref<!tpu.dma_semaphore, #tpu.memory_space<semaphore_mem>>, %arg16: memref<!tpu.dma_semaphore, #tpu.memory_space<semaphore_mem>>, %arg17: memref<!tpu.dma_semaphore, #tpu.memory_space<semaphore_mem>>, %arg18: memref<10000x128xf32, #tpu.memory_space<vmem_shared>>) attributes {dimension_semantics = [#tpu.dimension_semantics<core_parallel>, #tpu.dimension_semantics<subcore_parallel>], iteration_bounds = array<i64: 2, 16>, scalar_prefetch = 0 : i64, scratch_operands = 11 : i64, tpu.core_type = #tpu.core_type<sc_vector_subcore>, window_params = [{transform_indices = #map}, {transform_indices = #map1}, {transform_indices = #map}, {transform_indices = #map1}, {transform_indices = #map}, {transform_indices = #map2}]} {
    %mul3A = arith.constant 16 : i32
    %mul3A_0 = arith.muli %arg0, %mul3A : i32
    %add3A = arith.addi %mul3A_0, %arg1 : i32
    %mul3A_1 = arith.constant 10240 : i32
    %mul3A_2 = arith.muli %add3A, %mul3A_1 : i32
    %mul3A_3 = arith.constant 80 : i32
    %mul3A_4 = arith.muli %add3A, %mul3A_3 : i32
    "tpu.region"() ({
      %run_scoped3A = tpu.sem_alloc : memref<!tpu.dma_semaphore, #tpu.memory_space<semaphore_mem>>
      %dma_start3A_107 = arith.constant 0 : i32
      %dma_start3A_108 = tpu.memref_slice %arg4[%mul3A_4, %dma_start3A_107] : memref<2560x128xi32, #tpu.memory_space<hbm>> -> memref<80x128xi32, #tpu.memory_space<hbm>>
      %dma_start3A_109 = arith.constant 0 : i32
      %dma_start3A_110 = tpu.memref_slice %arg4[%mul3A_4, %dma_start3A_109] : memref<2560x128xi32, #tpu.memory_space<hbm>> -> memref<80x128xi32, #tpu.memory_space<hbm>>
      tpu.enqueue_dma source(%dma_start3A_110 : memref<80x128xi32, #tpu.memory_space<hbm>>) target(%arg8 : memref<80x128xi32, #tpu.memory_space<vmem>>) target_semaphore(%run_scoped3A : memref<!tpu.dma_semaphore, #tpu.memory_space<semaphore_mem>>)
      %dma_wait3A_111 = arith.constant 0 : i32
      %dma_wait3A_112 = tpu.memref_slice %arg4[%mul3A_4, %dma_wait3A_111] : memref<2560x128xi32, #tpu.memory_space<hbm>> -> memref<80x128xi32, #tpu.memory_space<hbm>>
      %dma_wait3A_113 = arith.constant 0 : i32
      %dma_wait3A_114 = tpu.memref_slice %arg4[%mul3A_4, %dma_wait3A_113] : memref<2560x128xi32, #tpu.memory_space<hbm>> -> memref<80x128xi32, #tpu.memory_space<hbm>>
      tpu.wait_dma2 semaphore(%run_scoped3A : memref<!tpu.dma_semaphore, #tpu.memory_space<semaphore_mem>>) src(%dma_wait3A_114 : memref<80x128xi32, #tpu.memory_space<hbm>>) dst(%arg8 : memref<80x128xi32, #tpu.memory_space<vmem>>)
      tpu.yield
    }) : () -> ()
    %mul3A_5 = arith.constant 632 : i32
    %mul3A_6 = arith.muli %arg1, %mul3A_5 : i32
    %lt3A = arith.constant 15 : i32
    %lt3A_7 = arith.cmpi slt, %arg1, %lt3A : i32
    %convert_element_type3A = arith.extui %lt3A_7 : i1 to i32
    %cond3A = arith.constant 0 : i32
    %cond3A_8 = arith.cmpi ne, %convert_element_type3A, %cond3A : i32
    scf.if %cond3A_8 {
      "tpu.region"() ({
        %run_scoped3A = tpu.sem_alloc : memref<!tpu.dma_semaphore, #tpu.memory_space<semaphore_mem>>
        %dma_start3A_107 = arith.constant 0 : i32
        %dma_start3A_108 = tpu.memref_slice %arg18[%mul3A_6, %dma_start3A_107] : memref<10000x128xf32, #tpu.memory_space<vmem_shared>> -> memref<632x128xf32, #tpu.memory_space<vmem_shared>>
        %dma_start3A_109 = arith.constant 0 : i32
        %dma_start3A_110 = tpu.memref_slice %arg6[%mul3A_6, %dma_start3A_109] : memref<10000x128xf32, #tpu.memory_space<hbm>> -> memref<632x128xf32, #tpu.memory_space<hbm>>
        tpu.enqueue_dma source(%dma_start3A_110 : memref<632x128xf32, #tpu.memory_space<hbm>>) target(%dma_start3A_108 : memref<632x128xf32, #tpu.memory_space<vmem_shared>>) target_semaphore(%run_scoped3A : memref<!tpu.dma_semaphore, #tpu.memory_space<semaphore_mem>>)
        %dma_wait3A_111 = arith.constant 0 : i32
        %dma_wait3A_112 = tpu.memref_slice %arg18[%mul3A_6, %dma_wait3A_111] : memref<10000x128xf32, #tpu.memory_space<vmem_shared>> -> memref<632x128xf32, #tpu.memory_space<vmem_shared>>
        %dma_wait3A_113 = arith.constant 0 : i32
        %dma_wait3A_114 = tpu.memref_slice %arg6[%mul3A_6, %dma_wait3A_113] : memref<10000x128xf32, #tpu.memory_space<hbm>> -> memref<632x128xf32, #tpu.memory_space<hbm>>
        tpu.wait_dma2 semaphore(%run_scoped3A : memref<!tpu.dma_semaphore, #tpu.memory_space<semaphore_mem>>) src(%dma_wait3A_114 : memref<632x128xf32, #tpu.memory_space<hbm>>) dst(%dma_wait3A_112 : memref<632x128xf32, #tpu.memory_space<vmem_shared>>)
        tpu.yield
      }) : () -> ()
    } else {
    }
    %eq3A = arith.constant 15 : i32
    %eq3A_9 = arith.cmpi eq, %arg1, %eq3A : i32
    %convert_element_type3A_10 = arith.extui %eq3A_9 : i1 to i32
    %cond3A_11 = arith.constant 0 : i32
    %cond3A_12 = arith.cmpi ne, %convert_element_type3A_10, %cond3A_11 : i32
    scf.if %cond3A_12 {
      "tpu.region"() ({
        %run_scoped3A = tpu.sem_alloc : memref<!tpu.dma_semaphore, #tpu.memory_space<semaphore_mem>>
        %dma_start3A_107 = arith.constant 9480 : i32
        %dma_start3A_108 = arith.constant 0 : i32
        %dma_start3A_109 = tpu.memref_slice %arg18[%dma_start3A_107, %dma_start3A_108] : memref<10000x128xf32, #tpu.memory_space<vmem_shared>> -> memref<520x128xf32, #tpu.memory_space<vmem_shared>>
        %dma_start3A_110 = arith.constant 9480 : i32
        %dma_start3A_111 = arith.constant 0 : i32
        %dma_start3A_112 = tpu.memref_slice %arg6[%dma_start3A_110, %dma_start3A_111] : memref<10000x128xf32, #tpu.memory_space<hbm>> -> memref<520x128xf32, #tpu.memory_space<hbm>>
        tpu.enqueue_dma source(%dma_start3A_112 : memref<520x128xf32, #tpu.memory_space<hbm>>) target(%dma_start3A_109 : memref<520x128xf32, #tpu.memory_space<vmem_shared>>) target_semaphore(%run_scoped3A : memref<!tpu.dma_semaphore, #tpu.memory_space<semaphore_mem>>)
        %dma_wait3A_113 = arith.constant 9480 : i32
        %dma_wait3A_114 = arith.constant 0 : i32
        %dma_wait3A_115 = tpu.memref_slice %arg18[%dma_wait3A_113, %dma_wait3A_114] : memref<10000x128xf32, #tpu.memory_space<vmem_shared>> -> memref<520x128xf32, #tpu.memory_space<vmem_shared>>
        %dma_wait3A_116 = arith.constant 9480 : i32
        %dma_wait3A_117 = arith.constant 0 : i32
        %dma_wait3A_118 = tpu.memref_slice %arg6[%dma_wait3A_116, %dma_wait3A_117] : memref<10000x128xf32, #tpu.memory_space<hbm>> -> memref<520x128xf32, #tpu.memory_space<hbm>>
        tpu.wait_dma2 semaphore(%run_scoped3A : memref<!tpu.dma_semaphore, #tpu.memory_space<semaphore_mem>>) src(%dma_wait3A_118 : memref<520x128xf32, #tpu.memory_space<hbm>>) dst(%dma_wait3A_115 : memref<520x128xf32, #tpu.memory_space<vmem_shared>>)
        tpu.yield
      }) : () -> ()
    } else {
    }
    %barrier3A = arith.constant 0 : index
    tpu.barrier barrier_id(%barrier3A)
    %add3A_13 = arith.constant 0 : i32
    %add3A_14 = arith.addi %mul3A_2, %add3A_13 : i32
    %dma_start3A = arith.constant 0 : i32
    %dma_start3A_15 = arith.constant 0 : i32
    %dma_start3A_16 = tpu.memref_slice %arg9[%dma_start3A, %dma_start3A_15] : memref<4x128xi32, #tpu.memory_space<vmem>> -> memref<1x128xi32, #tpu.memory_space<vmem>>
    %dma_start3A_17 = tpu.memref_squeeze %dma_start3A_16 : memref<1x128xi32, #tpu.memory_space<vmem>> -> memref<128xi32, #tpu.memory_space<vmem>>
    %dma_start3A_18 = tpu.memref_slice %arg3[%add3A_14] : memref<327680xi32, #tpu.memory_space<hbm>> -> memref<128xi32, #tpu.memory_space<hbm>>
    %dma_start3A_19 = arith.constant 0 : i32
    %dma_start3A_20 = tpu.memref_slice %arg9[%dma_start3A, %dma_start3A_19] : memref<4x128xi32, #tpu.memory_space<vmem>> -> memref<1x128xi32, #tpu.memory_space<vmem>>
    %dma_start3A_21 = tpu.memref_squeeze %dma_start3A_20 : memref<1x128xi32, #tpu.memory_space<vmem>> -> memref<128xi32, #tpu.memory_space<vmem>>
    %dma_start3A_22 = tpu.memref_slice %arg3[%add3A_14] : memref<327680xi32, #tpu.memory_space<hbm>> -> memref<128xi32, #tpu.memory_space<hbm>>
    tpu.enqueue_dma source(%dma_start3A_22 : memref<128xi32, #tpu.memory_space<hbm>>) target(%dma_start3A_21 : memref<128xi32, #tpu.memory_space<vmem>>) target_semaphore(%arg16 : memref<!tpu.dma_semaphore, #tpu.memory_space<semaphore_mem>>)
    %add3A_23 = arith.constant 0 : i32
    %add3A_24 = arith.addi %mul3A_2, %add3A_23 : i32
    %dma_start3A_25 = arith.constant 0 : i32
    %dma_start3A_26 = tpu.memref_slice %arg10[%dma_start3A_25] : memref<512xf32, #tpu.memory_space<vmem>> -> memref<128xf32, #tpu.memory_space<vmem>>
    %dma_start3A_27 = tpu.memref_slice %arg5[%add3A_24] : memref<327680xf32, #tpu.memory_space<hbm>> -> memref<128xf32, #tpu.memory_space<hbm>>
    %dma_start3A_28 = arith.constant 0 : i32
    %dma_start3A_29 = tpu.memref_slice %arg10[%dma_start3A_28] : memref<512xf32, #tpu.memory_space<vmem>> -> memref<128xf32, #tpu.memory_space<vmem>>
    %dma_start3A_30 = tpu.memref_slice %arg5[%add3A_24] : memref<327680xf32, #tpu.memory_space<hbm>> -> memref<128xf32, #tpu.memory_space<hbm>>
    tpu.enqueue_dma source(%dma_start3A_30 : memref<128xf32, #tpu.memory_space<hbm>>) target(%dma_start3A_29 : memref<128xf32, #tpu.memory_space<vmem>>) target_semaphore(%arg16 : memref<!tpu.dma_semaphore, #tpu.memory_space<semaphore_mem>>)
    %add3A_31 = arith.constant 128 : i32
    %add3A_32 = arith.addi %mul3A_2, %add3A_31 : i32
    %dma_start3A_33 = arith.constant 1 : i32
    %dma_start3A_34 = arith.constant 0 : i32
    %dma_start3A_35 = tpu.memref_slice %arg9[%dma_start3A_33, %dma_start3A_34] : memref<4x128xi32, #tpu.memory_space<vmem>> -> memref<1x128xi32, #tpu.memory_space<vmem>>
    %dma_start3A_36 = tpu.memref_squeeze %dma_start3A_35 : memref<1x128xi32, #tpu.memory_space<vmem>> -> memref<128xi32, #tpu.memory_space<vmem>>
    %dma_start3A_37 = tpu.memref_slice %arg3[%add3A_32] : memref<327680xi32, #tpu.memory_space<hbm>> -> memref<128xi32, #tpu.memory_space<hbm>>
    %dma_start3A_38 = arith.constant 0 : i32
    %dma_start3A_39 = tpu.memref_slice %arg9[%dma_start3A_33, %dma_start3A_38] : memref<4x128xi32, #tpu.memory_space<vmem>> -> memref<1x128xi32, #tpu.memory_space<vmem>>
    %dma_start3A_40 = tpu.memref_squeeze %dma_start3A_39 : memref<1x128xi32, #tpu.memory_space<vmem>> -> memref<128xi32, #tpu.memory_space<vmem>>
    %dma_start3A_41 = tpu.memref_slice %arg3[%add3A_32] : memref<327680xi32, #tpu.memory_space<hbm>> -> memref<128xi32, #tpu.memory_space<hbm>>
    tpu.enqueue_dma source(%dma_start3A_41 : memref<128xi32, #tpu.memory_space<hbm>>) target(%dma_start3A_40 : memref<128xi32, #tpu.memory_space<vmem>>) target_semaphore(%arg17 : memref<!tpu.dma_semaphore, #tpu.memory_space<semaphore_mem>>)
    %add3A_42 = arith.constant 128 : i32
    %add3A_43 = arith.addi %mul3A_2, %add3A_42 : i32
    %dma_start3A_44 = arith.constant 128 : i32
    %dma_start3A_45 = tpu.memref_slice %arg10[%dma_start3A_44] : memref<512xf32, #tpu.memory_space<vmem>> -> memref<128xf32, #tpu.memory_space<vmem>>
    %dma_start3A_46 = tpu.memref_slice %arg5[%add3A_43] : memref<327680xf32, #tpu.memory_space<hbm>> -> memref<128xf32, #tpu.memory_space<hbm>>
    %dma_start3A_47 = arith.constant 128 : i32
    %dma_start3A_48 = tpu.memref_slice %arg10[%dma_start3A_47] : memref<512xf32, #tpu.memory_space<vmem>> -> memref<128xf32, #tpu.memory_space<vmem>>
    %dma_start3A_49 = tpu.memref_slice %arg5[%add3A_43] : memref<327680xf32, #tpu.memory_space<hbm>> -> memref<128xf32, #tpu.memory_space<hbm>>
    tpu.enqueue_dma source(%dma_start3A_49 : memref<128xf32, #tpu.memory_space<hbm>>) target(%dma_start3A_48 : memref<128xf32, #tpu.memory_space<vmem>>) target_semaphore(%arg17 : memref<!tpu.dma_semaphore, #tpu.memory_space<semaphore_mem>>)
    %dma_wait3A = arith.constant 0 : i32
    %dma_wait3A_50 = arith.constant 0 : i32
    %dma_wait3A_51 = tpu.memref_slice %arg9[%dma_wait3A, %dma_wait3A_50] : memref<4x128xi32, #tpu.memory_space<vmem>> -> memref<1x128xi32, #tpu.memory_space<vmem>>
    %dma_wait3A_52 = tpu.memref_squeeze %dma_wait3A_51 : memref<1x128xi32, #tpu.memory_space<vmem>> -> memref<128xi32, #tpu.memory_space<vmem>>
    %dma_wait3A_53 = arith.constant 0 : i32
    %dma_wait3A_54 = tpu.memref_slice %arg3[%dma_wait3A_53] : memref<327680xi32, #tpu.memory_space<hbm>> -> memref<128xi32, #tpu.memory_space<hbm>>
    %dma_wait3A_55 = arith.constant 0 : i32
    %dma_wait3A_56 = tpu.memref_slice %arg9[%dma_wait3A, %dma_wait3A_55] : memref<4x128xi32, #tpu.memory_space<vmem>> -> memref<1x128xi32, #tpu.memory_space<vmem>>
    %dma_wait3A_57 = tpu.memref_squeeze %dma_wait3A_56 : memref<1x128xi32, #tpu.memory_space<vmem>> -> memref<128xi32, #tpu.memory_space<vmem>>
    %dma_wait3A_58 = arith.constant 0 : i32
    %dma_wait3A_59 = tpu.memref_slice %arg3[%dma_wait3A_58] : memref<327680xi32, #tpu.memory_space<hbm>> -> memref<128xi32, #tpu.memory_space<hbm>>
    tpu.wait_dma2 semaphore(%arg16 : memref<!tpu.dma_semaphore, #tpu.memory_space<semaphore_mem>>) src(%dma_wait3A_59 : memref<128xi32, #tpu.memory_space<hbm>>) dst(%dma_wait3A_57 : memref<128xi32, #tpu.memory_space<vmem>>)
    %dma_wait3A_60 = arith.constant 0 : i32
    %dma_wait3A_61 = tpu.memref_slice %arg10[%dma_wait3A_60] : memref<512xf32, #tpu.memory_space<vmem>> -> memref<128xf32, #tpu.memory_space<vmem>>
    %dma_wait3A_62 = arith.constant 0 : i32
    %dma_wait3A_63 = tpu.memref_slice %arg5[%dma_wait3A_62] : memref<327680xf32, #tpu.memory_space<hbm>> -> memref<128xf32, #tpu.memory_space<hbm>>
    %dma_wait3A_64 = arith.constant 0 : i32
    %dma_wait3A_65 = tpu.memref_slice %arg10[%dma_wait3A_64] : memref<512xf32, #tpu.memory_space<vmem>> -> memref<128xf32, #tpu.memory_space<vmem>>
    %dma_wait3A_66 = arith.constant 0 : i32
    %dma_wait3A_67 = tpu.memref_slice %arg5[%dma_wait3A_66] : memref<327680xf32, #tpu.memory_space<hbm>> -> memref<128xf32, #tpu.memory_space<hbm>>
    tpu.wait_dma2 semaphore(%arg16 : memref<!tpu.dma_semaphore, #tpu.memory_space<semaphore_mem>>) src(%dma_wait3A_67 : memref<128xf32, #tpu.memory_space<hbm>>) dst(%dma_wait3A_65 : memref<128xf32, #tpu.memory_space<vmem>>)
    %dma_start3A_68 = arith.constant 0 : i32
    %dma_start3A_69 = arith.constant 0 : i32
    %dma_start3A_70 = arith.constant 0 : i32
    %dma_start3A_71 = arith.constant 0 : i32
    %dma_start3A_72 = tpu.memref_slice %arg11[%dma_start3A_69, %dma_start3A_70, %dma_start3A_71] : memref<2x128x128xf32, #tpu.memory_space<vmem>> -> memref<1x128x128xf32, #tpu.memory_space<vmem>>
    %dma_start3A_73 = tpu.memref_squeeze %dma_start3A_72 : memref<1x128x128xf32, #tpu.memory_space<vmem>> -> memref<128x128xf32, #tpu.memory_space<vmem>>
    %dma_start3A_74 = arith.constant 0 : i32
    %dma_start3A_75 = tpu.memref_slice %arg9[%dma_start3A_68, %dma_start3A_74] : memref<4x128xi32, #tpu.memory_space<vmem>> -> memref<1x128xi32, #tpu.memory_space<vmem>>
    %dma_start3A_76 = tpu.memref_squeeze %dma_start3A_75 : memref<1x128xi32, #tpu.memory_space<vmem>> -> memref<128xi32, #tpu.memory_space<vmem>>
    %dma_start3A_77 = arith.constant 0 : i32
    %dma_start3A_78 = arith.constant 0 : i32
    %dma_start3A_79 = tpu.memref_slice %arg2[%dma_start3A_77, %dma_start3A_78] : memref<10000x128xf32, #tpu.memory_space<hbm>> -> memref<10000x128xf32, #tpu.memory_space<hbm>>
    tpu.enqueue_indirect_dma source(%dma_start3A_79 : memref<10000x128xf32, #tpu.memory_space<hbm>>) target(%dma_start3A_73 : memref<128x128xf32, #tpu.memory_space<vmem>>) offsets(%dma_start3A_76 : memref<128xi32, #tpu.memory_space<vmem>>) semaphore(%arg12 : memref<!tpu.dma_semaphore, #tpu.memory_space<semaphore_mem>>)
    %scan3A = arith.constant 0 : i32
    %scan3A_80 = arith.constant 20 : i32
    %scan3A_81 = arith.addi %scan3A, %scan3A_80 : i32
    %scan3A_82 = arith.constant 1 : i32
    scf.for %scan3A_107 = %scan3A to %scan3A_81 step %scan3A_82  : i32 {
      %mul3A_108 = arith.constant 4 : i32
      %mul3A_109 = arith.muli %scan3A_107, %mul3A_108 : i32
      %add3A_110 = arith.constant 0 : i32
      %add3A_111 = arith.addi %add3A_110, %mul3A_109 : i32
      %add3A_112 = arith.constant 0 : i32
      %add3A_113 = arith.addi %add3A_111, %add3A_112 : i32
      %dma_wait3A_114 = arith.constant 0 : i32
      %dma_wait3A_115 = arith.constant 0 : i32
      %dma_wait3A_116 = arith.constant 0 : i32
      %dma_wait3A_117 = arith.constant 0 : i32
      %dma_wait3A_118 = tpu.memref_slice %arg11[%dma_wait3A_115, %dma_wait3A_116, %dma_wait3A_117] : memref<2x128x128xf32, #tpu.memory_space<vmem>> -> memref<1x128x128xf32, #tpu.memory_space<vmem>>
      %dma_wait3A_119 = tpu.memref_squeeze %dma_wait3A_118 : memref<1x128x128xf32, #tpu.memory_space<vmem>> -> memref<128x128xf32, #tpu.memory_space<vmem>>
      %dma_wait3A_120 = arith.constant 0 : i32
      %dma_wait3A_121 = tpu.memref_slice %arg9[%dma_wait3A_114, %dma_wait3A_120] : memref<4x128xi32, #tpu.memory_space<vmem>> -> memref<1x128xi32, #tpu.memory_space<vmem>>
      %dma_wait3A_122 = tpu.memref_squeeze %dma_wait3A_121 : memref<1x128xi32, #tpu.memory_space<vmem>> -> memref<128xi32, #tpu.memory_space<vmem>>
      %dma_wait3A_123 = arith.constant 0 : i32
      %dma_wait3A_124 = arith.constant 0 : i32
      %dma_wait3A_125 = tpu.memref_slice %arg2[%dma_wait3A_123, %dma_wait3A_124] : memref<10000x128xf32, #tpu.memory_space<hbm>> -> memref<10000x128xf32, #tpu.memory_space<hbm>>
      tpu.wait_indirect_dma semaphore(%arg12 : memref<!tpu.dma_semaphore, #tpu.memory_space<semaphore_mem>>) src(%dma_wait3A_125 : memref<10000x128xf32, #tpu.memory_space<hbm>>) dst(%dma_wait3A_119 : memref<128x128xf32, #tpu.memory_space<vmem>>)
      %ge3A = arith.constant 1 : i32
      %ge3A_126 = arith.cmpi sge, %add3A_113, %ge3A : i32
      %convert_element_type3A_127 = arith.extui %ge3A_126 : i1 to i32
      %cond3A_128 = arith.constant 0 : i32
      %cond3A_129 = arith.cmpi ne, %convert_element_type3A_127, %cond3A_128 : i32
      scf.if %cond3A_129 {
        %dma_wait3A_307 = arith.constant 1 : i32
        %dma_wait3A_308 = arith.constant 0 : i32
        %dma_wait3A_309 = arith.constant 0 : i32
        %dma_wait3A_310 = tpu.memref_slice %arg11[%dma_wait3A_307, %dma_wait3A_308, %dma_wait3A_309] : memref<2x128x128xf32, #tpu.memory_space<vmem>> -> memref<1x128x128xf32, #tpu.memory_space<vmem>>
        %dma_wait3A_311 = tpu.memref_squeeze %dma_wait3A_310 : memref<1x128x128xf32, #tpu.memory_space<vmem>> -> memref<128x128xf32, #tpu.memory_space<vmem>>
        %dma_wait3A_312 = arith.constant 0 : i32
        %dma_wait3A_313 = tpu.memref_slice %arg8[%add3A_113, %dma_wait3A_312] : memref<80x128xi32, #tpu.memory_space<vmem>> -> memref<1x128xi32, #tpu.memory_space<vmem>>
        %dma_wait3A_314 = tpu.memref_squeeze %dma_wait3A_313 : memref<1x128xi32, #tpu.memory_space<vmem>> -> memref<128xi32, #tpu.memory_space<vmem>>
        %dma_wait3A_315 = arith.constant 0 : i32
        %dma_wait3A_316 = arith.constant 0 : i32
        %dma_wait3A_317 = tpu.memref_slice %arg18[%dma_wait3A_315, %dma_wait3A_316] : memref<10000x128xf32, #tpu.memory_space<vmem_shared>> -> memref<10000x128xf32, #tpu.memory_space<vmem_shared>>
        tpu.wait_indirect_dma semaphore(%arg15 : memref<!tpu.dma_semaphore, #tpu.memory_space<semaphore_mem>>) src(%dma_wait3A_311 : memref<128x128xf32, #tpu.memory_space<vmem>>) dst(%dma_wait3A_317 : memref<10000x128xf32, #tpu.memory_space<vmem_shared>>)
      } else {
      }
      %add3A_130 = arith.constant 1 : i32
      %add3A_131 = arith.addi %add3A_113, %add3A_130 : i32
      %lt3A_132 = arith.constant 80 : i32
      %lt3A_133 = arith.cmpi slt, %add3A_131, %lt3A_132 : i32
      %convert_element_type3A_134 = arith.extui %lt3A_133 : i1 to i32
      %cond3A_135 = arith.constant 0 : i32
      %cond3A_136 = arith.cmpi ne, %convert_element_type3A_134, %cond3A_135 : i32
      scf.if %cond3A_136 {
        %dma_wait3A_307 = arith.constant 1 : i32
        %dma_wait3A_308 = arith.constant 0 : i32
        %dma_wait3A_309 = tpu.memref_slice %arg9[%dma_wait3A_307, %dma_wait3A_308] : memref<4x128xi32, #tpu.memory_space<vmem>> -> memref<1x128xi32, #tpu.memory_space<vmem>>
        %dma_wait3A_310 = tpu.memref_squeeze %dma_wait3A_309 : memref<1x128xi32, #tpu.memory_space<vmem>> -> memref<128xi32, #tpu.memory_space<vmem>>
        %dma_wait3A_311 = arith.constant 0 : i32
        %dma_wait3A_312 = tpu.memref_slice %arg3[%dma_wait3A_311] : memref<327680xi32, #tpu.memory_space<hbm>> -> memref<128xi32, #tpu.memory_space<hbm>>
        %dma_wait3A_313 = arith.constant 0 : i32
        %dma_wait3A_314 = tpu.memref_slice %arg9[%dma_wait3A_307, %dma_wait3A_313] : memref<4x128xi32, #tpu.memory_space<vmem>> -> memref<1x128xi32, #tpu.memory_space<vmem>>
        %dma_wait3A_315 = tpu.memref_squeeze %dma_wait3A_314 : memref<1x128xi32, #tpu.memory_space<vmem>> -> memref<128xi32, #tpu.memory_space<vmem>>
        %dma_wait3A_316 = arith.constant 0 : i32
        %dma_wait3A_317 = tpu.memref_slice %arg3[%dma_wait3A_316] : memref<327680xi32, #tpu.memory_space<hbm>> -> memref<128xi32, #tpu.memory_space<hbm>>
        tpu.wait_dma2 semaphore(%arg17 : memref<!tpu.dma_semaphore, #tpu.memory_space<semaphore_mem>>) src(%dma_wait3A_317 : memref<128xi32, #tpu.memory_space<hbm>>) dst(%dma_wait3A_315 : memref<128xi32, #tpu.memory_space<vmem>>)
        %dma_wait3A_318 = arith.constant 128 : i32
        %dma_wait3A_319 = tpu.memref_slice %arg10[%dma_wait3A_318] : memref<512xf32, #tpu.memory_space<vmem>> -> memref<128xf32, #tpu.memory_space<vmem>>
        %dma_wait3A_320 = arith.constant 0 : i32
        %dma_wait3A_321 = tpu.memref_slice %arg5[%dma_wait3A_320] : memref<327680xf32, #tpu.memory_space<hbm>> -> memref<128xf32, #tpu.memory_space<hbm>>
        %dma_wait3A_322 = arith.constant 128 : i32
        %dma_wait3A_323 = tpu.memref_slice %arg10[%dma_wait3A_322] : memref<512xf32, #tpu.memory_space<vmem>> -> memref<128xf32, #tpu.memory_space<vmem>>
        %dma_wait3A_324 = arith.constant 0 : i32
        %dma_wait3A_325 = tpu.memref_slice %arg5[%dma_wait3A_324] : memref<327680xf32, #tpu.memory_space<hbm>> -> memref<128xf32, #tpu.memory_space<hbm>>
        tpu.wait_dma2 semaphore(%arg17 : memref<!tpu.dma_semaphore, #tpu.memory_space<semaphore_mem>>) src(%dma_wait3A_325 : memref<128xf32, #tpu.memory_space<hbm>>) dst(%dma_wait3A_323 : memref<128xf32, #tpu.memory_space<vmem>>)
        %dma_start3A_326 = arith.constant 1 : i32
        %dma_start3A_327 = arith.constant 1 : i32
        %dma_start3A_328 = arith.constant 0 : i32
        %dma_start3A_329 = arith.constant 0 : i32
        %dma_start3A_330 = tpu.memref_slice %arg11[%dma_start3A_327, %dma_start3A_328, %dma_start3A_329] : memref<2x128x128xf32, #tpu.memory_space<vmem>> -> memref<1x128x128xf32, #tpu.memory_space<vmem>>
        %dma_start3A_331 = tpu.memref_squeeze %dma_start3A_330 : memref<1x128x128xf32, #tpu.memory_space<vmem>> -> memref<128x128xf32, #tpu.memory_space<vmem>>
        %dma_start3A_332 = arith.constant 0 : i32
        %dma_start3A_333 = tpu.memref_slice %arg9[%dma_start3A_326, %dma_start3A_332] : memref<4x128xi32, #tpu.memory_space<vmem>> -> memref<1x128xi32, #tpu.memory_space<vmem>>
        %dma_start3A_334 = tpu.memref_squeeze %dma_start3A_333 : memref<1x128xi32, #tpu.memory_space<vmem>> -> memref<128xi32, #tpu.memory_space<vmem>>
        %dma_start3A_335 = arith.constant 0 : i32
        %dma_start3A_336 = arith.constant 0 : i32
        %dma_start3A_337 = tpu.memref_slice %arg2[%dma_start3A_335, %dma_start3A_336] : memref<10000x128xf32, #tpu.memory_space<hbm>> -> memref<10000x128xf32, #tpu.memory_space<hbm>>
        tpu.enqueue_indirect_dma source(%dma_start3A_337 : memref<10000x128xf32, #tpu.memory_space<hbm>>) target(%dma_start3A_331 : memref<128x128xf32, #tpu.memory_space<vmem>>) offsets(%dma_start3A_334 : memref<128xi32, #tpu.memory_space<vmem>>) semaphore(%arg13 : memref<!tpu.dma_semaphore, #tpu.memory_space<semaphore_mem>>)
      } else {
      }
      %scan3A_137 = arith.constant 0 : i32
      %scan3A_138 = arith.constant 128 : i32
      %scan3A_139 = arith.addi %scan3A_137, %scan3A_138 : i32
      %scan3A_140 = arith.constant 1 : i32
      scf.for %scan3A_307 = %scan3A_137 to %scan3A_139 step %scan3A_140  : i32 {
        %mul3A_308 = arith.constant 1 : i32
        %mul3A_309 = arith.muli %scan3A_307, %mul3A_308 : i32
        %add3A_310 = arith.constant 0 : i32
        %add3A_311 = arith.addi %add3A_310, %mul3A_309 : i32
        %add3A_312 = arith.constant 0 : i32
        %add3A_313 = arith.addi %add3A_312, %add3A_311 : i32
        %broadcast_in_dim3A = vector.broadcast %add3A_313 : i32 to vector<16xi32>
        %gather3A = tpu.vector_load_idx %arg10[%broadcast_in_dim3A] : memref<512xf32, #tpu.memory_space<vmem>>[vector<16xi32>], vector<16xf32>,
        %get3A = arith.constant 0 : i32
        %get3A_314 = arith.index_cast %get3A : i32 to index
        %get3A_315 = arith.index_cast %add3A_311 : i32 to index
        %get3A_316 = arith.constant 0 : index
        %get3A_317 = tpu.vector_load %arg11[%get3A_314, %get3A_315, %get3A_316] {strides = array<i32>} : memref<2x128x128xf32, #tpu.memory_space<vmem>>, vector<16xf32>,
        %mul3A_318 = arith.mulf %get3A_317, %gather3A : vector<16xf32>
        %swap3A = arith.constant 0 : i32
        %swap3A_319 = arith.index_cast %swap3A : i32 to index
        %swap3A_320 = arith.index_cast %add3A_311 : i32 to index
        %swap3A_321 = arith.constant 0 : index
        %swap3A_322 = tpu.vector_load %arg11[%swap3A_319, %swap3A_320, %swap3A_321] {strides = array<i32>} : memref<2x128x128xf32, #tpu.memory_space<vmem>>, vector<16xf32>,
        tpu.vector_store %arg11[%swap3A_319, %swap3A_320, %swap3A_321], %mul3A_318 {strides = array<i32>} : memref<2x128x128xf32, #tpu.memory_space<vmem>>, vector<16xf32>,
        %get3A_323 = arith.constant 0 : i32
        %get3A_324 = arith.index_cast %get3A_323 : i32 to index
        %get3A_325 = arith.index_cast %add3A_311 : i32 to index
        %get3A_326 = arith.constant 16 : index
        %get3A_327 = tpu.vector_load %arg11[%get3A_324, %get3A_325, %get3A_326] {strides = array<i32>} : memref<2x128x128xf32, #tpu.memory_space<vmem>>, vector<16xf32>,
        %mul3A_328 = arith.mulf %get3A_327, %gather3A : vector<16xf32>
        %swap3A_329 = arith.constant 0 : i32
        %swap3A_330 = arith.index_cast %swap3A_329 : i32 to index
        %swap3A_331 = arith.index_cast %add3A_311 : i32 to index
        %swap3A_332 = arith.constant 16 : index
        %swap3A_333 = tpu.vector_load %arg11[%swap3A_330, %swap3A_331, %swap3A_332] {strides = array<i32>} : memref<2x128x128xf32, #tpu.memory_space<vmem>>, vector<16xf32>,
        tpu.vector_store %arg11[%swap3A_330, %swap3A_331, %swap3A_332], %mul3A_328 {strides = array<i32>} : memref<2x128x128xf32, #tpu.memory_space<vmem>>, vector<16xf32>,
        %get3A_334 = arith.constant 0 : i32
        %get3A_335 = arith.index_cast %get3A_334 : i32 to index
        %get3A_336 = arith.index_cast %add3A_311 : i32 to index
        %get3A_337 = arith.constant 32 : index
        %get3A_338 = tpu.vector_load %arg11[%get3A_335, %get3A_336, %get3A_337] {strides = array<i32>} : memref<2x128x128xf32, #tpu.memory_space<vmem>>, vector<16xf32>,
        %mul3A_339 = arith.mulf %get3A_338, %gather3A : vector<16xf32>
        %swap3A_340 = arith.constant 0 : i32
        %swap3A_341 = arith.index_cast %swap3A_340 : i32 to index
        %swap3A_342 = arith.index_cast %add3A_311 : i32 to index
        %swap3A_343 = arith.constant 32 : index
        %swap3A_344 = tpu.vector_load %arg11[%swap3A_341, %swap3A_342, %swap3A_343] {strides = array<i32>} : memref<2x128x128xf32, #tpu.memory_space<vmem>>, vector<16xf32>,
        tpu.vector_store %arg11[%swap3A_341, %swap3A_342, %swap3A_343], %mul3A_339 {strides = array<i32>} : memref<2x128x128xf32, #tpu.memory_space<vmem>>, vector<16xf32>,
        %get3A_345 = arith.constant 0 : i32
        %get3A_346 = arith.index_cast %get3A_345 : i32 to index
        %get3A_347 = arith.index_cast %add3A_311 : i32 to index
        %get3A_348 = arith.constant 48 : index
        %get3A_349 = tpu.vector_load %arg11[%get3A_346, %get3A_347, %get3A_348] {strides = array<i32>} : memref<2x128x128xf32, #tpu.memory_space<vmem>>, vector<16xf32>,
        %mul3A_350 = arith.mulf %get3A_349, %gather3A : vector<16xf32>
        %swap3A_351 = arith.constant 0 : i32
        %swap3A_352 = arith.index_cast %swap3A_351 : i32 to index
        %swap3A_353 = arith.index_cast %add3A_311 : i32 to index
        %swap3A_354 = arith.constant 48 : index
        %swap3A_355 = tpu.vector_load %arg11[%swap3A_352, %swap3A_353, %swap3A_354] {strides = array<i32>} : memref<2x128x128xf32, #tpu.memory_space<vmem>>, vector<16xf32>,
        tpu.vector_store %arg11[%swap3A_352, %swap3A_353, %swap3A_354], %mul3A_350 {strides = array<i32>} : memref<2x128x128xf32, #tpu.memory_space<vmem>>, vector<16xf32>,
        %get3A_356 = arith.constant 0 : i32
        %get3A_357 = arith.index_cast %get3A_356 : i32 to index
        %get3A_358 = arith.index_cast %add3A_311 : i32 to index
        %get3A_359 = arith.constant 64 : index
        %get3A_360 = tpu.vector_load %arg11[%get3A_357, %get3A_358, %get3A_359] {strides = array<i32>} : memref<2x128x128xf32, #tpu.memory_space<vmem>>, vector<16xf32>,
        %mul3A_361 = arith.mulf %get3A_360, %gather3A : vector<16xf32>
        %swap3A_362 = arith.constant 0 : i32
        %swap3A_363 = arith.index_cast %swap3A_362 : i32 to index
        %swap3A_364 = arith.index_cast %add3A_311 : i32 to index
        %swap3A_365 = arith.constant 64 : index
        %swap3A_366 = tpu.vector_load %arg11[%swap3A_363, %swap3A_364, %swap3A_365] {strides = array<i32>} : memref<2x128x128xf32, #tpu.memory_space<vmem>>, vector<16xf32>,
        tpu.vector_store %arg11[%swap3A_363, %swap3A_364, %swap3A_365], %mul3A_361 {strides = array<i32>} : memref<2x128x128xf32, #tpu.memory_space<vmem>>, vector<16xf32>,
        %get3A_367 = arith.constant 0 : i32
        %get3A_368 = arith.index_cast %get3A_367 : i32 to index
        %get3A_369 = arith.index_cast %add3A_311 : i32 to index
        %get3A_370 = arith.constant 80 : index
        %get3A_371 = tpu.vector_load %arg11[%get3A_368, %get3A_369, %get3A_370] {strides = array<i32>} : memref<2x128x128xf32, #tpu.memory_space<vmem>>, vector<16xf32>,
        %mul3A_372 = arith.mulf %get3A_371, %gather3A : vector<16xf32>
        %swap3A_373 = arith.constant 0 : i32
        %swap3A_374 = arith.index_cast %swap3A_373 : i32 to index
        %swap3A_375 = arith.index_cast %add3A_311 : i32 to index
        %swap3A_376 = arith.constant 80 : index
        %swap3A_377 = tpu.vector_load %arg11[%swap3A_374, %swap3A_375, %swap3A_376] {strides = array<i32>} : memref<2x128x128xf32, #tpu.memory_space<vmem>>, vector<16xf32>,
        tpu.vector_store %arg11[%swap3A_374, %swap3A_375, %swap3A_376], %mul3A_372 {strides = array<i32>} : memref<2x128x128xf32, #tpu.memory_space<vmem>>, vector<16xf32>,
        %get3A_378 = arith.constant 0 : i32
        %get3A_379 = arith.index_cast %get3A_378 : i32 to index
        %get3A_380 = arith.index_cast %add3A_311 : i32 to index
        %get3A_381 = arith.constant 96 : index
        %get3A_382 = tpu.vector_load %arg11[%get3A_379, %get3A_380, %get3A_381] {strides = array<i32>} : memref<2x128x128xf32, #tpu.memory_space<vmem>>, vector<16xf32>,
        %mul3A_383 = arith.mulf %get3A_382, %gather3A : vector<16xf32>
        %swap3A_384 = arith.constant 0 : i32
        %swap3A_385 = arith.index_cast %swap3A_384 : i32 to index
        %swap3A_386 = arith.index_cast %add3A_311 : i32 to index
        %swap3A_387 = arith.constant 96 : index
        %swap3A_388 = tpu.vector_load %arg11[%swap3A_385, %swap3A_386, %swap3A_387] {strides = array<i32>} : memref<2x128x128xf32, #tpu.memory_space<vmem>>, vector<16xf32>,
        tpu.vector_store %arg11[%swap3A_385, %swap3A_386, %swap3A_387], %mul3A_383 {strides = array<i32>} : memref<2x128x128xf32, #tpu.memory_space<vmem>>, vector<16xf32>,
        %get3A_389 = arith.constant 0 : i32
        %get3A_390 = arith.index_cast %get3A_389 : i32 to index
        %get3A_391 = arith.index_cast %add3A_311 : i32 to index
        %get3A_392 = arith.constant 112 : index
        %get3A_393 = tpu.vector_load %arg11[%get3A_390, %get3A_391, %get3A_392] {strides = array<i32>} : memref<2x128x128xf32, #tpu.memory_space<vmem>>, vector<16xf32>,
        %mul3A_394 = arith.mulf %get3A_393, %gather3A : vector<16xf32>
        %swap3A_395 = arith.constant 0 : i32
        %swap3A_396 = arith.index_cast %swap3A_395 : i32 to index
        %swap3A_397 = arith.index_cast %add3A_311 : i32 to index
        %swap3A_398 = arith.constant 112 : index
        %swap3A_399 = tpu.vector_load %arg11[%swap3A_396, %swap3A_397, %swap3A_398] {strides = array<i32>} : memref<2x128x128xf32, #tpu.memory_space<vmem>>, vector<16xf32>,
        tpu.vector_store %arg11[%swap3A_396, %swap3A_397, %swap3A_398], %mul3A_394 {strides = array<i32>} : memref<2x128x128xf32, #tpu.memory_space<vmem>>, vector<16xf32>,
      }
      %scan3A_141 = arith.constant 128 : i32
      %dma_start3A_142 = arith.constant 0 : i32
      %dma_start3A_143 = arith.constant 0 : i32
      %dma_start3A_144 = arith.constant 0 : i32
      %dma_start3A_145 = tpu.memref_slice %arg11[%dma_start3A_142, %dma_start3A_143, %dma_start3A_144] : memref<2x128x128xf32, #tpu.memory_space<vmem>> -> memref<1x128x128xf32, #tpu.memory_space<vmem>>
      %dma_start3A_146 = tpu.memref_squeeze %dma_start3A_145 : memref<1x128x128xf32, #tpu.memory_space<vmem>> -> memref<128x128xf32, #tpu.memory_space<vmem>>
      %dma_start3A_147 = arith.constant 0 : i32
      %dma_start3A_148 = tpu.memref_slice %arg8[%add3A_113, %dma_start3A_147] : memref<80x128xi32, #tpu.memory_space<vmem>> -> memref<1x128xi32, #tpu.memory_space<vmem>>
      %dma_start3A_149 = tpu.memref_squeeze %dma_start3A_148 : memref<1x128xi32, #tpu.memory_space<vmem>> -> memref<128xi32, #tpu.memory_space<vmem>>
      %dma_start3A_150 = arith.constant 0 : i32
      %dma_start3A_151 = arith.constant 0 : i32
      %dma_start3A_152 = tpu.memref_slice %arg18[%dma_start3A_150, %dma_start3A_151] : memref<10000x128xf32, #tpu.memory_space<vmem_shared>> -> memref<10000x128xf32, #tpu.memory_space<vmem_shared>>
      tpu.enqueue_indirect_dma source(%dma_start3A_146 : memref<128x128xf32, #tpu.memory_space<vmem>>) target(%dma_start3A_152 : memref<10000x128xf32, #tpu.memory_space<vmem_shared>>) offsets(%dma_start3A_149 : memref<128xi32, #tpu.memory_space<vmem>>) semaphore(%arg14 : memref<!tpu.dma_semaphore, #tpu.memory_space<semaphore_mem>>) {add = true}
      %add3A_153 = arith.constant 2 : i32
      %add3A_154 = arith.addi %add3A_113, %add3A_153 : i32
      %lt3A_155 = arith.constant 80 : i32
      %lt3A_156 = arith.cmpi slt, %add3A_154, %lt3A_155 : i32
      %convert_element_type3A_157 = arith.extui %lt3A_156 : i1 to i32
      %cond3A_158 = arith.constant 0 : i32
      %cond3A_159 = arith.cmpi ne, %convert_element_type3A_157, %cond3A_158 : i32
      scf.if %cond3A_159 {
        %add3A_307 = arith.constant 2 : i32
        %add3A_308 = arith.addi %add3A_113, %add3A_307 : i32
        %mul3A_309 = arith.constant 128 : i32
        %mul3A_310 = arith.muli %add3A_308, %mul3A_309 : i32
        %add3A_311 = arith.addi %mul3A_2, %mul3A_310 : i32
        %dma_start3A_312 = arith.constant 2 : i32
        %dma_start3A_313 = arith.constant 0 : i32
        %dma_start3A_314 = tpu.memref_slice %arg9[%dma_start3A_312, %dma_start3A_313] : memref<4x128xi32, #tpu.memory_space<vmem>> -> memref<1x128xi32, #tpu.memory_space<vmem>>
        %dma_start3A_315 = tpu.memref_squeeze %dma_start3A_314 : memref<1x128xi32, #tpu.memory_space<vmem>> -> memref<128xi32, #tpu.memory_space<vmem>>
        %dma_start3A_316 = tpu.memref_slice %arg3[%add3A_311] : memref<327680xi32, #tpu.memory_space<hbm>> -> memref<128xi32, #tpu.memory_space<hbm>>
        %dma_start3A_317 = arith.constant 0 : i32
        %dma_start3A_318 = tpu.memref_slice %arg9[%dma_start3A_312, %dma_start3A_317] : memref<4x128xi32, #tpu.memory_space<vmem>> -> memref<1x128xi32, #tpu.memory_space<vmem>>
        %dma_start3A_319 = tpu.memref_squeeze %dma_start3A_318 : memref<1x128xi32, #tpu.memory_space<vmem>> -> memref<128xi32, #tpu.memory_space<vmem>>
        %dma_start3A_320 = tpu.memref_slice %arg3[%add3A_311] : memref<327680xi32, #tpu.memory_space<hbm>> -> memref<128xi32, #tpu.memory_space<hbm>>
        tpu.enqueue_dma source(%dma_start3A_320 : memref<128xi32, #tpu.memory_space<hbm>>) target(%dma_start3A_319 : memref<128xi32, #tpu.memory_space<vmem>>) target_semaphore(%arg16 : memref<!tpu.dma_semaphore, #tpu.memory_space<semaphore_mem>>)
        %mul3A_321 = arith.constant 128 : i32
        %mul3A_322 = arith.muli %add3A_308, %mul3A_321 : i32
        %add3A_323 = arith.addi %mul3A_2, %mul3A_322 : i32
        %dma_start3A_324 = arith.constant 256 : i32
        %dma_start3A_325 = tpu.memref_slice %arg10[%dma_start3A_324] : memref<512xf32, #tpu.memory_space<vmem>> -> memref<128xf32, #tpu.memory_space<vmem>>
        %dma_start3A_326 = tpu.memref_slice %arg5[%add3A_323] : memref<327680xf32, #tpu.memory_space<hbm>> -> memref<128xf32, #tpu.memory_space<hbm>>
        %dma_start3A_327 = arith.constant 256 : i32
        %dma_start3A_328 = tpu.memref_slice %arg10[%dma_start3A_327] : memref<512xf32, #tpu.memory_space<vmem>> -> memref<128xf32, #tpu.memory_space<vmem>>
        %dma_start3A_329 = tpu.memref_slice %arg5[%add3A_323] : memref<327680xf32, #tpu.memory_space<hbm>> -> memref<128xf32, #tpu.memory_space<hbm>>
        tpu.enqueue_dma source(%dma_start3A_329 : memref<128xf32, #tpu.memory_space<hbm>>) target(%dma_start3A_328 : memref<128xf32, #tpu.memory_space<vmem>>) target_semaphore(%arg16 : memref<!tpu.dma_semaphore, #tpu.memory_space<semaphore_mem>>)
      } else {
      }
      %add3A_160 = arith.constant 1 : i32
      %add3A_161 = arith.addi %add3A_111, %add3A_160 : i32
      %dma_wait3A_162 = arith.constant 1 : i32
      %dma_wait3A_163 = arith.constant 1 : i32
      %dma_wait3A_164 = arith.constant 0 : i32
      %dma_wait3A_165 = arith.constant 0 : i32
      %dma_wait3A_166 = tpu.memref_slice %arg11[%dma_wait3A_163, %dma_wait3A_164, %dma_wait3A_165] : memref<2x128x128xf32, #tpu.memory_space<vmem>> -> memref<1x128x128xf32, #tpu.memory_space<vmem>>
      %dma_wait3A_167 = tpu.memref_squeeze %dma_wait3A_166 : memref<1x128x128xf32, #tpu.memory_space<vmem>> -> memref<128x128xf32, #tpu.memory_space<vmem>>
      %dma_wait3A_168 = arith.constant 0 : i32
      %dma_wait3A_169 = tpu.memref_slice %arg9[%dma_wait3A_162, %dma_wait3A_168] : memref<4x128xi32, #tpu.memory_space<vmem>> -> memref<1x128xi32, #tpu.memory_space<vmem>>
      %dma_wait3A_170 = tpu.memref_squeeze %dma_wait3A_169 : memref<1x128xi32, #tpu.memory_space<vmem>> -> memref<128xi32, #tpu.memory_space<vmem>>
      %dma_wait3A_171 = arith.constant 0 : i32
      %dma_wait3A_172 = arith.constant 0 : i32
      %dma_wait3A_173 = tpu.memref_slice %arg2[%dma_wait3A_171, %dma_wait3A_172] : memref<10000x128xf32, #tpu.memory_space<hbm>> -> memref<10000x128xf32, #tpu.memory_space<hbm>>
      tpu.wait_indirect_dma semaphore(%arg13 : memref<!tpu.dma_semaphore, #tpu.memory_space<semaphore_mem>>) src(%dma_wait3A_173 : memref<10000x128xf32, #tpu.memory_space<hbm>>) dst(%dma_wait3A_167 : memref<128x128xf32, #tpu.memory_space<vmem>>)
      %ge3A_174 = arith.constant 1 : i32
      %ge3A_175 = arith.cmpi sge, %add3A_161, %ge3A_174 : i32
      %convert_element_type3A_176 = arith.extui %ge3A_175 : i1 to i32
      %cond3A_177 = arith.constant 0 : i32
      %cond3A_178 = arith.cmpi ne, %convert_element_type3A_176, %cond3A_177 : i32
      scf.if %cond3A_178 {
        %dma_wait3A_307 = arith.constant 0 : i32
        %dma_wait3A_308 = arith.constant 0 : i32
        %dma_wait3A_309 = arith.constant 0 : i32
        %dma_wait3A_310 = tpu.memref_slice %arg11[%dma_wait3A_307, %dma_wait3A_308, %dma_wait3A_309] : memref<2x128x128xf32, #tpu.memory_space<vmem>> -> memref<1x128x128xf32, #tpu.memory_space<vmem>>
        %dma_wait3A_311 = tpu.memref_squeeze %dma_wait3A_310 : memref<1x128x128xf32, #tpu.memory_space<vmem>> -> memref<128x128xf32, #tpu.memory_space<vmem>>
        %dma_wait3A_312 = arith.constant 0 : i32
        %dma_wait3A_313 = tpu.memref_slice %arg8[%add3A_161, %dma_wait3A_312] : memref<80x128xi32, #tpu.memory_space<vmem>> -> memref<1x128xi32, #tpu.memory_space<vmem>>
        %dma_wait3A_314 = tpu.memref_squeeze %dma_wait3A_313 : memref<1x128xi32, #tpu.memory_space<vmem>> -> memref<128xi32, #tpu.memory_space<vmem>>
        %dma_wait3A_315 = arith.constant 0 : i32
        %dma_wait3A_316 = arith.constant 0 : i32
        %dma_wait3A_317 = tpu.memref_slice %arg18[%dma_wait3A_315, %dma_wait3A_316] : memref<10000x128xf32, #tpu.memory_space<vmem_shared>> -> memref<10000x128xf32, #tpu.memory_space<vmem_shared>>
        tpu.wait_indirect_dma semaphore(%arg14 : memref<!tpu.dma_semaphore, #tpu.memory_space<semaphore_mem>>) src(%dma_wait3A_311 : memref<128x128xf32, #tpu.memory_space<vmem>>) dst(%dma_wait3A_317 : memref<10000x128xf32, #tpu.memory_space<vmem_shared>>)
      } else {
      }
      %add3A_179 = arith.constant 1 : i32
      %add3A_180 = arith.addi %add3A_161, %add3A_179 : i32
      %lt3A_181 = arith.constant 80 : i32
      %lt3A_182 = arith.cmpi slt, %add3A_180, %lt3A_181 : i32
      %convert_element_type3A_183 = arith.extui %lt3A_182 : i1 to i32
      %cond3A_184 = arith.constant 0 : i32
      %cond3A_185 = arith.cmpi ne, %convert_element_type3A_183, %cond3A_184 : i32
      scf.if %cond3A_185 {
        %dma_wait3A_307 = arith.constant 2 : i32
        %dma_wait3A_308 = arith.constant 0 : i32
        %dma_wait3A_309 = tpu.memref_slice %arg9[%dma_wait3A_307, %dma_wait3A_308] : memref<4x128xi32, #tpu.memory_space<vmem>> -> memref<1x128xi32, #tpu.memory_space<vmem>>
        %dma_wait3A_310 = tpu.memref_squeeze %dma_wait3A_309 : memref<1x128xi32, #tpu.memory_space<vmem>> -> memref<128xi32, #tpu.memory_space<vmem>>
        %dma_wait3A_311 = arith.constant 0 : i32
        %dma_wait3A_312 = tpu.memref_slice %arg3[%dma_wait3A_311] : memref<327680xi32, #tpu.memory_space<hbm>> -> memref<128xi32, #tpu.memory_space<hbm>>
        %dma_wait3A_313 = arith.constant 0 : i32
        %dma_wait3A_314 = tpu.memref_slice %arg9[%dma_wait3A_307, %dma_wait3A_313] : memref<4x128xi32, #tpu.memory_space<vmem>> -> memref<1x128xi32, #tpu.memory_space<vmem>>
        %dma_wait3A_315 = tpu.memref_squeeze %dma_wait3A_314 : memref<1x128xi32, #tpu.memory_space<vmem>> -> memref<128xi32, #tpu.memory_space<vmem>>
        %dma_wait3A_316 = arith.constant 0 : i32
        %dma_wait3A_317 = tpu.memref_slice %arg3[%dma_wait3A_316] : memref<327680xi32, #tpu.memory_space<hbm>> -> memref<128xi32, #tpu.memory_space<hbm>>
        tpu.wait_dma2 semaphore(%arg16 : memref<!tpu.dma_semaphore, #tpu.memory_space<semaphore_mem>>) src(%dma_wait3A_317 : memref<128xi32, #tpu.memory_space<hbm>>) dst(%dma_wait3A_315 : memref<128xi32, #tpu.memory_space<vmem>>)
        %dma_wait3A_318 = arith.constant 256 : i32
        %dma_wait3A_319 = tpu.memref_slice %arg10[%dma_wait3A_318] : memref<512xf32, #tpu.memory_space<vmem>> -> memref<128xf32, #tpu.memory_space<vmem>>
        %dma_wait3A_320 = arith.constant 0 : i32
        %dma_wait3A_321 = tpu.memref_slice %arg5[%dma_wait3A_320] : memref<327680xf32, #tpu.memory_space<hbm>> -> memref<128xf32, #tpu.memory_space<hbm>>
        %dma_wait3A_322 = arith.constant 256 : i32
        %dma_wait3A_323 = tpu.memref_slice %arg10[%dma_wait3A_322] : memref<512xf32, #tpu.memory_space<vmem>> -> memref<128xf32, #tpu.memory_space<vmem>>
        %dma_wait3A_324 = arith.constant 0 : i32
        %dma_wait3A_325 = tpu.memref_slice %arg5[%dma_wait3A_324] : memref<327680xf32, #tpu.memory_space<hbm>> -> memref<128xf32, #tpu.memory_space<hbm>>
        tpu.wait_dma2 semaphore(%arg16 : memref<!tpu.dma_semaphore, #tpu.memory_space<semaphore_mem>>) src(%dma_wait3A_325 : memref<128xf32, #tpu.memory_space<hbm>>) dst(%dma_wait3A_323 : memref<128xf32, #tpu.memory_space<vmem>>)
        %dma_start3A_326 = arith.constant 2 : i32
        %dma_start3A_327 = arith.constant 0 : i32
        %dma_start3A_328 = arith.constant 0 : i32
        %dma_start3A_329 = arith.constant 0 : i32
        %dma_start3A_330 = tpu.memref_slice %arg11[%dma_start3A_327, %dma_start3A_328, %dma_start3A_329] : memref<2x128x128xf32, #tpu.memory_space<vmem>> -> memref<1x128x128xf32, #tpu.memory_space<vmem>>
        %dma_start3A_331 = tpu.memref_squeeze %dma_start3A_330 : memref<1x128x128xf32, #tpu.memory_space<vmem>> -> memref<128x128xf32, #tpu.memory_space<vmem>>
        %dma_start3A_332 = arith.constant 0 : i32
        %dma_start3A_333 = tpu.memref_slice %arg9[%dma_start3A_326, %dma_start3A_332] : memref<4x128xi32, #tpu.memory_space<vmem>> -> memref<1x128xi32, #tpu.memory_space<vmem>>
        %dma_start3A_334 = tpu.memref_squeeze %dma_start3A_333 : memref<1x128xi32, #tpu.memory_space<vmem>> -> memref<128xi32, #tpu.memory_space<vmem>>
        %dma_start3A_335 = arith.constant 0 : i32
        %dma_start3A_336 = arith.constant 0 : i32
        %dma_start3A_337 = tpu.memref_slice %arg2[%dma_start3A_335, %dma_start3A_336] : memref<10000x128xf32, #tpu.memory_space<hbm>> -> memref<10000x128xf32, #tpu.memory_space<hbm>>
        tpu.enqueue_indirect_dma source(%dma_start3A_337 : memref<10000x128xf32, #tpu.memory_space<hbm>>) target(%dma_start3A_331 : memref<128x128xf32, #tpu.memory_space<vmem>>) offsets(%dma_start3A_334 : memref<128xi32, #tpu.memory_space<vmem>>) semaphore(%arg12 : memref<!tpu.dma_semaphore, #tpu.memory_space<semaphore_mem>>)
      } else {
      }
      %scan3A_186 = arith.constant 0 : i32
      %scan3A_187 = arith.constant 128 : i32
      %scan3A_188 = arith.addi %scan3A_186, %scan3A_187 : i32
      %scan3A_189 = arith.constant 1 : i32
      scf.for %scan3A_307 = %scan3A_186 to %scan3A_188 step %scan3A_189  : i32 {
        %mul3A_308 = arith.constant 1 : i32
        %mul3A_309 = arith.muli %scan3A_307, %mul3A_308 : i32
        %add3A_310 = arith.constant 0 : i32
        %add3A_311 = arith.addi %add3A_310, %mul3A_309 : i32
        %add3A_312 = arith.constant 128 : i32
        %add3A_313 = arith.addi %add3A_312, %add3A_311 : i32
        %broadcast_in_dim3A = vector.broadcast %add3A_313 : i32 to vector<16xi32>
        %gather3A = tpu.vector_load_idx %arg10[%broadcast_in_dim3A] : memref<512xf32, #tpu.memory_space<vmem>>[vector<16xi32>], vector<16xf32>,
        %get3A = arith.constant 1 : i32
        %get3A_314 = arith.index_cast %get3A : i32 to index
        %get3A_315 = arith.index_cast %add3A_311 : i32 to index
        %get3A_316 = arith.constant 0 : index
        %get3A_317 = tpu.vector_load %arg11[%get3A_314, %get3A_315, %get3A_316] {strides = array<i32>} : memref<2x128x128xf32, #tpu.memory_space<vmem>>, vector<16xf32>,
        %mul3A_318 = arith.mulf %get3A_317, %gather3A : vector<16xf32>
        %swap3A = arith.constant 1 : i32
        %swap3A_319 = arith.index_cast %swap3A : i32 to index
        %swap3A_320 = arith.index_cast %add3A_311 : i32 to index
        %swap3A_321 = arith.constant 0 : index
        %swap3A_322 = tpu.vector_load %arg11[%swap3A_319, %swap3A_320, %swap3A_321] {strides = array<i32>} : memref<2x128x128xf32, #tpu.memory_space<vmem>>, vector<16xf32>,
        tpu.vector_store %arg11[%swap3A_319, %swap3A_320, %swap3A_321], %mul3A_318 {strides = array<i32>} : memref<2x128x128xf32, #tpu.memory_space<vmem>>, vector<16xf32>,
        %get3A_323 = arith.constant 1 : i32
        %get3A_324 = arith.index_cast %get3A_323 : i32 to index
        %get3A_325 = arith.index_cast %add3A_311 : i32 to index
        %get3A_326 = arith.constant 16 : index
        %get3A_327 = tpu.vector_load %arg11[%get3A_324, %get3A_325, %get3A_326] {strides = array<i32>} : memref<2x128x128xf32, #tpu.memory_space<vmem>>, vector<16xf32>,
        %mul3A_328 = arith.mulf %get3A_327, %gather3A : vector<16xf32>
        %swap3A_329 = arith.constant 1 : i32
        %swap3A_330 = arith.index_cast %swap3A_329 : i32 to index
        %swap3A_331 = arith.index_cast %add3A_311 : i32 to index
        %swap3A_332 = arith.constant 16 : index
        %swap3A_333 = tpu.vector_load %arg11[%swap3A_330, %swap3A_331, %swap3A_332] {strides = array<i32>} : memref<2x128x128xf32, #tpu.memory_space<vmem>>, vector<16xf32>,
        tpu.vector_store %arg11[%swap3A_330, %swap3A_331, %swap3A_332], %mul3A_328 {strides = array<i32>} : memref<2x128x128xf32, #tpu.memory_space<vmem>>, vector<16xf32>,
        %get3A_334 = arith.constant 1 : i32
        %get3A_335 = arith.index_cast %get3A_334 : i32 to index
        %get3A_336 = arith.index_cast %add3A_311 : i32 to index
        %get3A_337 = arith.constant 32 : index
        %get3A_338 = tpu.vector_load %arg11[%get3A_335, %get3A_336, %get3A_337] {strides = array<i32>} : memref<2x128x128xf32, #tpu.memory_space<vmem>>, vector<16xf32>,
        %mul3A_339 = arith.mulf %get3A_338, %gather3A : vector<16xf32>
        %swap3A_340 = arith.constant 1 : i32
        %swap3A_341 = arith.index_cast %swap3A_340 : i32 to index
        %swap3A_342 = arith.index_cast %add3A_311 : i32 to index
        %swap3A_343 = arith.constant 32 : index
        %swap3A_344 = tpu.vector_load %arg11[%swap3A_341, %swap3A_342, %swap3A_343] {strides = array<i32>} : memref<2x128x128xf32, #tpu.memory_space<vmem>>, vector<16xf32>,
        tpu.vector_store %arg11[%swap3A_341, %swap3A_342, %swap3A_343], %mul3A_339 {strides = array<i32>} : memref<2x128x128xf32, #tpu.memory_space<vmem>>, vector<16xf32>,
        %get3A_345 = arith.constant 1 : i32
        %get3A_346 = arith.index_cast %get3A_345 : i32 to index
        %get3A_347 = arith.index_cast %add3A_311 : i32 to index
        %get3A_348 = arith.constant 48 : index
        %get3A_349 = tpu.vector_load %arg11[%get3A_346, %get3A_347, %get3A_348] {strides = array<i32>} : memref<2x128x128xf32, #tpu.memory_space<vmem>>, vector<16xf32>,
        %mul3A_350 = arith.mulf %get3A_349, %gather3A : vector<16xf32>
        %swap3A_351 = arith.constant 1 : i32
        %swap3A_352 = arith.index_cast %swap3A_351 : i32 to index
        %swap3A_353 = arith.index_cast %add3A_311 : i32 to index
        %swap3A_354 = arith.constant 48 : index
        %swap3A_355 = tpu.vector_load %arg11[%swap3A_352, %swap3A_353, %swap3A_354] {strides = array<i32>} : memref<2x128x128xf32, #tpu.memory_space<vmem>>, vector<16xf32>,
        tpu.vector_store %arg11[%swap3A_352, %swap3A_353, %swap3A_354], %mul3A_350 {strides = array<i32>} : memref<2x128x128xf32, #tpu.memory_space<vmem>>, vector<16xf32>,
        %get3A_356 = arith.constant 1 : i32
        %get3A_357 = arith.index_cast %get3A_356 : i32 to index
        %get3A_358 = arith.index_cast %add3A_311 : i32 to index
        %get3A_359 = arith.constant 64 : index
        %get3A_360 = tpu.vector_load %arg11[%get3A_357, %get3A_358, %get3A_359] {strides = array<i32>} : memref<2x128x128xf32, #tpu.memory_space<vmem>>, vector<16xf32>,
        %mul3A_361 = arith.mulf %get3A_360, %gather3A : vector<16xf32>
        %swap3A_362 = arith.constant 1 : i32
        %swap3A_363 = arith.index_cast %swap3A_362 : i32 to index
        %swap3A_364 = arith.index_cast %add3A_311 : i32 to index
        %swap3A_365 = arith.constant 64 : index
        %swap3A_366 = tpu.vector_load %arg11[%swap3A_363, %swap3A_364, %swap3A_365] {strides = array<i32>} : memref<2x128x128xf32, #tpu.memory_space<vmem>>, vector<16xf32>,
        tpu.vector_store %arg11[%swap3A_363, %swap3A_364, %swap3A_365], %mul3A_361 {strides = array<i32>} : memref<2x128x128xf32, #tpu.memory_space<vmem>>, vector<16xf32>,
        %get3A_367 = arith.constant 1 : i32
        %get3A_368 = arith.index_cast %get3A_367 : i32 to index
        %get3A_369 = arith.index_cast %add3A_311 : i32 to index
        %get3A_370 = arith.constant 80 : index
        %get3A_371 = tpu.vector_load %arg11[%get3A_368, %get3A_369, %get3A_370] {strides = array<i32>} : memref<2x128x128xf32, #tpu.memory_space<vmem>>, vector<16xf32>,
        %mul3A_372 = arith.mulf %get3A_371, %gather3A : vector<16xf32>
        %swap3A_373 = arith.constant 1 : i32
        %swap3A_374 = arith.index_cast %swap3A_373 : i32 to index
        %swap3A_375 = arith.index_cast %add3A_311 : i32 to index
        %swap3A_376 = arith.constant 80 : index
        %swap3A_377 = tpu.vector_load %arg11[%swap3A_374, %swap3A_375, %swap3A_376] {strides = array<i32>} : memref<2x128x128xf32, #tpu.memory_space<vmem>>, vector<16xf32>,
        tpu.vector_store %arg11[%swap3A_374, %swap3A_375, %swap3A_376], %mul3A_372 {strides = array<i32>} : memref<2x128x128xf32, #tpu.memory_space<vmem>>, vector<16xf32>,
        %get3A_378 = arith.constant 1 : i32
        %get3A_379 = arith.index_cast %get3A_378 : i32 to index
        %get3A_380 = arith.index_cast %add3A_311 : i32 to index
        %get3A_381 = arith.constant 96 : index
        %get3A_382 = tpu.vector_load %arg11[%get3A_379, %get3A_380, %get3A_381] {strides = array<i32>} : memref<2x128x128xf32, #tpu.memory_space<vmem>>, vector<16xf32>,
        %mul3A_383 = arith.mulf %get3A_382, %gather3A : vector<16xf32>
        %swap3A_384 = arith.constant 1 : i32
        %swap3A_385 = arith.index_cast %swap3A_384 : i32 to index
        %swap3A_386 = arith.index_cast %add3A_311 : i32 to index
        %swap3A_387 = arith.constant 96 : index
        %swap3A_388 = tpu.vector_load %arg11[%swap3A_385, %swap3A_386, %swap3A_387] {strides = array<i32>} : memref<2x128x128xf32, #tpu.memory_space<vmem>>, vector<16xf32>,
        tpu.vector_store %arg11[%swap3A_385, %swap3A_386, %swap3A_387], %mul3A_383 {strides = array<i32>} : memref<2x128x128xf32, #tpu.memory_space<vmem>>, vector<16xf32>,
        %get3A_389 = arith.constant 1 : i32
        %get3A_390 = arith.index_cast %get3A_389 : i32 to index
        %get3A_391 = arith.index_cast %add3A_311 : i32 to index
        %get3A_392 = arith.constant 112 : index
        %get3A_393 = tpu.vector_load %arg11[%get3A_390, %get3A_391, %get3A_392] {strides = array<i32>} : memref<2x128x128xf32, #tpu.memory_space<vmem>>, vector<16xf32>,
        %mul3A_394 = arith.mulf %get3A_393, %gather3A : vector<16xf32>
        %swap3A_395 = arith.constant 1 : i32
        %swap3A_396 = arith.index_cast %swap3A_395 : i32 to index
        %swap3A_397 = arith.index_cast %add3A_311 : i32 to index
        %swap3A_398 = arith.constant 112 : index
        %swap3A_399 = tpu.vector_load %arg11[%swap3A_396, %swap3A_397, %swap3A_398] {strides = array<i32>} : memref<2x128x128xf32, #tpu.memory_space<vmem>>, vector<16xf32>,
        tpu.vector_store %arg11[%swap3A_396, %swap3A_397, %swap3A_398], %mul3A_394 {strides = array<i32>} : memref<2x128x128xf32, #tpu.memory_space<vmem>>, vector<16xf32>,
      }
      %scan3A_190 = arith.constant 128 : i32
      %dma_start3A_191 = arith.constant 1 : i32
      %dma_start3A_192 = arith.constant 0 : i32
      %dma_start3A_193 = arith.constant 0 : i32
      %dma_start3A_194 = tpu.memref_slice %arg11[%dma_start3A_191, %dma_start3A_192, %dma_start3A_193] : memref<2x128x128xf32, #tpu.memory_space<vmem>> -> memref<1x128x128xf32, #tpu.memory_space<vmem>>
      %dma_start3A_195 = tpu.memref_squeeze %dma_start3A_194 : memref<1x128x128xf32, #tpu.memory_space<vmem>> -> memref<128x128xf32, #tpu.memory_space<vmem>>
      %dma_start3A_196 = arith.constant 0 : i32
      %dma_start3A_197 = tpu.memref_slice %arg8[%add3A_161, %dma_start3A_196] : memref<80x128xi32, #tpu.memory_space<vmem>> -> memref<1x128xi32, #tpu.memory_space<vmem>>
      %dma_start3A_198 = tpu.memref_squeeze %dma_start3A_197 : memref<1x128xi32, #tpu.memory_space<vmem>> -> memref<128xi32, #tpu.memory_space<vmem>>
      %dma_start3A_199 = arith.constant 0 : i32
      %dma_start3A_200 = arith.constant 0 : i32
      %dma_start3A_201 = tpu.memref_slice %arg18[%dma_start3A_199, %dma_start3A_200] : memref<10000x128xf32, #tpu.memory_space<vmem_shared>> -> memref<10000x128xf32, #tpu.memory_space<vmem_shared>>
      tpu.enqueue_indirect_dma source(%dma_start3A_195 : memref<128x128xf32, #tpu.memory_space<vmem>>) target(%dma_start3A_201 : memref<10000x128xf32, #tpu.memory_space<vmem_shared>>) offsets(%dma_start3A_198 : memref<128xi32, #tpu.memory_space<vmem>>) semaphore(%arg15 : memref<!tpu.dma_semaphore, #tpu.memory_space<semaphore_mem>>) {add = true}
      %add3A_202 = arith.constant 2 : i32
      %add3A_203 = arith.addi %add3A_161, %add3A_202 : i32
      %lt3A_204 = arith.constant 80 : i32
      %lt3A_205 = arith.cmpi slt, %add3A_203, %lt3A_204 : i32
      %convert_element_type3A_206 = arith.extui %lt3A_205 : i1 to i32
      %cond3A_207 = arith.constant 0 : i32
      %cond3A_208 = arith.cmpi ne, %convert_element_type3A_206, %cond3A_207 : i32
      scf.if %cond3A_208 {
        %add3A_307 = arith.constant 2 : i32
        %add3A_308 = arith.addi %add3A_161, %add3A_307 : i32
        %mul3A_309 = arith.constant 128 : i32
        %mul3A_310 = arith.muli %add3A_308, %mul3A_309 : i32
        %add3A_311 = arith.addi %mul3A_2, %mul3A_310 : i32
        %dma_start3A_312 = arith.constant 3 : i32
        %dma_start3A_313 = arith.constant 0 : i32
        %dma_start3A_314 = tpu.memref_slice %arg9[%dma_start3A_312, %dma_start3A_313] : memref<4x128xi32, #tpu.memory_space<vmem>> -> memref<1x128xi32, #tpu.memory_space<vmem>>
        %dma_start3A_315 = tpu.memref_squeeze %dma_start3A_314 : memref<1x128xi32, #tpu.memory_space<vmem>> -> memref<128xi32, #tpu.memory_space<vmem>>
        %dma_start3A_316 = tpu.memref_slice %arg3[%add3A_311] : memref<327680xi32, #tpu.memory_space<hbm>> -> memref<128xi32, #tpu.memory_space<hbm>>
        %dma_start3A_317 = arith.constant 0 : i32
        %dma_start3A_318 = tpu.memref_slice %arg9[%dma_start3A_312, %dma_start3A_317] : memref<4x128xi32, #tpu.memory_space<vmem>> -> memref<1x128xi32, #tpu.memory_space<vmem>>
        %dma_start3A_319 = tpu.memref_squeeze %dma_start3A_318 : memref<1x128xi32, #tpu.memory_space<vmem>> -> memref<128xi32, #tpu.memory_space<vmem>>
        %dma_start3A_320 = tpu.memref_slice %arg3[%add3A_311] : memref<327680xi32, #tpu.memory_space<hbm>> -> memref<128xi32, #tpu.memory_space<hbm>>
        tpu.enqueue_dma source(%dma_start3A_320 : memref<128xi32, #tpu.memory_space<hbm>>) target(%dma_start3A_319 : memref<128xi32, #tpu.memory_space<vmem>>) target_semaphore(%arg17 : memref<!tpu.dma_semaphore, #tpu.memory_space<semaphore_mem>>)
        %mul3A_321 = arith.constant 128 : i32
        %mul3A_322 = arith.muli %add3A_308, %mul3A_321 : i32
        %add3A_323 = arith.addi %mul3A_2, %mul3A_322 : i32
        %dma_start3A_324 = arith.constant 384 : i32
        %dma_start3A_325 = tpu.memref_slice %arg10[%dma_start3A_324] : memref<512xf32, #tpu.memory_space<vmem>> -> memref<128xf32, #tpu.memory_space<vmem>>
        %dma_start3A_326 = tpu.memref_slice %arg5[%add3A_323] : memref<327680xf32, #tpu.memory_space<hbm>> -> memref<128xf32, #tpu.memory_space<hbm>>
        %dma_start3A_327 = arith.constant 384 : i32
        %dma_start3A_328 = tpu.memref_slice %arg10[%dma_start3A_327] : memref<512xf32, #tpu.memory_space<vmem>> -> memref<128xf32, #tpu.memory_space<vmem>>
        %dma_start3A_329 = tpu.memref_slice %arg5[%add3A_323] : memref<327680xf32, #tpu.memory_space<hbm>> -> memref<128xf32, #tpu.memory_space<hbm>>
        tpu.enqueue_dma source(%dma_start3A_329 : memref<128xf32, #tpu.memory_space<hbm>>) target(%dma_start3A_328 : memref<128xf32, #tpu.memory_space<vmem>>) target_semaphore(%arg17 : memref<!tpu.dma_semaphore, #tpu.memory_space<semaphore_mem>>)
      } else {
      }
      %add3A_209 = arith.constant 2 : i32
      %add3A_210 = arith.addi %add3A_111, %add3A_209 : i32
      %dma_wait3A_211 = arith.constant 2 : i32
      %dma_wait3A_212 = arith.constant 0 : i32
      %dma_wait3A_213 = arith.constant 0 : i32
      %dma_wait3A_214 = arith.constant 0 : i32
      %dma_wait3A_215 = tpu.memref_slice %arg11[%dma_wait3A_212, %dma_wait3A_213, %dma_wait3A_214] : memref<2x128x128xf32, #tpu.memory_space<vmem>> -> memref<1x128x128xf32, #tpu.memory_space<vmem>>
      %dma_wait3A_216 = tpu.memref_squeeze %dma_wait3A_215 : memref<1x128x128xf32, #tpu.memory_space<vmem>> -> memref<128x128xf32, #tpu.memory_space<vmem>>
      %dma_wait3A_217 = arith.constant 0 : i32
      %dma_wait3A_218 = tpu.memref_slice %arg9[%dma_wait3A_211, %dma_wait3A_217] : memref<4x128xi32, #tpu.memory_space<vmem>> -> memref<1x128xi32, #tpu.memory_space<vmem>>
      %dma_wait3A_219 = tpu.memref_squeeze %dma_wait3A_218 : memref<1x128xi32, #tpu.memory_space<vmem>> -> memref<128xi32, #tpu.memory_space<vmem>>
      %dma_wait3A_220 = arith.constant 0 : i32
      %dma_wait3A_221 = arith.constant 0 : i32
      %dma_wait3A_222 = tpu.memref_slice %arg2[%dma_wait3A_220, %dma_wait3A_221] : memref<10000x128xf32, #tpu.memory_space<hbm>> -> memref<10000x128xf32, #tpu.memory_space<hbm>>
      tpu.wait_indirect_dma semaphore(%arg12 : memref<!tpu.dma_semaphore, #tpu.memory_space<semaphore_mem>>) src(%dma_wait3A_222 : memref<10000x128xf32, #tpu.memory_space<hbm>>) dst(%dma_wait3A_216 : memref<128x128xf32, #tpu.memory_space<vmem>>)
      %ge3A_223 = arith.constant 1 : i32
      %ge3A_224 = arith.cmpi sge, %add3A_210, %ge3A_223 : i32
      %convert_element_type3A_225 = arith.extui %ge3A_224 : i1 to i32
      %cond3A_226 = arith.constant 0 : i32
      %cond3A_227 = arith.cmpi ne, %convert_element_type3A_225, %cond3A_226 : i32
      scf.if %cond3A_227 {
        %dma_wait3A_307 = arith.constant 1 : i32
        %dma_wait3A_308 = arith.constant 0 : i32
        %dma_wait3A_309 = arith.constant 0 : i32
        %dma_wait3A_310 = tpu.memref_slice %arg11[%dma_wait3A_307, %dma_wait3A_308, %dma_wait3A_309] : memref<2x128x128xf32, #tpu.memory_space<vmem>> -> memref<1x128x128xf32, #tpu.memory_space<vmem>>
        %dma_wait3A_311 = tpu.memref_squeeze %dma_wait3A_310 : memref<1x128x128xf32, #tpu.memory_space<vmem>> -> memref<128x128xf32, #tpu.memory_space<vmem>>
        %dma_wait3A_312 = arith.constant 0 : i32
        %dma_wait3A_313 = tpu.memref_slice %arg8[%add3A_210, %dma_wait3A_312] : memref<80x128xi32, #tpu.memory_space<vmem>> -> memref<1x128xi32, #tpu.memory_space<vmem>>
        %dma_wait3A_314 = tpu.memref_squeeze %dma_wait3A_313 : memref<1x128xi32, #tpu.memory_space<vmem>> -> memref<128xi32, #tpu.memory_space<vmem>>
        %dma_wait3A_315 = arith.constant 0 : i32
        %dma_wait3A_316 = arith.constant 0 : i32
        %dma_wait3A_317 = tpu.memref_slice %arg18[%dma_wait3A_315, %dma_wait3A_316] : memref<10000x128xf32, #tpu.memory_space<vmem_shared>> -> memref<10000x128xf32, #tpu.memory_space<vmem_shared>>
        tpu.wait_indirect_dma semaphore(%arg15 : memref<!tpu.dma_semaphore, #tpu.memory_space<semaphore_mem>>) src(%dma_wait3A_311 : memref<128x128xf32, #tpu.memory_space<vmem>>) dst(%dma_wait3A_317 : memref<10000x128xf32, #tpu.memory_space<vmem_shared>>)
      } else {
      }
      %add3A_228 = arith.constant 1 : i32
      %add3A_229 = arith.addi %add3A_210, %add3A_228 : i32
      %lt3A_230 = arith.constant 80 : i32
      %lt3A_231 = arith.cmpi slt, %add3A_229, %lt3A_230 : i32
      %convert_element_type3A_232 = arith.extui %lt3A_231 : i1 to i32
      %cond3A_233 = arith.constant 0 : i32
      %cond3A_234 = arith.cmpi ne, %convert_element_type3A_232, %cond3A_233 : i32
      scf.if %cond3A_234 {
        %dma_wait3A_307 = arith.constant 3 : i32
        %dma_wait3A_308 = arith.constant 0 : i32
        %dma_wait3A_309 = tpu.memref_slice %arg9[%dma_wait3A_307, %dma_wait3A_308] : memref<4x128xi32, #tpu.memory_space<vmem>> -> memref<1x128xi32, #tpu.memory_space<vmem>>
        %dma_wait3A_310 = tpu.memref_squeeze %dma_wait3A_309 : memref<1x128xi32, #tpu.memory_space<vmem>> -> memref<128xi32, #tpu.memory_space<vmem>>
        %dma_wait3A_311 = arith.constant 0 : i32
        %dma_wait3A_312 = tpu.memref_slice %arg3[%dma_wait3A_311] : memref<327680xi32, #tpu.memory_space<hbm>> -> memref<128xi32, #tpu.memory_space<hbm>>
        %dma_wait3A_313 = arith.constant 0 : i32
        %dma_wait3A_314 = tpu.memref_slice %arg9[%dma_wait3A_307, %dma_wait3A_313] : memref<4x128xi32, #tpu.memory_space<vmem>> -> memref<1x128xi32, #tpu.memory_space<vmem>>
        %dma_wait3A_315 = tpu.memref_squeeze %dma_wait3A_314 : memref<1x128xi32, #tpu.memory_space<vmem>> -> memref<128xi32, #tpu.memory_space<vmem>>
        %dma_wait3A_316 = arith.constant 0 : i32
        %dma_wait3A_317 = tpu.memref_slice %arg3[%dma_wait3A_316] : memref<327680xi32, #tpu.memory_space<hbm>> -> memref<128xi32, #tpu.memory_space<hbm>>
        tpu.wait_dma2 semaphore(%arg17 : memref<!tpu.dma_semaphore, #tpu.memory_space<semaphore_mem>>) src(%dma_wait3A_317 : memref<128xi32, #tpu.memory_space<hbm>>) dst(%dma_wait3A_315 : memref<128xi32, #tpu.memory_space<vmem>>)
        %dma_wait3A_318 = arith.constant 384 : i32
        %dma_wait3A_319 = tpu.memref_slice %arg10[%dma_wait3A_318] : memref<512xf32, #tpu.memory_space<vmem>> -> memref<128xf32, #tpu.memory_space<vmem>>
        %dma_wait3A_320 = arith.constant 0 : i32
        %dma_wait3A_321 = tpu.memref_slice %arg5[%dma_wait3A_320] : memref<327680xf32, #tpu.memory_space<hbm>> -> memref<128xf32, #tpu.memory_space<hbm>>
        %dma_wait3A_322 = arith.constant 384 : i32
        %dma_wait3A_323 = tpu.memref_slice %arg10[%dma_wait3A_322] : memref<512xf32, #tpu.memory_space<vmem>> -> memref<128xf32, #tpu.memory_space<vmem>>
        %dma_wait3A_324 = arith.constant 0 : i32
        %dma_wait3A_325 = tpu.memref_slice %arg5[%dma_wait3A_324] : memref<327680xf32, #tpu.memory_space<hbm>> -> memref<128xf32, #tpu.memory_space<hbm>>
        tpu.wait_dma2 semaphore(%arg17 : memref<!tpu.dma_semaphore, #tpu.memory_space<semaphore_mem>>) src(%dma_wait3A_325 : memref<128xf32, #tpu.memory_space<hbm>>) dst(%dma_wait3A_323 : memref<128xf32, #tpu.memory_space<vmem>>)
        %dma_start3A_326 = arith.constant 3 : i32
        %dma_start3A_327 = arith.constant 1 : i32
        %dma_start3A_328 = arith.constant 0 : i32
        %dma_start3A_329 = arith.constant 0 : i32
        %dma_start3A_330 = tpu.memref_slice %arg11[%dma_start3A_327, %dma_start3A_328, %dma_start3A_329] : memref<2x128x128xf32, #tpu.memory_space<vmem>> -> memref<1x128x128xf32, #tpu.memory_space<vmem>>
        %dma_start3A_331 = tpu.memref_squeeze %dma_start3A_330 : memref<1x128x128xf32, #tpu.memory_space<vmem>> -> memref<128x128xf32, #tpu.memory_space<vmem>>
        %dma_start3A_332 = arith.constant 0 : i32
        %dma_start3A_333 = tpu.memref_slice %arg9[%dma_start3A_326, %dma_start3A_332] : memref<4x128xi32, #tpu.memory_space<vmem>> -> memref<1x128xi32, #tpu.memory_space<vmem>>
        %dma_start3A_334 = tpu.memref_squeeze %dma_start3A_333 : memref<1x128xi32, #tpu.memory_space<vmem>> -> memref<128xi32, #tpu.memory_space<vmem>>
        %dma_start3A_335 = arith.constant 0 : i32
        %dma_start3A_336 = arith.constant 0 : i32
        %dma_start3A_337 = tpu.memref_slice %arg2[%dma_start3A_335, %dma_start3A_336] : memref<10000x128xf32, #tpu.memory_space<hbm>> -> memref<10000x128xf32, #tpu.memory_space<hbm>>
        tpu.enqueue_indirect_dma source(%dma_start3A_337 : memref<10000x128xf32, #tpu.memory_space<hbm>>) target(%dma_start3A_331 : memref<128x128xf32, #tpu.memory_space<vmem>>) offsets(%dma_start3A_334 : memref<128xi32, #tpu.memory_space<vmem>>) semaphore(%arg13 : memref<!tpu.dma_semaphore, #tpu.memory_space<semaphore_mem>>)
      } else {
      }
      %scan3A_235 = arith.constant 0 : i32
      %scan3A_236 = arith.constant 128 : i32
      %scan3A_237 = arith.addi %scan3A_235, %scan3A_236 : i32
      %scan3A_238 = arith.constant 1 : i32
      scf.for %scan3A_307 = %scan3A_235 to %scan3A_237 step %scan3A_238  : i32 {
        %mul3A_308 = arith.constant 1 : i32
        %mul3A_309 = arith.muli %scan3A_307, %mul3A_308 : i32
        %add3A_310 = arith.constant 0 : i32
        %add3A_311 = arith.addi %add3A_310, %mul3A_309 : i32
        %add3A_312 = arith.constant 256 : i32
        %add3A_313 = arith.addi %add3A_312, %add3A_311 : i32
        %broadcast_in_dim3A = vector.broadcast %add3A_313 : i32 to vector<16xi32>
        %gather3A = tpu.vector_load_idx %arg10[%broadcast_in_dim3A] : memref<512xf32, #tpu.memory_space<vmem>>[vector<16xi32>], vector<16xf32>,
        %get3A = arith.constant 0 : i32
        %get3A_314 = arith.index_cast %get3A : i32 to index
        %get3A_315 = arith.index_cast %add3A_311 : i32 to index
        %get3A_316 = arith.constant 0 : index
        %get3A_317 = tpu.vector_load %arg11[%get3A_314, %get3A_315, %get3A_316] {strides = array<i32>} : memref<2x128x128xf32, #tpu.memory_space<vmem>>, vector<16xf32>,
        %mul3A_318 = arith.mulf %get3A_317, %gather3A : vector<16xf32>
        %swap3A = arith.constant 0 : i32
        %swap3A_319 = arith.index_cast %swap3A : i32 to index
        %swap3A_320 = arith.index_cast %add3A_311 : i32 to index
        %swap3A_321 = arith.constant 0 : index
        %swap3A_322 = tpu.vector_load %arg11[%swap3A_319, %swap3A_320, %swap3A_321] {strides = array<i32>} : memref<2x128x128xf32, #tpu.memory_space<vmem>>, vector<16xf32>,
        tpu.vector_store %arg11[%swap3A_319, %swap3A_320, %swap3A_321], %mul3A_318 {strides = array<i32>} : memref<2x128x128xf32, #tpu.memory_space<vmem>>, vector<16xf32>,
        %get3A_323 = arith.constant 0 : i32
        %get3A_324 = arith.index_cast %get3A_323 : i32 to index
        %get3A_325 = arith.index_cast %add3A_311 : i32 to index
        %get3A_326 = arith.constant 16 : index
        %get3A_327 = tpu.vector_load %arg11[%get3A_324, %get3A_325, %get3A_326] {strides = array<i32>} : memref<2x128x128xf32, #tpu.memory_space<vmem>>, vector<16xf32>,
        %mul3A_328 = arith.mulf %get3A_327, %gather3A : vector<16xf32>
        %swap3A_329 = arith.constant 0 : i32
        %swap3A_330 = arith.index_cast %swap3A_329 : i32 to index
        %swap3A_331 = arith.index_cast %add3A_311 : i32 to index
        %swap3A_332 = arith.constant 16 : index
        %swap3A_333 = tpu.vector_load %arg11[%swap3A_330, %swap3A_331, %swap3A_332] {strides = array<i32>} : memref<2x128x128xf32, #tpu.memory_space<vmem>>, vector<16xf32>,
        tpu.vector_store %arg11[%swap3A_330, %swap3A_331, %swap3A_332], %mul3A_328 {strides = array<i32>} : memref<2x128x128xf32, #tpu.memory_space<vmem>>, vector<16xf32>,
        %get3A_334 = arith.constant 0 : i32
        %get3A_335 = arith.index_cast %get3A_334 : i32 to index
        %get3A_336 = arith.index_cast %add3A_311 : i32 to index
        %get3A_337 = arith.constant 32 : index
        %get3A_338 = tpu.vector_load %arg11[%get3A_335, %get3A_336, %get3A_337] {strides = array<i32>} : memref<2x128x128xf32, #tpu.memory_space<vmem>>, vector<16xf32>,
        %mul3A_339 = arith.mulf %get3A_338, %gather3A : vector<16xf32>
        %swap3A_340 = arith.constant 0 : i32
        %swap3A_341 = arith.index_cast %swap3A_340 : i32 to index
        %swap3A_342 = arith.index_cast %add3A_311 : i32 to index
        %swap3A_343 = arith.constant 32 : index
        %swap3A_344 = tpu.vector_load %arg11[%swap3A_341, %swap3A_342, %swap3A_343] {strides = array<i32>} : memref<2x128x128xf32, #tpu.memory_space<vmem>>, vector<16xf32>,
        tpu.vector_store %arg11[%swap3A_341, %swap3A_342, %swap3A_343], %mul3A_339 {strides = array<i32>} : memref<2x128x128xf32, #tpu.memory_space<vmem>>, vector<16xf32>,
        %get3A_345 = arith.constant 0 : i32
        %get3A_346 = arith.index_cast %get3A_345 : i32 to index
        %get3A_347 = arith.index_cast %add3A_311 : i32 to index
        %get3A_348 = arith.constant 48 : index
        %get3A_349 = tpu.vector_load %arg11[%get3A_346, %get3A_347, %get3A_348] {strides = array<i32>} : memref<2x128x128xf32, #tpu.memory_space<vmem>>, vector<16xf32>,
        %mul3A_350 = arith.mulf %get3A_349, %gather3A : vector<16xf32>
        %swap3A_351 = arith.constant 0 : i32
        %swap3A_352 = arith.index_cast %swap3A_351 : i32 to index
        %swap3A_353 = arith.index_cast %add3A_311 : i32 to index
        %swap3A_354 = arith.constant 48 : index
        %swap3A_355 = tpu.vector_load %arg11[%swap3A_352, %swap3A_353, %swap3A_354] {strides = array<i32>} : memref<2x128x128xf32, #tpu.memory_space<vmem>>, vector<16xf32>,
        tpu.vector_store %arg11[%swap3A_352, %swap3A_353, %swap3A_354], %mul3A_350 {strides = array<i32>} : memref<2x128x128xf32, #tpu.memory_space<vmem>>, vector<16xf32>,
        %get3A_356 = arith.constant 0 : i32
        %get3A_357 = arith.index_cast %get3A_356 : i32 to index
        %get3A_358 = arith.index_cast %add3A_311 : i32 to index
        %get3A_359 = arith.constant 64 : index
        %get3A_360 = tpu.vector_load %arg11[%get3A_357, %get3A_358, %get3A_359] {strides = array<i32>} : memref<2x128x128xf32, #tpu.memory_space<vmem>>, vector<16xf32>,
        %mul3A_361 = arith.mulf %get3A_360, %gather3A : vector<16xf32>
        %swap3A_362 = arith.constant 0 : i32
        %swap3A_363 = arith.index_cast %swap3A_362 : i32 to index
        %swap3A_364 = arith.index_cast %add3A_311 : i32 to index
        %swap3A_365 = arith.constant 64 : index
        %swap3A_366 = tpu.vector_load %arg11[%swap3A_363, %swap3A_364, %swap3A_365] {strides = array<i32>} : memref<2x128x128xf32, #tpu.memory_space<vmem>>, vector<16xf32>,
        tpu.vector_store %arg11[%swap3A_363, %swap3A_364, %swap3A_365], %mul3A_361 {strides = array<i32>} : memref<2x128x128xf32, #tpu.memory_space<vmem>>, vector<16xf32>,
        %get3A_367 = arith.constant 0 : i32
        %get3A_368 = arith.index_cast %get3A_367 : i32 to index
        %get3A_369 = arith.index_cast %add3A_311 : i32 to index
        %get3A_370 = arith.constant 80 : index
        %get3A_371 = tpu.vector_load %arg11[%get3A_368, %get3A_369, %get3A_370] {strides = array<i32>} : memref<2x128x128xf32, #tpu.memory_space<vmem>>, vector<16xf32>,
        %mul3A_372 = arith.mulf %get3A_371, %gather3A : vector<16xf32>
        %swap3A_373 = arith.constant 0 : i32
        %swap3A_374 = arith.index_cast %swap3A_373 : i32 to index
        %swap3A_375 = arith.index_cast %add3A_311 : i32 to index
        %swap3A_376 = arith.constant 80 : index
        %swap3A_377 = tpu.vector_load %arg11[%swap3A_374, %swap3A_375, %swap3A_376] {strides = array<i32>} : memref<2x128x128xf32, #tpu.memory_space<vmem>>, vector<16xf32>,
        tpu.vector_store %arg11[%swap3A_374, %swap3A_375, %swap3A_376], %mul3A_372 {strides = array<i32>} : memref<2x128x128xf32, #tpu.memory_space<vmem>>, vector<16xf32>,
        %get3A_378 = arith.constant 0 : i32
        %get3A_379 = arith.index_cast %get3A_378 : i32 to index
        %get3A_380 = arith.index_cast %add3A_311 : i32 to index
        %get3A_381 = arith.constant 96 : index
        %get3A_382 = tpu.vector_load %arg11[%get3A_379, %get3A_380, %get3A_381] {strides = array<i32>} : memref<2x128x128xf32, #tpu.memory_space<vmem>>, vector<16xf32>,
        %mul3A_383 = arith.mulf %get3A_382, %gather3A : vector<16xf32>
        %swap3A_384 = arith.constant 0 : i32
        %swap3A_385 = arith.index_cast %swap3A_384 : i32 to index
        %swap3A_386 = arith.index_cast %add3A_311 : i32 to index
        %swap3A_387 = arith.constant 96 : index
        %swap3A_388 = tpu.vector_load %arg11[%swap3A_385, %swap3A_386, %swap3A_387] {strides = array<i32>} : memref<2x128x128xf32, #tpu.memory_space<vmem>>, vector<16xf32>,
        tpu.vector_store %arg11[%swap3A_385, %swap3A_386, %swap3A_387], %mul3A_383 {strides = array<i32>} : memref<2x128x128xf32, #tpu.memory_space<vmem>>, vector<16xf32>,
        %get3A_389 = arith.constant 0 : i32
        %get3A_390 = arith.index_cast %get3A_389 : i32 to index
        %get3A_391 = arith.index_cast %add3A_311 : i32 to index
        %get3A_392 = arith.constant 112 : index
        %get3A_393 = tpu.vector_load %arg11[%get3A_390, %get3A_391, %get3A_392] {strides = array<i32>} : memref<2x128x128xf32, #tpu.memory_space<vmem>>, vector<16xf32>,
        %mul3A_394 = arith.mulf %get3A_393, %gather3A : vector<16xf32>
        %swap3A_395 = arith.constant 0 : i32
        %swap3A_396 = arith.index_cast %swap3A_395 : i32 to index
        %swap3A_397 = arith.index_cast %add3A_311 : i32 to index
        %swap3A_398 = arith.constant 112 : index
        %swap3A_399 = tpu.vector_load %arg11[%swap3A_396, %swap3A_397, %swap3A_398] {strides = array<i32>} : memref<2x128x128xf32, #tpu.memory_space<vmem>>, vector<16xf32>,
        tpu.vector_store %arg11[%swap3A_396, %swap3A_397, %swap3A_398], %mul3A_394 {strides = array<i32>} : memref<2x128x128xf32, #tpu.memory_space<vmem>>, vector<16xf32>,
      }
      %scan3A_239 = arith.constant 128 : i32
      %dma_start3A_240 = arith.constant 0 : i32
      %dma_start3A_241 = arith.constant 0 : i32
      %dma_start3A_242 = arith.constant 0 : i32
      %dma_start3A_243 = tpu.memref_slice %arg11[%dma_start3A_240, %dma_start3A_241, %dma_start3A_242] : memref<2x128x128xf32, #tpu.memory_space<vmem>> -> memref<1x128x128xf32, #tpu.memory_space<vmem>>
      %dma_start3A_244 = tpu.memref_squeeze %dma_start3A_243 : memref<1x128x128xf32, #tpu.memory_space<vmem>> -> memref<128x128xf32, #tpu.memory_space<vmem>>
      %dma_start3A_245 = arith.constant 0 : i32
      %dma_start3A_246 = tpu.memref_slice %arg8[%add3A_210, %dma_start3A_245] : memref<80x128xi32, #tpu.memory_space<vmem>> -> memref<1x128xi32, #tpu.memory_space<vmem>>
      %dma_start3A_247 = tpu.memref_squeeze %dma_start3A_246 : memref<1x128xi32, #tpu.memory_space<vmem>> -> memref<128xi32, #tpu.memory_space<vmem>>
      %dma_start3A_248 = arith.constant 0 : i32
      %dma_start3A_249 = arith.constant 0 : i32
      %dma_start3A_250 = tpu.memref_slice %arg18[%dma_start3A_248, %dma_start3A_249] : memref<10000x128xf32, #tpu.memory_space<vmem_shared>> -> memref<10000x128xf32, #tpu.memory_space<vmem_shared>>
      tpu.enqueue_indirect_dma source(%dma_start3A_244 : memref<128x128xf32, #tpu.memory_space<vmem>>) target(%dma_start3A_250 : memref<10000x128xf32, #tpu.memory_space<vmem_shared>>) offsets(%dma_start3A_247 : memref<128xi32, #tpu.memory_space<vmem>>) semaphore(%arg14 : memref<!tpu.dma_semaphore, #tpu.memory_space<semaphore_mem>>) {add = true}
      %add3A_251 = arith.constant 2 : i32
      %add3A_252 = arith.addi %add3A_210, %add3A_251 : i32
      %lt3A_253 = arith.constant 80 : i32
      %lt3A_254 = arith.cmpi slt, %add3A_252, %lt3A_253 : i32
      %convert_element_type3A_255 = arith.extui %lt3A_254 : i1 to i32
      %cond3A_256 = arith.constant 0 : i32
      %cond3A_257 = arith.cmpi ne, %convert_element_type3A_255, %cond3A_256 : i32
      scf.if %cond3A_257 {
        %add3A_307 = arith.constant 2 : i32
        %add3A_308 = arith.addi %add3A_210, %add3A_307 : i32
        %mul3A_309 = arith.constant 128 : i32
        %mul3A_310 = arith.muli %add3A_308, %mul3A_309 : i32
        %add3A_311 = arith.addi %mul3A_2, %mul3A_310 : i32
        %dma_start3A_312 = arith.constant 0 : i32
        %dma_start3A_313 = arith.constant 0 : i32
        %dma_start3A_314 = tpu.memref_slice %arg9[%dma_start3A_312, %dma_start3A_313] : memref<4x128xi32, #tpu.memory_space<vmem>> -> memref<1x128xi32, #tpu.memory_space<vmem>>
        %dma_start3A_315 = tpu.memref_squeeze %dma_start3A_314 : memref<1x128xi32, #tpu.memory_space<vmem>> -> memref<128xi32, #tpu.memory_space<vmem>>
        %dma_start3A_316 = tpu.memref_slice %arg3[%add3A_311] : memref<327680xi32, #tpu.memory_space<hbm>> -> memref<128xi32, #tpu.memory_space<hbm>>
        %dma_start3A_317 = arith.constant 0 : i32
        %dma_start3A_318 = tpu.memref_slice %arg9[%dma_start3A_312, %dma_start3A_317] : memref<4x128xi32, #tpu.memory_space<vmem>> -> memref<1x128xi32, #tpu.memory_space<vmem>>
        %dma_start3A_319 = tpu.memref_squeeze %dma_start3A_318 : memref<1x128xi32, #tpu.memory_space<vmem>> -> memref<128xi32, #tpu.memory_space<vmem>>
        %dma_start3A_320 = tpu.memref_slice %arg3[%add3A_311] : memref<327680xi32, #tpu.memory_space<hbm>> -> memref<128xi32, #tpu.memory_space<hbm>>
        tpu.enqueue_dma source(%dma_start3A_320 : memref<128xi32, #tpu.memory_space<hbm>>) target(%dma_start3A_319 : memref<128xi32, #tpu.memory_space<vmem>>) target_semaphore(%arg16 : memref<!tpu.dma_semaphore, #tpu.memory_space<semaphore_mem>>)
        %mul3A_321 = arith.constant 128 : i32
        %mul3A_322 = arith.muli %add3A_308, %mul3A_321 : i32
        %add3A_323 = arith.addi %mul3A_2, %mul3A_322 : i32
        %dma_start3A_324 = arith.constant 0 : i32
        %dma_start3A_325 = tpu.memref_slice %arg10[%dma_start3A_324] : memref<512xf32, #tpu.memory_space<vmem>> -> memref<128xf32, #tpu.memory_space<vmem>>
        %dma_start3A_326 = tpu.memref_slice %arg5[%add3A_323] : memref<327680xf32, #tpu.memory_space<hbm>> -> memref<128xf32, #tpu.memory_space<hbm>>
        %dma_start3A_327 = arith.constant 0 : i32
        %dma_start3A_328 = tpu.memref_slice %arg10[%dma_start3A_327] : memref<512xf32, #tpu.memory_space<vmem>> -> memref<128xf32, #tpu.memory_space<vmem>>
        %dma_start3A_329 = tpu.memref_slice %arg5[%add3A_323] : memref<327680xf32, #tpu.memory_space<hbm>> -> memref<128xf32, #tpu.memory_space<hbm>>
        tpu.enqueue_dma source(%dma_start3A_329 : memref<128xf32, #tpu.memory_space<hbm>>) target(%dma_start3A_328 : memref<128xf32, #tpu.memory_space<vmem>>) target_semaphore(%arg16 : memref<!tpu.dma_semaphore, #tpu.memory_space<semaphore_mem>>)
      } else {
      }
      %add3A_258 = arith.constant 3 : i32
      %add3A_259 = arith.addi %add3A_111, %add3A_258 : i32
      %dma_wait3A_260 = arith.constant 3 : i32
      %dma_wait3A_261 = arith.constant 1 : i32
      %dma_wait3A_262 = arith.constant 0 : i32
      %dma_wait3A_263 = arith.constant 0 : i32
      %dma_wait3A_264 = tpu.memref_slice %arg11[%dma_wait3A_261, %dma_wait3A_262, %dma_wait3A_263] : memref<2x128x128xf32, #tpu.memory_space<vmem>> -> memref<1x128x128xf32, #tpu.memory_space<vmem>>
      %dma_wait3A_265 = tpu.memref_squeeze %dma_wait3A_264 : memref<1x128x128xf32, #tpu.memory_space<vmem>> -> memref<128x128xf32, #tpu.memory_space<vmem>>
      %dma_wait3A_266 = arith.constant 0 : i32
      %dma_wait3A_267 = tpu.memref_slice %arg9[%dma_wait3A_260, %dma_wait3A_266] : memref<4x128xi32, #tpu.memory_space<vmem>> -> memref<1x128xi32, #tpu.memory_space<vmem>>
      %dma_wait3A_268 = tpu.memref_squeeze %dma_wait3A_267 : memref<1x128xi32, #tpu.memory_space<vmem>> -> memref<128xi32, #tpu.memory_space<vmem>>
      %dma_wait3A_269 = arith.constant 0 : i32
      %dma_wait3A_270 = arith.constant 0 : i32
      %dma_wait3A_271 = tpu.memref_slice %arg2[%dma_wait3A_269, %dma_wait3A_270] : memref<10000x128xf32, #tpu.memory_space<hbm>> -> memref<10000x128xf32, #tpu.memory_space<hbm>>
      tpu.wait_indirect_dma semaphore(%arg13 : memref<!tpu.dma_semaphore, #tpu.memory_space<semaphore_mem>>) src(%dma_wait3A_271 : memref<10000x128xf32, #tpu.memory_space<hbm>>) dst(%dma_wait3A_265 : memref<128x128xf32, #tpu.memory_space<vmem>>)
      %ge3A_272 = arith.constant 1 : i32
      %ge3A_273 = arith.cmpi sge, %add3A_259, %ge3A_272 : i32
      %convert_element_type3A_274 = arith.extui %ge3A_273 : i1 to i32
      %cond3A_275 = arith.constant 0 : i32
      %cond3A_276 = arith.cmpi ne, %convert_element_type3A_274, %cond3A_275 : i32
      scf.if %cond3A_276 {
        %dma_wait3A_307 = arith.constant 0 : i32
        %dma_wait3A_308 = arith.constant 0 : i32
        %dma_wait3A_309 = arith.constant 0 : i32
        %dma_wait3A_310 = tpu.memref_slice %arg11[%dma_wait3A_307, %dma_wait3A_308, %dma_wait3A_309] : memref<2x128x128xf32, #tpu.memory_space<vmem>> -> memref<1x128x128xf32, #tpu.memory_space<vmem>>
        %dma_wait3A_311 = tpu.memref_squeeze %dma_wait3A_310 : memref<1x128x128xf32, #tpu.memory_space<vmem>> -> memref<128x128xf32, #tpu.memory_space<vmem>>
        %dma_wait3A_312 = arith.constant 0 : i32
        %dma_wait3A_313 = tpu.memref_slice %arg8[%add3A_259, %dma_wait3A_312] : memref<80x128xi32, #tpu.memory_space<vmem>> -> memref<1x128xi32, #tpu.memory_space<vmem>>
        %dma_wait3A_314 = tpu.memref_squeeze %dma_wait3A_313 : memref<1x128xi32, #tpu.memory_space<vmem>> -> memref<128xi32, #tpu.memory_space<vmem>>
        %dma_wait3A_315 = arith.constant 0 : i32
        %dma_wait3A_316 = arith.constant 0 : i32
        %dma_wait3A_317 = tpu.memref_slice %arg18[%dma_wait3A_315, %dma_wait3A_316] : memref<10000x128xf32, #tpu.memory_space<vmem_shared>> -> memref<10000x128xf32, #tpu.memory_space<vmem_shared>>
        tpu.wait_indirect_dma semaphore(%arg14 : memref<!tpu.dma_semaphore, #tpu.memory_space<semaphore_mem>>) src(%dma_wait3A_311 : memref<128x128xf32, #tpu.memory_space<vmem>>) dst(%dma_wait3A_317 : memref<10000x128xf32, #tpu.memory_space<vmem_shared>>)
      } else {
      }
      %add3A_277 = arith.constant 1 : i32
      %add3A_278 = arith.addi %add3A_259, %add3A_277 : i32
      %lt3A_279 = arith.constant 80 : i32
      %lt3A_280 = arith.cmpi slt, %add3A_278, %lt3A_279 : i32
      %convert_element_type3A_281 = arith.extui %lt3A_280 : i1 to i32
      %cond3A_282 = arith.constant 0 : i32
      %cond3A_283 = arith.cmpi ne, %convert_element_type3A_281, %cond3A_282 : i32
      scf.if %cond3A_283 {
        %dma_wait3A_307 = arith.constant 0 : i32
        %dma_wait3A_308 = arith.constant 0 : i32
        %dma_wait3A_309 = tpu.memref_slice %arg9[%dma_wait3A_307, %dma_wait3A_308] : memref<4x128xi32, #tpu.memory_space<vmem>> -> memref<1x128xi32, #tpu.memory_space<vmem>>
        %dma_wait3A_310 = tpu.memref_squeeze %dma_wait3A_309 : memref<1x128xi32, #tpu.memory_space<vmem>> -> memref<128xi32, #tpu.memory_space<vmem>>
        %dma_wait3A_311 = arith.constant 0 : i32
        %dma_wait3A_312 = tpu.memref_slice %arg3[%dma_wait3A_311] : memref<327680xi32, #tpu.memory_space<hbm>> -> memref<128xi32, #tpu.memory_space<hbm>>
        %dma_wait3A_313 = arith.constant 0 : i32
        %dma_wait3A_314 = tpu.memref_slice %arg9[%dma_wait3A_307, %dma_wait3A_313] : memref<4x128xi32, #tpu.memory_space<vmem>> -> memref<1x128xi32, #tpu.memory_space<vmem>>
        %dma_wait3A_315 = tpu.memref_squeeze %dma_wait3A_314 : memref<1x128xi32, #tpu.memory_space<vmem>> -> memref<128xi32, #tpu.memory_space<vmem>>
        %dma_wait3A_316 = arith.constant 0 : i32
        %dma_wait3A_317 = tpu.memref_slice %arg3[%dma_wait3A_316] : memref<327680xi32, #tpu.memory_space<hbm>> -> memref<128xi32, #tpu.memory_space<hbm>>
        tpu.wait_dma2 semaphore(%arg16 : memref<!tpu.dma_semaphore, #tpu.memory_space<semaphore_mem>>) src(%dma_wait3A_317 : memref<128xi32, #tpu.memory_space<hbm>>) dst(%dma_wait3A_315 : memref<128xi32, #tpu.memory_space<vmem>>)
        %dma_wait3A_318 = arith.constant 0 : i32
        %dma_wait3A_319 = tpu.memref_slice %arg10[%dma_wait3A_318] : memref<512xf32, #tpu.memory_space<vmem>> -> memref<128xf32, #tpu.memory_space<vmem>>
        %dma_wait3A_320 = arith.constant 0 : i32
        %dma_wait3A_321 = tpu.memref_slice %arg5[%dma_wait3A_320] : memref<327680xf32, #tpu.memory_space<hbm>> -> memref<128xf32, #tpu.memory_space<hbm>>
        %dma_wait3A_322 = arith.constant 0 : i32
        %dma_wait3A_323 = tpu.memref_slice %arg10[%dma_wait3A_322] : memref<512xf32, #tpu.memory_space<vmem>> -> memref<128xf32, #tpu.memory_space<vmem>>
        %dma_wait3A_324 = arith.constant 0 : i32
        %dma_wait3A_325 = tpu.memref_slice %arg5[%dma_wait3A_324] : memref<327680xf32, #tpu.memory_space<hbm>> -> memref<128xf32, #tpu.memory_space<hbm>>
        tpu.wait_dma2 semaphore(%arg16 : memref<!tpu.dma_semaphore, #tpu.memory_space<semaphore_mem>>) src(%dma_wait3A_325 : memref<128xf32, #tpu.memory_space<hbm>>) dst(%dma_wait3A_323 : memref<128xf32, #tpu.memory_space<vmem>>)
        %dma_start3A_326 = arith.constant 0 : i32
        %dma_start3A_327 = arith.constant 0 : i32
        %dma_start3A_328 = arith.constant 0 : i32
        %dma_start3A_329 = arith.constant 0 : i32
        %dma_start3A_330 = tpu.memref_slice %arg11[%dma_start3A_327, %dma_start3A_328, %dma_start3A_329] : memref<2x128x128xf32, #tpu.memory_space<vmem>> -> memref<1x128x128xf32, #tpu.memory_space<vmem>>
        %dma_start3A_331 = tpu.memref_squeeze %dma_start3A_330 : memref<1x128x128xf32, #tpu.memory_space<vmem>> -> memref<128x128xf32, #tpu.memory_space<vmem>>
        %dma_start3A_332 = arith.constant 0 : i32
        %dma_start3A_333 = tpu.memref_slice %arg9[%dma_start3A_326, %dma_start3A_332] : memref<4x128xi32, #tpu.memory_space<vmem>> -> memref<1x128xi32, #tpu.memory_space<vmem>>
        %dma_start3A_334 = tpu.memref_squeeze %dma_start3A_333 : memref<1x128xi32, #tpu.memory_space<vmem>> -> memref<128xi32, #tpu.memory_space<vmem>>
        %dma_start3A_335 = arith.constant 0 : i32
        %dma_start3A_336 = arith.constant 0 : i32
        %dma_start3A_337 = tpu.memref_slice %arg2[%dma_start3A_335, %dma_start3A_336] : memref<10000x128xf32, #tpu.memory_space<hbm>> -> memref<10000x128xf32, #tpu.memory_space<hbm>>
        tpu.enqueue_indirect_dma source(%dma_start3A_337 : memref<10000x128xf32, #tpu.memory_space<hbm>>) target(%dma_start3A_331 : memref<128x128xf32, #tpu.memory_space<vmem>>) offsets(%dma_start3A_334 : memref<128xi32, #tpu.memory_space<vmem>>) semaphore(%arg12 : memref<!tpu.dma_semaphore, #tpu.memory_space<semaphore_mem>>)
      } else {
      }
      %scan3A_284 = arith.constant 0 : i32
      %scan3A_285 = arith.constant 128 : i32
      %scan3A_286 = arith.addi %scan3A_284, %scan3A_285 : i32
      %scan3A_287 = arith.constant 1 : i32
      scf.for %scan3A_307 = %scan3A_284 to %scan3A_286 step %scan3A_287  : i32 {
        %mul3A_308 = arith.constant 1 : i32
        %mul3A_309 = arith.muli %scan3A_307, %mul3A_308 : i32
        %add3A_310 = arith.constant 0 : i32
        %add3A_311 = arith.addi %add3A_310, %mul3A_309 : i32
        %add3A_312 = arith.constant 384 : i32
        %add3A_313 = arith.addi %add3A_312, %add3A_311 : i32
        %broadcast_in_dim3A = vector.broadcast %add3A_313 : i32 to vector<16xi32>
        %gather3A = tpu.vector_load_idx %arg10[%broadcast_in_dim3A] : memref<512xf32, #tpu.memory_space<vmem>>[vector<16xi32>], vector<16xf32>,
        %get3A = arith.constant 1 : i32
        %get3A_314 = arith.index_cast %get3A : i32 to index
        %get3A_315 = arith.index_cast %add3A_311 : i32 to index
        %get3A_316 = arith.constant 0 : index
        %get3A_317 = tpu.vector_load %arg11[%get3A_314, %get3A_315, %get3A_316] {strides = array<i32>} : memref<2x128x128xf32, #tpu.memory_space<vmem>>, vector<16xf32>,
        %mul3A_318 = arith.mulf %get3A_317, %gather3A : vector<16xf32>
        %swap3A = arith.constant 1 : i32
        %swap3A_319 = arith.index_cast %swap3A : i32 to index
        %swap3A_320 = arith.index_cast %add3A_311 : i32 to index
        %swap3A_321 = arith.constant 0 : index
        %swap3A_322 = tpu.vector_load %arg11[%swap3A_319, %swap3A_320, %swap3A_321] {strides = array<i32>} : memref<2x128x128xf32, #tpu.memory_space<vmem>>, vector<16xf32>,
        tpu.vector_store %arg11[%swap3A_319, %swap3A_320, %swap3A_321], %mul3A_318 {strides = array<i32>} : memref<2x128x128xf32, #tpu.memory_space<vmem>>, vector<16xf32>,
        %get3A_323 = arith.constant 1 : i32
        %get3A_324 = arith.index_cast %get3A_323 : i32 to index
        %get3A_325 = arith.index_cast %add3A_311 : i32 to index
        %get3A_326 = arith.constant 16 : index
        %get3A_327 = tpu.vector_load %arg11[%get3A_324, %get3A_325, %get3A_326] {strides = array<i32>} : memref<2x128x128xf32, #tpu.memory_space<vmem>>, vector<16xf32>,
        %mul3A_328 = arith.mulf %get3A_327, %gather3A : vector<16xf32>
        %swap3A_329 = arith.constant 1 : i32
        %swap3A_330 = arith.index_cast %swap3A_329 : i32 to index
        %swap3A_331 = arith.index_cast %add3A_311 : i32 to index
        %swap3A_332 = arith.constant 16 : index
        %swap3A_333 = tpu.vector_load %arg11[%swap3A_330, %swap3A_331, %swap3A_332] {strides = array<i32>} : memref<2x128x128xf32, #tpu.memory_space<vmem>>, vector<16xf32>,
        tpu.vector_store %arg11[%swap3A_330, %swap3A_331, %swap3A_332], %mul3A_328 {strides = array<i32>} : memref<2x128x128xf32, #tpu.memory_space<vmem>>, vector<16xf32>,
        %get3A_334 = arith.constant 1 : i32
        %get3A_335 = arith.index_cast %get3A_334 : i32 to index
        %get3A_336 = arith.index_cast %add3A_311 : i32 to index
        %get3A_337 = arith.constant 32 : index
        %get3A_338 = tpu.vector_load %arg11[%get3A_335, %get3A_336, %get3A_337] {strides = array<i32>} : memref<2x128x128xf32, #tpu.memory_space<vmem>>, vector<16xf32>,
        %mul3A_339 = arith.mulf %get3A_338, %gather3A : vector<16xf32>
        %swap3A_340 = arith.constant 1 : i32
        %swap3A_341 = arith.index_cast %swap3A_340 : i32 to index
        %swap3A_342 = arith.index_cast %add3A_311 : i32 to index
        %swap3A_343 = arith.constant 32 : index
        %swap3A_344 = tpu.vector_load %arg11[%swap3A_341, %swap3A_342, %swap3A_343] {strides = array<i32>} : memref<2x128x128xf32, #tpu.memory_space<vmem>>, vector<16xf32>,
        tpu.vector_store %arg11[%swap3A_341, %swap3A_342, %swap3A_343], %mul3A_339 {strides = array<i32>} : memref<2x128x128xf32, #tpu.memory_space<vmem>>, vector<16xf32>,
        %get3A_345 = arith.constant 1 : i32
        %get3A_346 = arith.index_cast %get3A_345 : i32 to index
        %get3A_347 = arith.index_cast %add3A_311 : i32 to index
        %get3A_348 = arith.constant 48 : index
        %get3A_349 = tpu.vector_load %arg11[%get3A_346, %get3A_347, %get3A_348] {strides = array<i32>} : memref<2x128x128xf32, #tpu.memory_space<vmem>>, vector<16xf32>,
        %mul3A_350 = arith.mulf %get3A_349, %gather3A : vector<16xf32>
        %swap3A_351 = arith.constant 1 : i32
        %swap3A_352 = arith.index_cast %swap3A_351 : i32 to index
        %swap3A_353 = arith.index_cast %add3A_311 : i32 to index
        %swap3A_354 = arith.constant 48 : index
        %swap3A_355 = tpu.vector_load %arg11[%swap3A_352, %swap3A_353, %swap3A_354] {strides = array<i32>} : memref<2x128x128xf32, #tpu.memory_space<vmem>>, vector<16xf32>,
        tpu.vector_store %arg11[%swap3A_352, %swap3A_353, %swap3A_354], %mul3A_350 {strides = array<i32>} : memref<2x128x128xf32, #tpu.memory_space<vmem>>, vector<16xf32>,
        %get3A_356 = arith.constant 1 : i32
        %get3A_357 = arith.index_cast %get3A_356 : i32 to index
        %get3A_358 = arith.index_cast %add3A_311 : i32 to index
        %get3A_359 = arith.constant 64 : index
        %get3A_360 = tpu.vector_load %arg11[%get3A_357, %get3A_358, %get3A_359] {strides = array<i32>} : memref<2x128x128xf32, #tpu.memory_space<vmem>>, vector<16xf32>,
        %mul3A_361 = arith.mulf %get3A_360, %gather3A : vector<16xf32>
        %swap3A_362 = arith.constant 1 : i32
        %swap3A_363 = arith.index_cast %swap3A_362 : i32 to index
        %swap3A_364 = arith.index_cast %add3A_311 : i32 to index
        %swap3A_365 = arith.constant 64 : index
        %swap3A_366 = tpu.vector_load %arg11[%swap3A_363, %swap3A_364, %swap3A_365] {strides = array<i32>} : memref<2x128x128xf32, #tpu.memory_space<vmem>>, vector<16xf32>,
        tpu.vector_store %arg11[%swap3A_363, %swap3A_364, %swap3A_365], %mul3A_361 {strides = array<i32>} : memref<2x128x128xf32, #tpu.memory_space<vmem>>, vector<16xf32>,
        %get3A_367 = arith.constant 1 : i32
        %get3A_368 = arith.index_cast %get3A_367 : i32 to index
        %get3A_369 = arith.index_cast %add3A_311 : i32 to index
        %get3A_370 = arith.constant 80 : index
        %get3A_371 = tpu.vector_load %arg11[%get3A_368, %get3A_369, %get3A_370] {strides = array<i32>} : memref<2x128x128xf32, #tpu.memory_space<vmem>>, vector<16xf32>,
        %mul3A_372 = arith.mulf %get3A_371, %gather3A : vector<16xf32>
        %swap3A_373 = arith.constant 1 : i32
        %swap3A_374 = arith.index_cast %swap3A_373 : i32 to index
        %swap3A_375 = arith.index_cast %add3A_311 : i32 to index
        %swap3A_376 = arith.constant 80 : index
        %swap3A_377 = tpu.vector_load %arg11[%swap3A_374, %swap3A_375, %swap3A_376] {strides = array<i32>} : memref<2x128x128xf32, #tpu.memory_space<vmem>>, vector<16xf32>,
        tpu.vector_store %arg11[%swap3A_374, %swap3A_375, %swap3A_376], %mul3A_372 {strides = array<i32>} : memref<2x128x128xf32, #tpu.memory_space<vmem>>, vector<16xf32>,
        %get3A_378 = arith.constant 1 : i32
        %get3A_379 = arith.index_cast %get3A_378 : i32 to index
        %get3A_380 = arith.index_cast %add3A_311 : i32 to index
        %get3A_381 = arith.constant 96 : index
        %get3A_382 = tpu.vector_load %arg11[%get3A_379, %get3A_380, %get3A_381] {strides = array<i32>} : memref<2x128x128xf32, #tpu.memory_space<vmem>>, vector<16xf32>,
        %mul3A_383 = arith.mulf %get3A_382, %gather3A : vector<16xf32>
        %swap3A_384 = arith.constant 1 : i32
        %swap3A_385 = arith.index_cast %swap3A_384 : i32 to index
        %swap3A_386 = arith.index_cast %add3A_311 : i32 to index
        %swap3A_387 = arith.constant 96 : index
        %swap3A_388 = tpu.vector_load %arg11[%swap3A_385, %swap3A_386, %swap3A_387] {strides = array<i32>} : memref<2x128x128xf32, #tpu.memory_space<vmem>>, vector<16xf32>,
        tpu.vector_store %arg11[%swap3A_385, %swap3A_386, %swap3A_387], %mul3A_383 {strides = array<i32>} : memref<2x128x128xf32, #tpu.memory_space<vmem>>, vector<16xf32>,
        %get3A_389 = arith.constant 1 : i32
        %get3A_390 = arith.index_cast %get3A_389 : i32 to index
        %get3A_391 = arith.index_cast %add3A_311 : i32 to index
        %get3A_392 = arith.constant 112 : index
        %get3A_393 = tpu.vector_load %arg11[%get3A_390, %get3A_391, %get3A_392] {strides = array<i32>} : memref<2x128x128xf32, #tpu.memory_space<vmem>>, vector<16xf32>,
        %mul3A_394 = arith.mulf %get3A_393, %gather3A : vector<16xf32>
        %swap3A_395 = arith.constant 1 : i32
        %swap3A_396 = arith.index_cast %swap3A_395 : i32 to index
        %swap3A_397 = arith.index_cast %add3A_311 : i32 to index
        %swap3A_398 = arith.constant 112 : index
        %swap3A_399 = tpu.vector_load %arg11[%swap3A_396, %swap3A_397, %swap3A_398] {strides = array<i32>} : memref<2x128x128xf32, #tpu.memory_space<vmem>>, vector<16xf32>,
        tpu.vector_store %arg11[%swap3A_396, %swap3A_397, %swap3A_398], %mul3A_394 {strides = array<i32>} : memref<2x128x128xf32, #tpu.memory_space<vmem>>, vector<16xf32>,
      }
      %scan3A_288 = arith.constant 128 : i32
      %dma_start3A_289 = arith.constant 1 : i32
      %dma_start3A_290 = arith.constant 0 : i32
      %dma_start3A_291 = arith.constant 0 : i32
      %dma_start3A_292 = tpu.memref_slice %arg11[%dma_start3A_289, %dma_start3A_290, %dma_start3A_291] : memref<2x128x128xf32, #tpu.memory_space<vmem>> -> memref<1x128x128xf32, #tpu.memory_space<vmem>>
      %dma_start3A_293 = tpu.memref_squeeze %dma_start3A_292 : memref<1x128x128xf32, #tpu.memory_space<vmem>> -> memref<128x128xf32, #tpu.memory_space<vmem>>
      %dma_start3A_294 = arith.constant 0 : i32
      %dma_start3A_295 = tpu.memref_slice %arg8[%add3A_259, %dma_start3A_294] : memref<80x128xi32, #tpu.memory_space<vmem>> -> memref<1x128xi32, #tpu.memory_space<vmem>>
      %dma_start3A_296 = tpu.memref_squeeze %dma_start3A_295 : memref<1x128xi32, #tpu.memory_space<vmem>> -> memref<128xi32, #tpu.memory_space<vmem>>
      %dma_start3A_297 = arith.constant 0 : i32
      %dma_start3A_298 = arith.constant 0 : i32
      %dma_start3A_299 = tpu.memref_slice %arg18[%dma_start3A_297, %dma_start3A_298] : memref<10000x128xf32, #tpu.memory_space<vmem_shared>> -> memref<10000x128xf32, #tpu.memory_space<vmem_shared>>
      tpu.enqueue_indirect_dma source(%dma_start3A_293 : memref<128x128xf32, #tpu.memory_space<vmem>>) target(%dma_start3A_299 : memref<10000x128xf32, #tpu.memory_space<vmem_shared>>) offsets(%dma_start3A_296 : memref<128xi32, #tpu.memory_space<vmem>>) semaphore(%arg15 : memref<!tpu.dma_semaphore, #tpu.memory_space<semaphore_mem>>) {add = true}
      %add3A_300 = arith.constant 2 : i32
      %add3A_301 = arith.addi %add3A_259, %add3A_300 : i32
      %lt3A_302 = arith.constant 80 : i32
      %lt3A_303 = arith.cmpi slt, %add3A_301, %lt3A_302 : i32
      %convert_element_type3A_304 = arith.extui %lt3A_303 : i1 to i32
      %cond3A_305 = arith.constant 0 : i32
      %cond3A_306 = arith.cmpi ne, %convert_element_type3A_304, %cond3A_305 : i32
      scf.if %cond3A_306 {
        %add3A_307 = arith.constant 2 : i32
        %add3A_308 = arith.addi %add3A_259, %add3A_307 : i32
        %mul3A_309 = arith.constant 128 : i32
        %mul3A_310 = arith.muli %add3A_308, %mul3A_309 : i32
        %add3A_311 = arith.addi %mul3A_2, %mul3A_310 : i32
        %dma_start3A_312 = arith.constant 1 : i32
        %dma_start3A_313 = arith.constant 0 : i32
        %dma_start3A_314 = tpu.memref_slice %arg9[%dma_start3A_312, %dma_start3A_313] : memref<4x128xi32, #tpu.memory_space<vmem>> -> memref<1x128xi32, #tpu.memory_space<vmem>>
        %dma_start3A_315 = tpu.memref_squeeze %dma_start3A_314 : memref<1x128xi32, #tpu.memory_space<vmem>> -> memref<128xi32, #tpu.memory_space<vmem>>
        %dma_start3A_316 = tpu.memref_slice %arg3[%add3A_311] : memref<327680xi32, #tpu.memory_space<hbm>> -> memref<128xi32, #tpu.memory_space<hbm>>
        %dma_start3A_317 = arith.constant 0 : i32
        %dma_start3A_318 = tpu.memref_slice %arg9[%dma_start3A_312, %dma_start3A_317] : memref<4x128xi32, #tpu.memory_space<vmem>> -> memref<1x128xi32, #tpu.memory_space<vmem>>
        %dma_start3A_319 = tpu.memref_squeeze %dma_start3A_318 : memref<1x128xi32, #tpu.memory_space<vmem>> -> memref<128xi32, #tpu.memory_space<vmem>>
        %dma_start3A_320 = tpu.memref_slice %arg3[%add3A_311] : memref<327680xi32, #tpu.memory_space<hbm>> -> memref<128xi32, #tpu.memory_space<hbm>>
        tpu.enqueue_dma source(%dma_start3A_320 : memref<128xi32, #tpu.memory_space<hbm>>) target(%dma_start3A_319 : memref<128xi32, #tpu.memory_space<vmem>>) target_semaphore(%arg17 : memref<!tpu.dma_semaphore, #tpu.memory_space<semaphore_mem>>)
        %mul3A_321 = arith.constant 128 : i32
        %mul3A_322 = arith.muli %add3A_308, %mul3A_321 : i32
        %add3A_323 = arith.addi %mul3A_2, %mul3A_322 : i32
        %dma_start3A_324 = arith.constant 128 : i32
        %dma_start3A_325 = tpu.memref_slice %arg10[%dma_start3A_324] : memref<512xf32, #tpu.memory_space<vmem>> -> memref<128xf32, #tpu.memory_space<vmem>>
        %dma_start3A_326 = tpu.memref_slice %arg5[%add3A_323] : memref<327680xf32, #tpu.memory_space<hbm>> -> memref<128xf32, #tpu.memory_space<hbm>>
        %dma_start3A_327 = arith.constant 128 : i32
        %dma_start3A_328 = tpu.memref_slice %arg10[%dma_start3A_327] : memref<512xf32, #tpu.memory_space<vmem>> -> memref<128xf32, #tpu.memory_space<vmem>>
        %dma_start3A_329 = tpu.memref_slice %arg5[%add3A_323] : memref<327680xf32, #tpu.memory_space<hbm>> -> memref<128xf32, #tpu.memory_space<hbm>>
        tpu.enqueue_dma source(%dma_start3A_329 : memref<128xf32, #tpu.memory_space<hbm>>) target(%dma_start3A_328 : memref<128xf32, #tpu.memory_space<vmem>>) target_semaphore(%arg17 : memref<!tpu.dma_semaphore, #tpu.memory_space<semaphore_mem>>)
      } else {
      }
    }
    %scan3A_83 = arith.constant 20 : i32
    %dma_wait3A_84 = arith.constant 1 : i32
    %dma_wait3A_85 = arith.constant 0 : i32
    %dma_wait3A_86 = arith.constant 0 : i32
    %dma_wait3A_87 = arith.constant 0 : i32
    %dma_wait3A_88 = tpu.memref_slice %arg11[%dma_wait3A_84, %dma_wait3A_86, %dma_wait3A_87] : memref<2x128x128xf32, #tpu.memory_space<vmem>> -> memref<1x128x128xf32, #tpu.memory_space<vmem>>
    %dma_wait3A_89 = tpu.memref_squeeze %dma_wait3A_88 : memref<1x128x128xf32, #tpu.memory_space<vmem>> -> memref<128x128xf32, #tpu.memory_space<vmem>>
    %dma_wait3A_90 = arith.constant 0 : i32
    %dma_wait3A_91 = tpu.memref_slice %arg8[%dma_wait3A_85, %dma_wait3A_90] : memref<80x128xi32, #tpu.memory_space<vmem>> -> memref<1x128xi32, #tpu.memory_space<vmem>>
    %dma_wait3A_92 = tpu.memref_squeeze %dma_wait3A_91 : memref<1x128xi32, #tpu.memory_space<vmem>> -> memref<128xi32, #tpu.memory_space<vmem>>
    %dma_wait3A_93 = arith.constant 0 : i32
    %dma_wait3A_94 = arith.constant 0 : i32
    %dma_wait3A_95 = tpu.memref_slice %arg18[%dma_wait3A_93, %dma_wait3A_94] : memref<10000x128xf32, #tpu.memory_space<vmem_shared>> -> memref<10000x128xf32, #tpu.memory_space<vmem_shared>>
    tpu.wait_indirect_dma semaphore(%arg15 : memref<!tpu.dma_semaphore, #tpu.memory_space<semaphore_mem>>) src(%dma_wait3A_89 : memref<128x128xf32, #tpu.memory_space<vmem>>) dst(%dma_wait3A_95 : memref<10000x128xf32, #tpu.memory_space<vmem_shared>>)
    %barrier3A_96 = arith.constant 0 : index
    tpu.barrier barrier_id(%barrier3A_96)
    %lt3A_97 = arith.constant 15 : i32
    %lt3A_98 = arith.cmpi slt, %arg1, %lt3A_97 : i32
    %convert_element_type3A_99 = arith.extui %lt3A_98 : i1 to i32
    %cond3A_100 = arith.constant 0 : i32
    %cond3A_101 = arith.cmpi ne, %convert_element_type3A_99, %cond3A_100 : i32
    scf.if %cond3A_101 {
      "tpu.region"() ({
        %run_scoped3A = tpu.sem_alloc : memref<!tpu.dma_semaphore, #tpu.memory_space<semaphore_mem>>
        %dma_start3A_107 = arith.constant 0 : i32
        %dma_start3A_108 = tpu.memref_slice %arg7[%arg0, %mul3A_6, %dma_start3A_107] : memref<2x10000x128xf32, #tpu.memory_space<hbm>> -> memref<1x632x128xf32, #tpu.memory_space<hbm>>
        %dma_start3A_109 = tpu.memref_squeeze %dma_start3A_108 : memref<1x632x128xf32, #tpu.memory_space<hbm>> -> memref<632x128xf32, #tpu.memory_space<hbm>>
        %dma_start3A_110 = arith.constant 0 : i32
        %dma_start3A_111 = tpu.memref_slice %arg18[%mul3A_6, %dma_start3A_110] : memref<10000x128xf32, #tpu.memory_space<vmem_shared>> -> memref<632x128xf32, #tpu.memory_space<vmem_shared>>
        tpu.enqueue_dma source(%dma_start3A_111 : memref<632x128xf32, #tpu.memory_space<vmem_shared>>) target(%dma_start3A_109 : memref<632x128xf32, #tpu.memory_space<hbm>>) target_semaphore(%run_scoped3A : memref<!tpu.dma_semaphore, #tpu.memory_space<semaphore_mem>>)
        %dma_wait3A_112 = arith.constant 0 : i32
        %dma_wait3A_113 = tpu.memref_slice %arg7[%arg0, %mul3A_6, %dma_wait3A_112] : memref<2x10000x128xf32, #tpu.memory_space<hbm>> -> memref<1x632x128xf32, #tpu.memory_space<hbm>>
        %dma_wait3A_114 = tpu.memref_squeeze %dma_wait3A_113 : memref<1x632x128xf32, #tpu.memory_space<hbm>> -> memref<632x128xf32, #tpu.memory_space<hbm>>
        %dma_wait3A_115 = arith.constant 0 : i32
        %dma_wait3A_116 = tpu.memref_slice %arg18[%mul3A_6, %dma_wait3A_115] : memref<10000x128xf32, #tpu.memory_space<vmem_shared>> -> memref<632x128xf32, #tpu.memory_space<vmem_shared>>
        tpu.wait_dma2 semaphore(%run_scoped3A : memref<!tpu.dma_semaphore, #tpu.memory_space<semaphore_mem>>) src(%dma_wait3A_116 : memref<632x128xf32, #tpu.memory_space<vmem_shared>>) dst(%dma_wait3A_114 : memref<632x128xf32, #tpu.memory_space<hbm>>)
        tpu.yield
      }) : () -> ()
    } else {
    }
    %eq3A_102 = arith.constant 15 : i32
    %eq3A_103 = arith.cmpi eq, %arg1, %eq3A_102 : i32
    %convert_element_type3A_104 = arith.extui %eq3A_103 : i1 to i32
    %cond3A_105 = arith.constant 0 : i32
    %cond3A_106 = arith.cmpi ne, %convert_element_type3A_104, %cond3A_105 : i32
    scf.if %cond3A_106 {
      "tpu.region"() ({
        %run_scoped3A = tpu.sem_alloc : memref<!tpu.dma_semaphore, #tpu.memory_space<semaphore_mem>>
        %dma_start3A_107 = arith.constant 9480 : i32
        %dma_start3A_108 = arith.constant 0 : i32
        %dma_start3A_109 = tpu.memref_slice %arg7[%arg0, %dma_start3A_107, %dma_start3A_108] : memref<2x10000x128xf32, #tpu.memory_space<hbm>> -> memref<1x520x128xf32, #tpu.memory_space<hbm>>
        %dma_start3A_110 = tpu.memref_squeeze %dma_start3A_109 : memref<1x520x128xf32, #tpu.memory_space<hbm>> -> memref<520x128xf32, #tpu.memory_space<hbm>>
        %dma_start3A_111 = arith.constant 9480 : i32
        %dma_start3A_112 = arith.constant 0 : i32
        %dma_start3A_113 = tpu.memref_slice %arg18[%dma_start3A_111, %dma_start3A_112] : memref<10000x128xf32, #tpu.memory_space<vmem_shared>> -> memref<520x128xf32, #tpu.memory_space<vmem_shared>>
        tpu.enqueue_dma source(%dma_start3A_113 : memref<520x128xf32, #tpu.memory_space<vmem_shared>>) target(%dma_start3A_110 : memref<520x128xf32, #tpu.memory_space<hbm>>) target_semaphore(%run_scoped3A : memref<!tpu.dma_semaphore, #tpu.memory_space<semaphore_mem>>)
        %dma_wait3A_114 = arith.constant 9480 : i32
        %dma_wait3A_115 = arith.constant 0 : i32
        %dma_wait3A_116 = tpu.memref_slice %arg7[%arg0, %dma_wait3A_114, %dma_wait3A_115] : memref<2x10000x128xf32, #tpu.memory_space<hbm>> -> memref<1x520x128xf32, #tpu.memory_space<hbm>>
        %dma_wait3A_117 = tpu.memref_squeeze %dma_wait3A_116 : memref<1x520x128xf32, #tpu.memory_space<hbm>> -> memref<520x128xf32, #tpu.memory_space<hbm>>
        %dma_wait3A_118 = arith.constant 9480 : i32
        %dma_wait3A_119 = arith.constant 0 : i32
        %dma_wait3A_120 = tpu.memref_slice %arg18[%dma_wait3A_118, %dma_wait3A_119] : memref<10000x128xf32, #tpu.memory_space<vmem_shared>> -> memref<520x128xf32, #tpu.memory_space<vmem_shared>>
        tpu.wait_dma2 semaphore(%run_scoped3A : memref<!tpu.dma_semaphore, #tpu.memory_space<semaphore_mem>>) src(%dma_wait3A_120 : memref<520x128xf32, #tpu.memory_space<vmem_shared>>) dst(%dma_wait3A_117 : memref<520x128xf32, #tpu.memory_space<hbm>>)
        tpu.yield
      }) : () -> ()
    } else {
    }
    return
  }
}

#map = affine_map<(d0, d1) -> (0, 0)>
#map1 = affine_map<(d0, d1) -> (0)>
#map2 = affine_map<(d0, d1) -> (0, 0, 0)>
module attributes {stable_mosaic.version = 14 : i64} {
  func.func @ek(%arg0: i32, %arg1: i32, %arg2: memref<10000x128xf32, #tpu.memory_space<hbm>>, %arg3: memref<327680xi32, #tpu.memory_space<hbm>>, %arg4: memref<2560x128xi32, #tpu.memory_space<hbm>>, %arg5: memref<327680xf32, #tpu.memory_space<hbm>>, %arg6: memref<10000x128xf32, #tpu.memory_space<hbm>>, %arg7: memref<2x10000x128xf32, #tpu.memory_space<hbm>>, %arg8: memref<80x128xi32, #tpu.memory_space<vmem>>, %arg9: memref<4x128xi32, #tpu.memory_space<vmem>>, %arg10: memref<512xf32, #tpu.memory_space<vmem>>, %arg11: memref<2x128x128xf32, #tpu.memory_space<vmem>>, %arg12: memref<!tpu.dma_semaphore, #tpu.memory_space<semaphore_mem>>, %arg13: memref<!tpu.dma_semaphore, #tpu.memory_space<semaphore_mem>>, %arg14: memref<!tpu.dma_semaphore, #tpu.memory_space<semaphore_mem>>, %arg15: memref<!tpu.dma_semaphore, #tpu.memory_space<semaphore_mem>>, %arg16: memref<!tpu.dma_semaphore, #tpu.memory_space<semaphore_mem>>, %arg17: memref<!tpu.dma_semaphore, #tpu.memory_space<semaphore_mem>>, %arg18: memref<10000x128xf32, #tpu.memory_space<vmem_shared>>) attributes {dimension_semantics = [#tpu.dimension_semantics<core_parallel>, #tpu.dimension_semantics<subcore_parallel>], iteration_bounds = array<i64: 2, 16>, scalar_prefetch = 0 : i64, scratch_operands = 11 : i64, tpu.core_type = #tpu.core_type<sc_vector_subcore>, window_params = [{transform_indices = #map}, {transform_indices = #map1}, {transform_indices = #map}, {transform_indices = #map1}, {transform_indices = #map}, {transform_indices = #map2}]} {
    %mul3A = arith.constant 16 : i32
    %mul3A_0 = arith.muli %arg0, %mul3A : i32
    %add3A = arith.addi %mul3A_0, %arg1 : i32
    %mul3A_1 = arith.constant 10240 : i32
    %mul3A_2 = arith.muli %add3A, %mul3A_1 : i32
    %mul3A_3 = arith.constant 80 : i32
    %mul3A_4 = arith.muli %add3A, %mul3A_3 : i32
    "tpu.region"() ({
      %run_scoped3A = tpu.sem_alloc : memref<!tpu.dma_semaphore, #tpu.memory_space<semaphore_mem>>
      %dma_start3A_107 = arith.constant 0 : i32
      %dma_start3A_108 = tpu.memref_slice %arg4[%mul3A_4, %dma_start3A_107] : memref<2560x128xi32, #tpu.memory_space<hbm>> -> memref<80x128xi32, #tpu.memory_space<hbm>>
      %dma_start3A_109 = arith.constant 0 : i32
      %dma_start3A_110 = tpu.memref_slice %arg4[%mul3A_4, %dma_start3A_109] : memref<2560x128xi32, #tpu.memory_space<hbm>> -> memref<80x128xi32, #tpu.memory_space<hbm>>
      tpu.enqueue_dma source(%dma_start3A_110 : memref<80x128xi32, #tpu.memory_space<hbm>>) target(%arg8 : memref<80x128xi32, #tpu.memory_space<vmem>>) target_semaphore(%run_scoped3A : memref<!tpu.dma_semaphore, #tpu.memory_space<semaphore_mem>>)
      %dma_wait3A_111 = arith.constant 0 : i32
      %dma_wait3A_112 = tpu.memref_slice %arg4[%mul3A_4, %dma_wait3A_111] : memref<2560x128xi32, #tpu.memory_space<hbm>> -> memref<80x128xi32, #tpu.memory_space<hbm>>
      %dma_wait3A_113 = arith.constant 0 : i32
      %dma_wait3A_114 = tpu.memref_slice %arg4[%mul3A_4, %dma_wait3A_113] : memref<2560x128xi32, #tpu.memory_space<hbm>> -> memref<80x128xi32, #tpu.memory_space<hbm>>
      tpu.wait_dma2 semaphore(%run_scoped3A : memref<!tpu.dma_semaphore, #tpu.memory_space<semaphore_mem>>) src(%dma_wait3A_114 : memref<80x128xi32, #tpu.memory_space<hbm>>) dst(%arg8 : memref<80x128xi32, #tpu.memory_space<vmem>>)
      tpu.yield
    }) : () -> ()
    %mul3A_5 = arith.constant 632 : i32
    %mul3A_6 = arith.muli %arg1, %mul3A_5 : i32
    %lt3A = arith.constant 15 : i32
    %lt3A_7 = arith.cmpi slt, %arg1, %lt3A : i32
    %convert_element_type3A = arith.extui %lt3A_7 : i1 to i32
    %cond3A = arith.constant 0 : i32
    %cond3A_8 = arith.cmpi ne, %convert_element_type3A, %cond3A : i32
    scf.if %cond3A_8 {
      "tpu.region"() ({
        %run_scoped3A = tpu.sem_alloc : memref<!tpu.dma_semaphore, #tpu.memory_space<semaphore_mem>>
        %dma_start3A_107 = arith.constant 0 : i32
        %dma_start3A_108 = tpu.memref_slice %arg18[%mul3A_6, %dma_start3A_107] : memref<10000x128xf32, #tpu.memory_space<vmem_shared>> -> memref<632x128xf32, #tpu.memory_space<vmem_shared>>
        %dma_start3A_109 = arith.constant 0 : i32
        %dma_start3A_110 = tpu.memref_slice %arg6[%mul3A_6, %dma_start3A_109] : memref<10000x128xf32, #tpu.memory_space<hbm>> -> memref<632x128xf32, #tpu.memory_space<hbm>>
        tpu.enqueue_dma source(%dma_start3A_110 : memref<632x128xf32, #tpu.memory_space<hbm>>) target(%dma_start3A_108 : memref<632x128xf32, #tpu.memory_space<vmem_shared>>) target_semaphore(%run_scoped3A : memref<!tpu.dma_semaphore, #tpu.memory_space<semaphore_mem>>)
        %dma_wait3A_111 = arith.constant 0 : i32
        %dma_wait3A_112 = tpu.memref_slice %arg18[%mul3A_6, %dma_wait3A_111] : memref<10000x128xf32, #tpu.memory_space<vmem_shared>> -> memref<632x128xf32, #tpu.memory_space<vmem_shared>>
        %dma_wait3A_113 = arith.constant 0 : i32
        %dma_wait3A_114 = tpu.memref_slice %arg6[%mul3A_6, %dma_wait3A_113] : memref<10000x128xf32, #tpu.memory_space<hbm>> -> memref<632x128xf32, #tpu.memory_space<hbm>>
        tpu.wait_dma2 semaphore(%run_scoped3A : memref<!tpu.dma_semaphore, #tpu.memory_space<semaphore_mem>>) src(%dma_wait3A_114 : memref<632x128xf32, #tpu.memory_space<hbm>>) dst(%dma_wait3A_112 : memref<632x128xf32, #tpu.memory_space<vmem_shared>>)
        tpu.yield
      }) : () -> ()
    } else {
    }
    %eq3A = arith.constant 15 : i32
    %eq3A_9 = arith.cmpi eq, %arg1, %eq3A : i32
    %convert_element_type3A_10 = arith.extui %eq3A_9 : i1 to i32
    %cond3A_11 = arith.constant 0 : i32
    %cond3A_12 = arith.cmpi ne, %convert_element_type3A_10, %cond3A_11 : i32
    scf.if %cond3A_12 {
      "tpu.region"() ({
        %run_scoped3A = tpu.sem_alloc : memref<!tpu.dma_semaphore, #tpu.memory_space<semaphore_mem>>
        %dma_start3A_107 = arith.constant 9480 : i32
        %dma_start3A_108 = arith.constant 0 : i32
        %dma_start3A_109 = tpu.memref_slice %arg18[%dma_start3A_107, %dma_start3A_108] : memref<10000x128xf32, #tpu.memory_space<vmem_shared>> -> memref<520x128xf32, #tpu.memory_space<vmem_shared>>
        %dma_start3A_110 = arith.constant 9480 : i32
        %dma_start3A_111 = arith.constant 0 : i32
        %dma_start3A_112 = tpu.memref_slice %arg6[%dma_start3A_110, %dma_start3A_111] : memref<10000x128xf32, #tpu.memory_space<hbm>> -> memref<520x128xf32, #tpu.memory_space<hbm>>
        tpu.enqueue_dma source(%dma_start3A_112 : memref<520x128xf32, #tpu.memory_space<hbm>>) target(%dma_start3A_109 : memref<520x128xf32, #tpu.memory_space<vmem_shared>>) target_semaphore(%run_scoped3A : memref<!tpu.dma_semaphore, #tpu.memory_space<semaphore_mem>>)
        %dma_wait3A_113 = arith.constant 9480 : i32
        %dma_wait3A_114 = arith.constant 0 : i32
        %dma_wait3A_115 = tpu.memref_slice %arg18[%dma_wait3A_113, %dma_wait3A_114] : memref<10000x128xf32, #tpu.memory_space<vmem_shared>> -> memref<520x128xf32, #tpu.memory_space<vmem_shared>>
        %dma_wait3A_116 = arith.constant 9480 : i32
        %dma_wait3A_117 = arith.constant 0 : i32
        %dma_wait3A_118 = tpu.memref_slice %arg6[%dma_wait3A_116, %dma_wait3A_117] : memref<10000x128xf32, #tpu.memory_space<hbm>> -> memref<520x128xf32, #tpu.memory_space<hbm>>
        tpu.wait_dma2 semaphore(%run_scoped3A : memref<!tpu.dma_semaphore, #tpu.memory_space<semaphore_mem>>) src(%dma_wait3A_118 : memref<520x128xf32, #tpu.memory_space<hbm>>) dst(%dma_wait3A_115 : memref<520x128xf32, #tpu.memory_space<vmem_shared>>)
        tpu.yield
      }) : () -> ()
    } else {
    }
    %barrier3A = arith.constant 0 : index
    tpu.barrier barrier_id(%barrier3A)
    %add3A_13 = arith.constant 0 : i32
    %add3A_14 = arith.addi %mul3A_2, %add3A_13 : i32
    %dma_start3A = arith.constant 0 : i32
    %dma_start3A_15 = arith.constant 0 : i32
    %dma_start3A_16 = tpu.memref_slice %arg9[%dma_start3A, %dma_start3A_15] : memref<4x128xi32, #tpu.memory_space<vmem>> -> memref<1x128xi32, #tpu.memory_space<vmem>>
    %dma_start3A_17 = tpu.memref_squeeze %dma_start3A_16 : memref<1x128xi32, #tpu.memory_space<vmem>> -> memref<128xi32, #tpu.memory_space<vmem>>
    %dma_start3A_18 = tpu.memref_slice %arg3[%add3A_14] : memref<327680xi32, #tpu.memory_space<hbm>> -> memref<128xi32, #tpu.memory_space<hbm>>
    %dma_start3A_19 = arith.constant 0 : i32
    %dma_start3A_20 = tpu.memref_slice %arg9[%dma_start3A, %dma_start3A_19] : memref<4x128xi32, #tpu.memory_space<vmem>> -> memref<1x128xi32, #tpu.memory_space<vmem>>
    %dma_start3A_21 = tpu.memref_squeeze %dma_start3A_20 : memref<1x128xi32, #tpu.memory_space<vmem>> -> memref<128xi32, #tpu.memory_space<vmem>>
    %dma_start3A_22 = tpu.memref_slice %arg3[%add3A_14] : memref<327680xi32, #tpu.memory_space<hbm>> -> memref<128xi32, #tpu.memory_space<hbm>>
    tpu.enqueue_dma source(%dma_start3A_22 : memref<128xi32, #tpu.memory_space<hbm>>) target(%dma_start3A_21 : memref<128xi32, #tpu.memory_space<vmem>>) target_semaphore(%arg16 : memref<!tpu.dma_semaphore, #tpu.memory_space<semaphore_mem>>)
    %add3A_23 = arith.constant 0 : i32
    %add3A_24 = arith.addi %mul3A_2, %add3A_23 : i32
    %dma_start3A_25 = arith.constant 0 : i32
    %dma_start3A_26 = tpu.memref_slice %arg10[%dma_start3A_25] : memref<512xf32, #tpu.memory_space<vmem>> -> memref<128xf32, #tpu.memory_space<vmem>>
    %dma_start3A_27 = tpu.memref_slice %arg5[%add3A_24] : memref<327680xf32, #tpu.memory_space<hbm>> -> memref<128xf32, #tpu.memory_space<hbm>>
    %dma_start3A_28 = arith.constant 0 : i32
    %dma_start3A_29 = tpu.memref_slice %arg10[%dma_start3A_28] : memref<512xf32, #tpu.memory_space<vmem>> -> memref<128xf32, #tpu.memory_space<vmem>>
    %dma_start3A_30 = tpu.memref_slice %arg5[%add3A_24] : memref<327680xf32, #tpu.memory_space<hbm>> -> memref<128xf32, #tpu.memory_space<hbm>>
    tpu.enqueue_dma source(%dma_start3A_30 : memref<128xf32, #tpu.memory_space<hbm>>) target(%dma_start3A_29 : memref<128xf32, #tpu.memory_space<vmem>>) target_semaphore(%arg16 : memref<!tpu.dma_semaphore, #tpu.memory_space<semaphore_mem>>)
    %add3A_31 = arith.constant 128 : i32
    %add3A_32 = arith.addi %mul3A_2, %add3A_31 : i32
    %dma_start3A_33 = arith.constant 1 : i32
    %dma_start3A_34 = arith.constant 0 : i32
    %dma_start3A_35 = tpu.memref_slice %arg9[%dma_start3A_33, %dma_start3A_34] : memref<4x128xi32, #tpu.memory_space<vmem>> -> memref<1x128xi32, #tpu.memory_space<vmem>>
    %dma_start3A_36 = tpu.memref_squeeze %dma_start3A_35 : memref<1x128xi32, #tpu.memory_space<vmem>> -> memref<128xi32, #tpu.memory_space<vmem>>
    %dma_start3A_37 = tpu.memref_slice %arg3[%add3A_32] : memref<327680xi32, #tpu.memory_space<hbm>> -> memref<128xi32, #tpu.memory_space<hbm>>
    %dma_start3A_38 = arith.constant 0 : i32
    %dma_start3A_39 = tpu.memref_slice %arg9[%dma_start3A_33, %dma_start3A_38] : memref<4x128xi32, #tpu.memory_space<vmem>> -> memref<1x128xi32, #tpu.memory_space<vmem>>
    %dma_start3A_40 = tpu.memref_squeeze %dma_start3A_39 : memref<1x128xi32, #tpu.memory_space<vmem>> -> memref<128xi32, #tpu.memory_space<vmem>>
    %dma_start3A_41 = tpu.memref_slice %arg3[%add3A_32] : memref<327680xi32, #tpu.memory_space<hbm>> -> memref<128xi32, #tpu.memory_space<hbm>>
    tpu.enqueue_dma source(%dma_start3A_41 : memref<128xi32, #tpu.memory_space<hbm>>) target(%dma_start3A_40 : memref<128xi32, #tpu.memory_space<vmem>>) target_semaphore(%arg17 : memref<!tpu.dma_semaphore, #tpu.memory_space<semaphore_mem>>)
    %add3A_42 = arith.constant 128 : i32
    %add3A_43 = arith.addi %mul3A_2, %add3A_42 : i32
    %dma_start3A_44 = arith.constant 128 : i32
    %dma_start3A_45 = tpu.memref_slice %arg10[%dma_start3A_44] : memref<512xf32, #tpu.memory_space<vmem>> -> memref<128xf32, #tpu.memory_space<vmem>>
    %dma_start3A_46 = tpu.memref_slice %arg5[%add3A_43] : memref<327680xf32, #tpu.memory_space<hbm>> -> memref<128xf32, #tpu.memory_space<hbm>>
    %dma_start3A_47 = arith.constant 128 : i32
    %dma_start3A_48 = tpu.memref_slice %arg10[%dma_start3A_47] : memref<512xf32, #tpu.memory_space<vmem>> -> memref<128xf32, #tpu.memory_space<vmem>>
    %dma_start3A_49 = tpu.memref_slice %arg5[%add3A_43] : memref<327680xf32, #tpu.memory_space<hbm>> -> memref<128xf32, #tpu.memory_space<hbm>>
    tpu.enqueue_dma source(%dma_start3A_49 : memref<128xf32, #tpu.memory_space<hbm>>) target(%dma_start3A_48 : memref<128xf32, #tpu.memory_space<vmem>>) target_semaphore(%arg17 : memref<!tpu.dma_semaphore, #tpu.memory_space<semaphore_mem>>)
    %dma_wait3A = arith.constant 0 : i32
    %dma_wait3A_50 = arith.constant 0 : i32
    %dma_wait3A_51 = tpu.memref_slice %arg9[%dma_wait3A, %dma_wait3A_50] : memref<4x128xi32, #tpu.memory_space<vmem>> -> memref<1x128xi32, #tpu.memory_space<vmem>>
    %dma_wait3A_52 = tpu.memref_squeeze %dma_wait3A_51 : memref<1x128xi32, #tpu.memory_space<vmem>> -> memref<128xi32, #tpu.memory_space<vmem>>
    %dma_wait3A_53 = arith.constant 0 : i32
    %dma_wait3A_54 = tpu.memref_slice %arg3[%dma_wait3A_53] : memref<327680xi32, #tpu.memory_space<hbm>> -> memref<128xi32, #tpu.memory_space<hbm>>
    %dma_wait3A_55 = arith.constant 0 : i32
    %dma_wait3A_56 = tpu.memref_slice %arg9[%dma_wait3A, %dma_wait3A_55] : memref<4x128xi32, #tpu.memory_space<vmem>> -> memref<1x128xi32, #tpu.memory_space<vmem>>
    %dma_wait3A_57 = tpu.memref_squeeze %dma_wait3A_56 : memref<1x128xi32, #tpu.memory_space<vmem>> -> memref<128xi32, #tpu.memory_space<vmem>>
    %dma_wait3A_58 = arith.constant 0 : i32
    %dma_wait3A_59 = tpu.memref_slice %arg3[%dma_wait3A_58] : memref<327680xi32, #tpu.memory_space<hbm>> -> memref<128xi32, #tpu.memory_space<hbm>>
    tpu.wait_dma2 semaphore(%arg16 : memref<!tpu.dma_semaphore, #tpu.memory_space<semaphore_mem>>) src(%dma_wait3A_59 : memref<128xi32, #tpu.memory_space<hbm>>) dst(%dma_wait3A_57 : memref<128xi32, #tpu.memory_space<vmem>>)
    %dma_wait3A_60 = arith.constant 0 : i32
    %dma_wait3A_61 = tpu.memref_slice %arg10[%dma_wait3A_60] : memref<512xf32, #tpu.memory_space<vmem>> -> memref<128xf32, #tpu.memory_space<vmem>>
    %dma_wait3A_62 = arith.constant 0 : i32
    %dma_wait3A_63 = tpu.memref_slice %arg5[%dma_wait3A_62] : memref<327680xf32, #tpu.memory_space<hbm>> -> memref<128xf32, #tpu.memory_space<hbm>>
    %dma_wait3A_64 = arith.constant 0 : i32
    %dma_wait3A_65 = tpu.memref_slice %arg10[%dma_wait3A_64] : memref<512xf32, #tpu.memory_space<vmem>> -> memref<128xf32, #tpu.memory_space<vmem>>
    %dma_wait3A_66 = arith.constant 0 : i32
    %dma_wait3A_67 = tpu.memref_slice %arg5[%dma_wait3A_66] : memref<327680xf32, #tpu.memory_space<hbm>> -> memref<128xf32, #tpu.memory_space<hbm>>
    tpu.wait_dma2 semaphore(%arg16 : memref<!tpu.dma_semaphore, #tpu.memory_space<semaphore_mem>>) src(%dma_wait3A_67 : memref<128xf32, #tpu.memory_space<hbm>>) dst(%dma_wait3A_65 : memref<128xf32, #tpu.memory_space<vmem>>)
    %dma_start3A_68 = arith.constant 0 : i32
    %dma_start3A_69 = arith.constant 0 : i32
    %dma_start3A_70 = arith.constant 0 : i32
    %dma_start3A_71 = arith.constant 0 : i32
    %dma_start3A_72 = tpu.memref_slice %arg11[%dma_start3A_69, %dma_start3A_70, %dma_start3A_71] : memref<2x128x128xf32, #tpu.memory_space<vmem>> -> memref<1x128x128xf32, #tpu.memory_space<vmem>>
    %dma_start3A_73 = tpu.memref_squeeze %dma_start3A_72 : memref<1x128x128xf32, #tpu.memory_space<vmem>> -> memref<128x128xf32, #tpu.memory_space<vmem>>
    %dma_start3A_74 = arith.constant 0 : i32
    %dma_start3A_75 = tpu.memref_slice %arg9[%dma_start3A_68, %dma_start3A_74] : memref<4x128xi32, #tpu.memory_space<vmem>> -> memref<1x128xi32, #tpu.memory_space<vmem>>
    %dma_start3A_76 = tpu.memref_squeeze %dma_start3A_75 : memref<1x128xi32, #tpu.memory_space<vmem>> -> memref<128xi32, #tpu.memory_space<vmem>>
    %dma_start3A_77 = arith.constant 0 : i32
    %dma_start3A_78 = arith.constant 0 : i32
    %dma_start3A_79 = tpu.memref_slice %arg2[%dma_start3A_77, %dma_start3A_78] : memref<10000x128xf32, #tpu.memory_space<hbm>> -> memref<10000x128xf32, #tpu.memory_space<hbm>>
    tpu.enqueue_indirect_dma source(%dma_start3A_79 : memref<10000x128xf32, #tpu.memory_space<hbm>>) target(%dma_start3A_73 : memref<128x128xf32, #tpu.memory_space<vmem>>) offsets(%dma_start3A_76 : memref<128xi32, #tpu.memory_space<vmem>>) semaphore(%arg12 : memref<!tpu.dma_semaphore, #tpu.memory_space<semaphore_mem>>)
    %scan3A = arith.constant 0 : i32
    %scan3A_80 = arith.constant 20 : i32
    %scan3A_81 = arith.addi %scan3A, %scan3A_80 : i32
    %scan3A_82 = arith.constant 1 : i32
    scf.for %scan3A_107 = %scan3A to %scan3A_81 step %scan3A_82  : i32 {
      %mul3A_108 = arith.constant 4 : i32
      %mul3A_109 = arith.muli %scan3A_107, %mul3A_108 : i32
      %add3A_110 = arith.constant 0 : i32
      %add3A_111 = arith.addi %add3A_110, %mul3A_109 : i32
      %add3A_112 = arith.constant 0 : i32
      %add3A_113 = arith.addi %add3A_111, %add3A_112 : i32
      %dma_wait3A_114 = arith.constant 0 : i32
      %dma_wait3A_115 = arith.constant 0 : i32
      %dma_wait3A_116 = arith.constant 0 : i32
      %dma_wait3A_117 = arith.constant 0 : i32
      %dma_wait3A_118 = tpu.memref_slice %arg11[%dma_wait3A_115, %dma_wait3A_116, %dma_wait3A_117] : memref<2x128x128xf32, #tpu.memory_space<vmem>> -> memref<1x128x128xf32, #tpu.memory_space<vmem>>
      %dma_wait3A_119 = tpu.memref_squeeze %dma_wait3A_118 : memref<1x128x128xf32, #tpu.memory_space<vmem>> -> memref<128x128xf32, #tpu.memory_space<vmem>>
      %dma_wait3A_120 = arith.constant 0 : i32
      %dma_wait3A_121 = tpu.memref_slice %arg9[%dma_wait3A_114, %dma_wait3A_120] : memref<4x128xi32, #tpu.memory_space<vmem>> -> memref<1x128xi32, #tpu.memory_space<vmem>>
      %dma_wait3A_122 = tpu.memref_squeeze %dma_wait3A_121 : memref<1x128xi32, #tpu.memory_space<vmem>> -> memref<128xi32, #tpu.memory_space<vmem>>
      %dma_wait3A_123 = arith.constant 0 : i32
      %dma_wait3A_124 = arith.constant 0 : i32
      %dma_wait3A_125 = tpu.memref_slice %arg2[%dma_wait3A_123, %dma_wait3A_124] : memref<10000x128xf32, #tpu.memory_space<hbm>> -> memref<10000x128xf32, #tpu.memory_space<hbm>>
      tpu.wait_indirect_dma semaphore(%arg12 : memref<!tpu.dma_semaphore, #tpu.memory_space<semaphore_mem>>) src(%dma_wait3A_125 : memref<10000x128xf32, #tpu.memory_space<hbm>>) dst(%dma_wait3A_119 : memref<128x128xf32, #tpu.memory_space<vmem>>)
      %ge3A = arith.constant 1 : i32
      %ge3A_126 = arith.cmpi sge, %add3A_113, %ge3A : i32
      %convert_element_type3A_127 = arith.extui %ge3A_126 : i1 to i32
      %cond3A_128 = arith.constant 0 : i32
      %cond3A_129 = arith.cmpi ne, %convert_element_type3A_127, %cond3A_128 : i32
      scf.if %cond3A_129 {
        %dma_wait3A_307 = arith.constant 1 : i32
        %dma_wait3A_308 = arith.constant 0 : i32
        %dma_wait3A_309 = arith.constant 0 : i32
        %dma_wait3A_310 = tpu.memref_slice %arg11[%dma_wait3A_307, %dma_wait3A_308, %dma_wait3A_309] : memref<2x128x128xf32, #tpu.memory_space<vmem>> -> memref<1x128x128xf32, #tpu.memory_space<vmem>>
        %dma_wait3A_311 = tpu.memref_squeeze %dma_wait3A_310 : memref<1x128x128xf32, #tpu.memory_space<vmem>> -> memref<128x128xf32, #tpu.memory_space<vmem>>
        %dma_wait3A_312 = arith.constant 0 : i32
        %dma_wait3A_313 = tpu.memref_slice %arg8[%add3A_113, %dma_wait3A_312] : memref<80x128xi32, #tpu.memory_space<vmem>> -> memref<1x128xi32, #tpu.memory_space<vmem>>
        %dma_wait3A_314 = tpu.memref_squeeze %dma_wait3A_313 : memref<1x128xi32, #tpu.memory_space<vmem>> -> memref<128xi32, #tpu.memory_space<vmem>>
        %dma_wait3A_315 = arith.constant 0 : i32
        %dma_wait3A_316 = arith.constant 0 : i32
        %dma_wait3A_317 = tpu.memref_slice %arg18[%dma_wait3A_315, %dma_wait3A_316] : memref<10000x128xf32, #tpu.memory_space<vmem_shared>> -> memref<10000x128xf32, #tpu.memory_space<vmem_shared>>
        tpu.wait_indirect_dma semaphore(%arg15 : memref<!tpu.dma_semaphore, #tpu.memory_space<semaphore_mem>>) src(%dma_wait3A_311 : memref<128x128xf32, #tpu.memory_space<vmem>>) dst(%dma_wait3A_317 : memref<10000x128xf32, #tpu.memory_space<vmem_shared>>)
      } else {
      }
      %add3A_130 = arith.constant 1 : i32
      %add3A_131 = arith.addi %add3A_113, %add3A_130 : i32
      %lt3A_132 = arith.constant 80 : i32
      %lt3A_133 = arith.cmpi slt, %add3A_131, %lt3A_132 : i32
      %convert_element_type3A_134 = arith.extui %lt3A_133 : i1 to i32
      %cond3A_135 = arith.constant 0 : i32
      %cond3A_136 = arith.cmpi ne, %convert_element_type3A_134, %cond3A_135 : i32
      scf.if %cond3A_136 {
        %dma_wait3A_307 = arith.constant 1 : i32
        %dma_wait3A_308 = arith.constant 0 : i32
        %dma_wait3A_309 = tpu.memref_slice %arg9[%dma_wait3A_307, %dma_wait3A_308] : memref<4x128xi32, #tpu.memory_space<vmem>> -> memref<1x128xi32, #tpu.memory_space<vmem>>
        %dma_wait3A_310 = tpu.memref_squeeze %dma_wait3A_309 : memref<1x128xi32, #tpu.memory_space<vmem>> -> memref<128xi32, #tpu.memory_space<vmem>>
        %dma_wait3A_311 = arith.constant 0 : i32
        %dma_wait3A_312 = tpu.memref_slice %arg3[%dma_wait3A_311] : memref<327680xi32, #tpu.memory_space<hbm>> -> memref<128xi32, #tpu.memory_space<hbm>>
        %dma_wait3A_313 = arith.constant 0 : i32
        %dma_wait3A_314 = tpu.memref_slice %arg9[%dma_wait3A_307, %dma_wait3A_313] : memref<4x128xi32, #tpu.memory_space<vmem>> -> memref<1x128xi32, #tpu.memory_space<vmem>>
        %dma_wait3A_315 = tpu.memref_squeeze %dma_wait3A_314 : memref<1x128xi32, #tpu.memory_space<vmem>> -> memref<128xi32, #tpu.memory_space<vmem>>
        %dma_wait3A_316 = arith.constant 0 : i32
        %dma_wait3A_317 = tpu.memref_slice %arg3[%dma_wait3A_316] : memref<327680xi32, #tpu.memory_space<hbm>> -> memref<128xi32, #tpu.memory_space<hbm>>
        tpu.wait_dma2 semaphore(%arg17 : memref<!tpu.dma_semaphore, #tpu.memory_space<semaphore_mem>>) src(%dma_wait3A_317 : memref<128xi32, #tpu.memory_space<hbm>>) dst(%dma_wait3A_315 : memref<128xi32, #tpu.memory_space<vmem>>)
        %dma_wait3A_318 = arith.constant 128 : i32
        %dma_wait3A_319 = tpu.memref_slice %arg10[%dma_wait3A_318] : memref<512xf32, #tpu.memory_space<vmem>> -> memref<128xf32, #tpu.memory_space<vmem>>
        %dma_wait3A_320 = arith.constant 0 : i32
        %dma_wait3A_321 = tpu.memref_slice %arg5[%dma_wait3A_320] : memref<327680xf32, #tpu.memory_space<hbm>> -> memref<128xf32, #tpu.memory_space<hbm>>
        %dma_wait3A_322 = arith.constant 128 : i32
        %dma_wait3A_323 = tpu.memref_slice %arg10[%dma_wait3A_322] : memref<512xf32, #tpu.memory_space<vmem>> -> memref<128xf32, #tpu.memory_space<vmem>>
        %dma_wait3A_324 = arith.constant 0 : i32
        %dma_wait3A_325 = tpu.memref_slice %arg5[%dma_wait3A_324] : memref<327680xf32, #tpu.memory_space<hbm>> -> memref<128xf32, #tpu.memory_space<hbm>>
        tpu.wait_dma2 semaphore(%arg17 : memref<!tpu.dma_semaphore, #tpu.memory_space<semaphore_mem>>) src(%dma_wait3A_325 : memref<128xf32, #tpu.memory_space<hbm>>) dst(%dma_wait3A_323 : memref<128xf32, #tpu.memory_space<vmem>>)
        %dma_start3A_326 = arith.constant 1 : i32
        %dma_start3A_327 = arith.constant 1 : i32
        %dma_start3A_328 = arith.constant 0 : i32
        %dma_start3A_329 = arith.constant 0 : i32
        %dma_start3A_330 = tpu.memref_slice %arg11[%dma_start3A_327, %dma_start3A_328, %dma_start3A_329] : memref<2x128x128xf32, #tpu.memory_space<vmem>> -> memref<1x128x128xf32, #tpu.memory_space<vmem>>
        %dma_start3A_331 = tpu.memref_squeeze %dma_start3A_330 : memref<1x128x128xf32, #tpu.memory_space<vmem>> -> memref<128x128xf32, #tpu.memory_space<vmem>>
        %dma_start3A_332 = arith.constant 0 : i32
        %dma_start3A_333 = tpu.memref_slice %arg9[%dma_start3A_326, %dma_start3A_332] : memref<4x128xi32, #tpu.memory_space<vmem>> -> memref<1x128xi32, #tpu.memory_space<vmem>>
        %dma_start3A_334 = tpu.memref_squeeze %dma_start3A_333 : memref<1x128xi32, #tpu.memory_space<vmem>> -> memref<128xi32, #tpu.memory_space<vmem>>
        %dma_start3A_335 = arith.constant 0 : i32
        %dma_start3A_336 = arith.constant 0 : i32
        %dma_start3A_337 = tpu.memref_slice %arg2[%dma_start3A_335, %dma_start3A_336] : memref<10000x128xf32, #tpu.memory_space<hbm>> -> memref<10000x128xf32, #tpu.memory_space<hbm>>
        tpu.enqueue_indirect_dma source(%dma_start3A_337 : memref<10000x128xf32, #tpu.memory_space<hbm>>) target(%dma_start3A_331 : memref<128x128xf32, #tpu.memory_space<vmem>>) offsets(%dma_start3A_334 : memref<128xi32, #tpu.memory_space<vmem>>) semaphore(%arg13 : memref<!tpu.dma_semaphore, #tpu.memory_space<semaphore_mem>>)
      } else {
      }
      %scan3A_137 = arith.constant 0 : i32
      %scan3A_138 = arith.constant 128 : i32
      %scan3A_139 = arith.addi %scan3A_137, %scan3A_138 : i32
      %scan3A_140 = arith.constant 1 : i32
      scf.for %scan3A_307 = %scan3A_137 to %scan3A_139 step %scan3A_140  : i32 {
        %mul3A_308 = arith.constant 1 : i32
        %mul3A_309 = arith.muli %scan3A_307, %mul3A_308 : i32
        %add3A_310 = arith.constant 0 : i32
        %add3A_311 = arith.addi %add3A_310, %mul3A_309 : i32
        %add3A_312 = arith.constant 0 : i32
        %add3A_313 = arith.addi %add3A_312, %add3A_311 : i32
        %broadcast_in_dim3A = vector.broadcast %add3A_313 : i32 to vector<16xi32>
        %gather3A = tpu.vector_load_idx %arg10[%broadcast_in_dim3A] : memref<512xf32, #tpu.memory_space<vmem>>[vector<16xi32>], vector<16xf32>,
        %get3A = arith.constant 0 : i32
        %get3A_314 = arith.index_cast %get3A : i32 to index
        %get3A_315 = arith.index_cast %add3A_311 : i32 to index
        %get3A_316 = arith.constant 0 : index
        %get3A_317 = tpu.vector_load %arg11[%get3A_314, %get3A_315, %get3A_316] {strides = array<i32>} : memref<2x128x128xf32, #tpu.memory_space<vmem>>, vector<16xf32>,
        %mul3A_318 = arith.mulf %get3A_317, %gather3A : vector<16xf32>
        %swap3A = arith.constant 0 : i32
        %swap3A_319 = arith.index_cast %swap3A : i32 to index
        %swap3A_320 = arith.index_cast %add3A_311 : i32 to index
        %swap3A_321 = arith.constant 0 : index
        %swap3A_322 = tpu.vector_load %arg11[%swap3A_319, %swap3A_320, %swap3A_321] {strides = array<i32>} : memref<2x128x128xf32, #tpu.memory_space<vmem>>, vector<16xf32>,
        tpu.vector_store %arg11[%swap3A_319, %swap3A_320, %swap3A_321], %mul3A_318 {strides = array<i32>} : memref<2x128x128xf32, #tpu.memory_space<vmem>>, vector<16xf32>,
        %get3A_323 = arith.constant 0 : i32
        %get3A_324 = arith.index_cast %get3A_323 : i32 to index
        %get3A_325 = arith.index_cast %add3A_311 : i32 to index
        %get3A_326 = arith.constant 16 : index
        %get3A_327 = tpu.vector_load %arg11[%get3A_324, %get3A_325, %get3A_326] {strides = array<i32>} : memref<2x128x128xf32, #tpu.memory_space<vmem>>, vector<16xf32>,
        %mul3A_328 = arith.mulf %get3A_327, %gather3A : vector<16xf32>
        %swap3A_329 = arith.constant 0 : i32
        %swap3A_330 = arith.index_cast %swap3A_329 : i32 to index
        %swap3A_331 = arith.index_cast %add3A_311 : i32 to index
        %swap3A_332 = arith.constant 16 : index
        %swap3A_333 = tpu.vector_load %arg11[%swap3A_330, %swap3A_331, %swap3A_332] {strides = array<i32>} : memref<2x128x128xf32, #tpu.memory_space<vmem>>, vector<16xf32>,
        tpu.vector_store %arg11[%swap3A_330, %swap3A_331, %swap3A_332], %mul3A_328 {strides = array<i32>} : memref<2x128x128xf32, #tpu.memory_space<vmem>>, vector<16xf32>,
        %get3A_334 = arith.constant 0 : i32
        %get3A_335 = arith.index_cast %get3A_334 : i32 to index
        %get3A_336 = arith.index_cast %add3A_311 : i32 to index
        %get3A_337 = arith.constant 32 : index
        %get3A_338 = tpu.vector_load %arg11[%get3A_335, %get3A_336, %get3A_337] {strides = array<i32>} : memref<2x128x128xf32, #tpu.memory_space<vmem>>, vector<16xf32>,
        %mul3A_339 = arith.mulf %get3A_338, %gather3A : vector<16xf32>
        %swap3A_340 = arith.constant 0 : i32
        %swap3A_341 = arith.index_cast %swap3A_340 : i32 to index
        %swap3A_342 = arith.index_cast %add3A_311 : i32 to index
        %swap3A_343 = arith.constant 32 : index
        %swap3A_344 = tpu.vector_load %arg11[%swap3A_341, %swap3A_342, %swap3A_343] {strides = array<i32>} : memref<2x128x128xf32, #tpu.memory_space<vmem>>, vector<16xf32>,
        tpu.vector_store %arg11[%swap3A_341, %swap3A_342, %swap3A_343], %mul3A_339 {strides = array<i32>} : memref<2x128x128xf32, #tpu.memory_space<vmem>>, vector<16xf32>,
        %get3A_345 = arith.constant 0 : i32
        %get3A_346 = arith.index_cast %get3A_345 : i32 to index
        %get3A_347 = arith.index_cast %add3A_311 : i32 to index
        %get3A_348 = arith.constant 48 : index
        %get3A_349 = tpu.vector_load %arg11[%get3A_346, %get3A_347, %get3A_348] {strides = array<i32>} : memref<2x128x128xf32, #tpu.memory_space<vmem>>, vector<16xf32>,
        %mul3A_350 = arith.mulf %get3A_349, %gather3A : vector<16xf32>
        %swap3A_351 = arith.constant 0 : i32
        %swap3A_352 = arith.index_cast %swap3A_351 : i32 to index
        %swap3A_353 = arith.index_cast %add3A_311 : i32 to index
        %swap3A_354 = arith.constant 48 : index
        %swap3A_355 = tpu.vector_load %arg11[%swap3A_352, %swap3A_353, %swap3A_354] {strides = array<i32>} : memref<2x128x128xf32, #tpu.memory_space<vmem>>, vector<16xf32>,
        tpu.vector_store %arg11[%swap3A_352, %swap3A_353, %swap3A_354], %mul3A_350 {strides = array<i32>} : memref<2x128x128xf32, #tpu.memory_space<vmem>>, vector<16xf32>,
        %get3A_356 = arith.constant 0 : i32
        %get3A_357 = arith.index_cast %get3A_356 : i32 to index
        %get3A_358 = arith.index_cast %add3A_311 : i32 to index
        %get3A_359 = arith.constant 64 : index
        %get3A_360 = tpu.vector_load %arg11[%get3A_357, %get3A_358, %get3A_359] {strides = array<i32>} : memref<2x128x128xf32, #tpu.memory_space<vmem>>, vector<16xf32>,
        %mul3A_361 = arith.mulf %get3A_360, %gather3A : vector<16xf32>
        %swap3A_362 = arith.constant 0 : i32
        %swap3A_363 = arith.index_cast %swap3A_362 : i32 to index
        %swap3A_364 = arith.index_cast %add3A_311 : i32 to index
        %swap3A_365 = arith.constant 64 : index
        %swap3A_366 = tpu.vector_load %arg11[%swap3A_363, %swap3A_364, %swap3A_365] {strides = array<i32>} : memref<2x128x128xf32, #tpu.memory_space<vmem>>, vector<16xf32>,
        tpu.vector_store %arg11[%swap3A_363, %swap3A_364, %swap3A_365], %mul3A_361 {strides = array<i32>} : memref<2x128x128xf32, #tpu.memory_space<vmem>>, vector<16xf32>,
        %get3A_367 = arith.constant 0 : i32
        %get3A_368 = arith.index_cast %get3A_367 : i32 to index
        %get3A_369 = arith.index_cast %add3A_311 : i32 to index
        %get3A_370 = arith.constant 80 : index
        %get3A_371 = tpu.vector_load %arg11[%get3A_368, %get3A_369, %get3A_370] {strides = array<i32>} : memref<2x128x128xf32, #tpu.memory_space<vmem>>, vector<16xf32>,
        %mul3A_372 = arith.mulf %get3A_371, %gather3A : vector<16xf32>
        %swap3A_373 = arith.constant 0 : i32
        %swap3A_374 = arith.index_cast %swap3A_373 : i32 to index
        %swap3A_375 = arith.index_cast %add3A_311 : i32 to index
        %swap3A_376 = arith.constant 80 : index
        %swap3A_377 = tpu.vector_load %arg11[%swap3A_374, %swap3A_375, %swap3A_376] {strides = array<i32>} : memref<2x128x128xf32, #tpu.memory_space<vmem>>, vector<16xf32>,
        tpu.vector_store %arg11[%swap3A_374, %swap3A_375, %swap3A_376], %mul3A_372 {strides = array<i32>} : memref<2x128x128xf32, #tpu.memory_space<vmem>>, vector<16xf32>,
        %get3A_378 = arith.constant 0 : i32
        %get3A_379 = arith.index_cast %get3A_378 : i32 to index
        %get3A_380 = arith.index_cast %add3A_311 : i32 to index
        %get3A_381 = arith.constant 96 : index
        %get3A_382 = tpu.vector_load %arg11[%get3A_379, %get3A_380, %get3A_381] {strides = array<i32>} : memref<2x128x128xf32, #tpu.memory_space<vmem>>, vector<16xf32>,
        %mul3A_383 = arith.mulf %get3A_382, %gather3A : vector<16xf32>
        %swap3A_384 = arith.constant 0 : i32
        %swap3A_385 = arith.index_cast %swap3A_384 : i32 to index
        %swap3A_386 = arith.index_cast %add3A_311 : i32 to index
        %swap3A_387 = arith.constant 96 : index
        %swap3A_388 = tpu.vector_load %arg11[%swap3A_385, %swap3A_386, %swap3A_387] {strides = array<i32>} : memref<2x128x128xf32, #tpu.memory_space<vmem>>, vector<16xf32>,
        tpu.vector_store %arg11[%swap3A_385, %swap3A_386, %swap3A_387], %mul3A_383 {strides = array<i32>} : memref<2x128x128xf32, #tpu.memory_space<vmem>>, vector<16xf32>,
        %get3A_389 = arith.constant 0 : i32
        %get3A_390 = arith.index_cast %get3A_389 : i32 to index
        %get3A_391 = arith.index_cast %add3A_311 : i32 to index
        %get3A_392 = arith.constant 112 : index
        %get3A_393 = tpu.vector_load %arg11[%get3A_390, %get3A_391, %get3A_392] {strides = array<i32>} : memref<2x128x128xf32, #tpu.memory_space<vmem>>, vector<16xf32>,
        %mul3A_394 = arith.mulf %get3A_393, %gather3A : vector<16xf32>
        %swap3A_395 = arith.constant 0 : i32
        %swap3A_396 = arith.index_cast %swap3A_395 : i32 to index
        %swap3A_397 = arith.index_cast %add3A_311 : i32 to index
        %swap3A_398 = arith.constant 112 : index
        %swap3A_399 = tpu.vector_load %arg11[%swap3A_396, %swap3A_397, %swap3A_398] {strides = array<i32>} : memref<2x128x128xf32, #tpu.memory_space<vmem>>, vector<16xf32>,
        tpu.vector_store %arg11[%swap3A_396, %swap3A_397, %swap3A_398], %mul3A_394 {strides = array<i32>} : memref<2x128x128xf32, #tpu.memory_space<vmem>>, vector<16xf32>,
      }
      %scan3A_141 = arith.constant 128 : i32
      %dma_start3A_142 = arith.constant 0 : i32
      %dma_start3A_143 = arith.constant 0 : i32
      %dma_start3A_144 = arith.constant 0 : i32
      %dma_start3A_145 = tpu.memref_slice %arg11[%dma_start3A_142, %dma_start3A_143, %dma_start3A_144] : memref<2x128x128xf32, #tpu.memory_space<vmem>> -> memref<1x128x128xf32, #tpu.memory_space<vmem>>
      %dma_start3A_146 = tpu.memref_squeeze %dma_start3A_145 : memref<1x128x128xf32, #tpu.memory_space<vmem>> -> memref<128x128xf32, #tpu.memory_space<vmem>>
      %dma_start3A_147 = arith.constant 0 : i32
      %dma_start3A_148 = tpu.memref_slice %arg8[%add3A_113, %dma_start3A_147] : memref<80x128xi32, #tpu.memory_space<vmem>> -> memref<1x128xi32, #tpu.memory_space<vmem>>
      %dma_start3A_149 = tpu.memref_squeeze %dma_start3A_148 : memref<1x128xi32, #tpu.memory_space<vmem>> -> memref<128xi32, #tpu.memory_space<vmem>>
      %dma_start3A_150 = arith.constant 0 : i32
      %dma_start3A_151 = arith.constant 0 : i32
      %dma_start3A_152 = tpu.memref_slice %arg18[%dma_start3A_150, %dma_start3A_151] : memref<10000x128xf32, #tpu.memory_space<vmem_shared>> -> memref<10000x128xf32, #tpu.memory_space<vmem_shared>>
      tpu.enqueue_indirect_dma source(%dma_start3A_146 : memref<128x128xf32, #tpu.memory_space<vmem>>) target(%dma_start3A_152 : memref<10000x128xf32, #tpu.memory_space<vmem_shared>>) offsets(%dma_start3A_149 : memref<128xi32, #tpu.memory_space<vmem>>) semaphore(%arg14 : memref<!tpu.dma_semaphore, #tpu.memory_space<semaphore_mem>>) {add = true}
      %add3A_153 = arith.constant 2 : i32
      %add3A_154 = arith.addi %add3A_113, %add3A_153 : i32
      %lt3A_155 = arith.constant 80 : i32
      %lt3A_156 = arith.cmpi slt, %add3A_154, %lt3A_155 : i32
      %convert_element_type3A_157 = arith.extui %lt3A_156 : i1 to i32
      %cond3A_158 = arith.constant 0 : i32
      %cond3A_159 = arith.cmpi ne, %convert_element_type3A_157, %cond3A_158 : i32
      scf.if %cond3A_159 {
        %add3A_307 = arith.constant 2 : i32
        %add3A_308 = arith.addi %add3A_113, %add3A_307 : i32
        %mul3A_309 = arith.constant 128 : i32
        %mul3A_310 = arith.muli %add3A_308, %mul3A_309 : i32
        %add3A_311 = arith.addi %mul3A_2, %mul3A_310 : i32
        %dma_start3A_312 = arith.constant 2 : i32
        %dma_start3A_313 = arith.constant 0 : i32
        %dma_start3A_314 = tpu.memref_slice %arg9[%dma_start3A_312, %dma_start3A_313] : memref<4x128xi32, #tpu.memory_space<vmem>> -> memref<1x128xi32, #tpu.memory_space<vmem>>
        %dma_start3A_315 = tpu.memref_squeeze %dma_start3A_314 : memref<1x128xi32, #tpu.memory_space<vmem>> -> memref<128xi32, #tpu.memory_space<vmem>>
        %dma_start3A_316 = tpu.memref_slice %arg3[%add3A_311] : memref<327680xi32, #tpu.memory_space<hbm>> -> memref<128xi32, #tpu.memory_space<hbm>>
        %dma_start3A_317 = arith.constant 0 : i32
        %dma_start3A_318 = tpu.memref_slice %arg9[%dma_start3A_312, %dma_start3A_317] : memref<4x128xi32, #tpu.memory_space<vmem>> -> memref<1x128xi32, #tpu.memory_space<vmem>>
        %dma_start3A_319 = tpu.memref_squeeze %dma_start3A_318 : memref<1x128xi32, #tpu.memory_space<vmem>> -> memref<128xi32, #tpu.memory_space<vmem>>
        %dma_start3A_320 = tpu.memref_slice %arg3[%add3A_311] : memref<327680xi32, #tpu.memory_space<hbm>> -> memref<128xi32, #tpu.memory_space<hbm>>
        tpu.enqueue_dma source(%dma_start3A_320 : memref<128xi32, #tpu.memory_space<hbm>>) target(%dma_start3A_319 : memref<128xi32, #tpu.memory_space<vmem>>) target_semaphore(%arg16 : memref<!tpu.dma_semaphore, #tpu.memory_space<semaphore_mem>>)
        %mul3A_321 = arith.constant 128 : i32
        %mul3A_322 = arith.muli %add3A_308, %mul3A_321 : i32
        %add3A_323 = arith.addi %mul3A_2, %mul3A_322 : i32
        %dma_start3A_324 = arith.constant 256 : i32
        %dma_start3A_325 = tpu.memref_slice %arg10[%dma_start3A_324] : memref<512xf32, #tpu.memory_space<vmem>> -> memref<128xf32, #tpu.memory_space<vmem>>
        %dma_start3A_326 = tpu.memref_slice %arg5[%add3A_323] : memref<327680xf32, #tpu.memory_space<hbm>> -> memref<128xf32, #tpu.memory_space<hbm>>
        %dma_start3A_327 = arith.constant 256 : i32
        %dma_start3A_328 = tpu.memref_slice %arg10[%dma_start3A_327] : memref<512xf32, #tpu.memory_space<vmem>> -> memref<128xf32, #tpu.memory_space<vmem>>
        %dma_start3A_329 = tpu.memref_slice %arg5[%add3A_323] : memref<327680xf32, #tpu.memory_space<hbm>> -> memref<128xf32, #tpu.memory_space<hbm>>
        tpu.enqueue_dma source(%dma_start3A_329 : memref<128xf32, #tpu.memory_space<hbm>>) target(%dma_start3A_328 : memref<128xf32, #tpu.memory_space<vmem>>) target_semaphore(%arg16 : memref<!tpu.dma_semaphore, #tpu.memory_space<semaphore_mem>>)
      } else {
      }
      %add3A_160 = arith.constant 1 : i32
      %add3A_161 = arith.addi %add3A_111, %add3A_160 : i32
      %dma_wait3A_162 = arith.constant 1 : i32
      %dma_wait3A_163 = arith.constant 1 : i32
      %dma_wait3A_164 = arith.constant 0 : i32
      %dma_wait3A_165 = arith.constant 0 : i32
      %dma_wait3A_166 = tpu.memref_slice %arg11[%dma_wait3A_163, %dma_wait3A_164, %dma_wait3A_165] : memref<2x128x128xf32, #tpu.memory_space<vmem>> -> memref<1x128x128xf32, #tpu.memory_space<vmem>>
      %dma_wait3A_167 = tpu.memref_squeeze %dma_wait3A_166 : memref<1x128x128xf32, #tpu.memory_space<vmem>> -> memref<128x128xf32, #tpu.memory_space<vmem>>
      %dma_wait3A_168 = arith.constant 0 : i32
      %dma_wait3A_169 = tpu.memref_slice %arg9[%dma_wait3A_162, %dma_wait3A_168] : memref<4x128xi32, #tpu.memory_space<vmem>> -> memref<1x128xi32, #tpu.memory_space<vmem>>
      %dma_wait3A_170 = tpu.memref_squeeze %dma_wait3A_169 : memref<1x128xi32, #tpu.memory_space<vmem>> -> memref<128xi32, #tpu.memory_space<vmem>>
      %dma_wait3A_171 = arith.constant 0 : i32
      %dma_wait3A_172 = arith.constant 0 : i32
      %dma_wait3A_173 = tpu.memref_slice %arg2[%dma_wait3A_171, %dma_wait3A_172] : memref<10000x128xf32, #tpu.memory_space<hbm>> -> memref<10000x128xf32, #tpu.memory_space<hbm>>
      tpu.wait_indirect_dma semaphore(%arg13 : memref<!tpu.dma_semaphore, #tpu.memory_space<semaphore_mem>>) src(%dma_wait3A_173 : memref<10000x128xf32, #tpu.memory_space<hbm>>) dst(%dma_wait3A_167 : memref<128x128xf32, #tpu.memory_space<vmem>>)
      %ge3A_174 = arith.constant 1 : i32
      %ge3A_175 = arith.cmpi sge, %add3A_161, %ge3A_174 : i32
      %convert_element_type3A_176 = arith.extui %ge3A_175 : i1 to i32
      %cond3A_177 = arith.constant 0 : i32
      %cond3A_178 = arith.cmpi ne, %convert_element_type3A_176, %cond3A_177 : i32
      scf.if %cond3A_178 {
        %dma_wait3A_307 = arith.constant 0 : i32
        %dma_wait3A_308 = arith.constant 0 : i32
        %dma_wait3A_309 = arith.constant 0 : i32
        %dma_wait3A_310 = tpu.memref_slice %arg11[%dma_wait3A_307, %dma_wait3A_308, %dma_wait3A_309] : memref<2x128x128xf32, #tpu.memory_space<vmem>> -> memref<1x128x128xf32, #tpu.memory_space<vmem>>
        %dma_wait3A_311 = tpu.memref_squeeze %dma_wait3A_310 : memref<1x128x128xf32, #tpu.memory_space<vmem>> -> memref<128x128xf32, #tpu.memory_space<vmem>>
        %dma_wait3A_312 = arith.constant 0 : i32
        %dma_wait3A_313 = tpu.memref_slice %arg8[%add3A_161, %dma_wait3A_312] : memref<80x128xi32, #tpu.memory_space<vmem>> -> memref<1x128xi32, #tpu.memory_space<vmem>>
        %dma_wait3A_314 = tpu.memref_squeeze %dma_wait3A_313 : memref<1x128xi32, #tpu.memory_space<vmem>> -> memref<128xi32, #tpu.memory_space<vmem>>
        %dma_wait3A_315 = arith.constant 0 : i32
        %dma_wait3A_316 = arith.constant 0 : i32
        %dma_wait3A_317 = tpu.memref_slice %arg18[%dma_wait3A_315, %dma_wait3A_316] : memref<10000x128xf32, #tpu.memory_space<vmem_shared>> -> memref<10000x128xf32, #tpu.memory_space<vmem_shared>>
        tpu.wait_indirect_dma semaphore(%arg14 : memref<!tpu.dma_semaphore, #tpu.memory_space<semaphore_mem>>) src(%dma_wait3A_311 : memref<128x128xf32, #tpu.memory_space<vmem>>) dst(%dma_wait3A_317 : memref<10000x128xf32, #tpu.memory_space<vmem_shared>>)
      } else {
      }
      %add3A_179 = arith.constant 1 : i32
      %add3A_180 = arith.addi %add3A_161, %add3A_179 : i32
      %lt3A_181 = arith.constant 80 : i32
      %lt3A_182 = arith.cmpi slt, %add3A_180, %lt3A_181 : i32
      %convert_element_type3A_183 = arith.extui %lt3A_182 : i1 to i32
      %cond3A_184 = arith.constant 0 : i32
      %cond3A_185 = arith.cmpi ne, %convert_element_type3A_183, %cond3A_184 : i32
      scf.if %cond3A_185 {
        %dma_wait3A_307 = arith.constant 2 : i32
        %dma_wait3A_308 = arith.constant 0 : i32
        %dma_wait3A_309 = tpu.memref_slice %arg9[%dma_wait3A_307, %dma_wait3A_308] : memref<4x128xi32, #tpu.memory_space<vmem>> -> memref<1x128xi32, #tpu.memory_space<vmem>>
        %dma_wait3A_310 = tpu.memref_squeeze %dma_wait3A_309 : memref<1x128xi32, #tpu.memory_space<vmem>> -> memref<128xi32, #tpu.memory_space<vmem>>
        %dma_wait3A_311 = arith.constant 0 : i32
        %dma_wait3A_312 = tpu.memref_slice %arg3[%dma_wait3A_311] : memref<327680xi32, #tpu.memory_space<hbm>> -> memref<128xi32, #tpu.memory_space<hbm>>
        %dma_wait3A_313 = arith.constant 0 : i32
        %dma_wait3A_314 = tpu.memref_slice %arg9[%dma_wait3A_307, %dma_wait3A_313] : memref<4x128xi32, #tpu.memory_space<vmem>> -> memref<1x128xi32, #tpu.memory_space<vmem>>
        %dma_wait3A_315 = tpu.memref_squeeze %dma_wait3A_314 : memref<1x128xi32, #tpu.memory_space<vmem>> -> memref<128xi32, #tpu.memory_space<vmem>>
        %dma_wait3A_316 = arith.constant 0 : i32
        %dma_wait3A_317 = tpu.memref_slice %arg3[%dma_wait3A_316] : memref<327680xi32, #tpu.memory_space<hbm>> -> memref<128xi32, #tpu.memory_space<hbm>>
        tpu.wait_dma2 semaphore(%arg16 : memref<!tpu.dma_semaphore, #tpu.memory_space<semaphore_mem>>) src(%dma_wait3A_317 : memref<128xi32, #tpu.memory_space<hbm>>) dst(%dma_wait3A_315 : memref<128xi32, #tpu.memory_space<vmem>>)
        %dma_wait3A_318 = arith.constant 256 : i32
        %dma_wait3A_319 = tpu.memref_slice %arg10[%dma_wait3A_318] : memref<512xf32, #tpu.memory_space<vmem>> -> memref<128xf32, #tpu.memory_space<vmem>>
        %dma_wait3A_320 = arith.constant 0 : i32
        %dma_wait3A_321 = tpu.memref_slice %arg5[%dma_wait3A_320] : memref<327680xf32, #tpu.memory_space<hbm>> -> memref<128xf32, #tpu.memory_space<hbm>>
        %dma_wait3A_322 = arith.constant 256 : i32
        %dma_wait3A_323 = tpu.memref_slice %arg10[%dma_wait3A_322] : memref<512xf32, #tpu.memory_space<vmem>> -> memref<128xf32, #tpu.memory_space<vmem>>
        %dma_wait3A_324 = arith.constant 0 : i32
        %dma_wait3A_325 = tpu.memref_slice %arg5[%dma_wait3A_324] : memref<327680xf32, #tpu.memory_space<hbm>> -> memref<128xf32, #tpu.memory_space<hbm>>
        tpu.wait_dma2 semaphore(%arg16 : memref<!tpu.dma_semaphore, #tpu.memory_space<semaphore_mem>>) src(%dma_wait3A_325 : memref<128xf32, #tpu.memory_space<hbm>>) dst(%dma_wait3A_323 : memref<128xf32, #tpu.memory_space<vmem>>)
        %dma_start3A_326 = arith.constant 2 : i32
        %dma_start3A_327 = arith.constant 0 : i32
        %dma_start3A_328 = arith.constant 0 : i32
        %dma_start3A_329 = arith.constant 0 : i32
        %dma_start3A_330 = tpu.memref_slice %arg11[%dma_start3A_327, %dma_start3A_328, %dma_start3A_329] : memref<2x128x128xf32, #tpu.memory_space<vmem>> -> memref<1x128x128xf32, #tpu.memory_space<vmem>>
        %dma_start3A_331 = tpu.memref_squeeze %dma_start3A_330 : memref<1x128x128xf32, #tpu.memory_space<vmem>> -> memref<128x128xf32, #tpu.memory_space<vmem>>
        %dma_start3A_332 = arith.constant 0 : i32
        %dma_start3A_333 = tpu.memref_slice %arg9[%dma_start3A_326, %dma_start3A_332] : memref<4x128xi32, #tpu.memory_space<vmem>> -> memref<1x128xi32, #tpu.memory_space<vmem>>
        %dma_start3A_334 = tpu.memref_squeeze %dma_start3A_333 : memref<1x128xi32, #tpu.memory_space<vmem>> -> memref<128xi32, #tpu.memory_space<vmem>>
        %dma_start3A_335 = arith.constant 0 : i32
        %dma_start3A_336 = arith.constant 0 : i32
        %dma_start3A_337 = tpu.memref_slice %arg2[%dma_start3A_335, %dma_start3A_336] : memref<10000x128xf32, #tpu.memory_space<hbm>> -> memref<10000x128xf32, #tpu.memory_space<hbm>>
        tpu.enqueue_indirect_dma source(%dma_start3A_337 : memref<10000x128xf32, #tpu.memory_space<hbm>>) target(%dma_start3A_331 : memref<128x128xf32, #tpu.memory_space<vmem>>) offsets(%dma_start3A_334 : memref<128xi32, #tpu.memory_space<vmem>>) semaphore(%arg12 : memref<!tpu.dma_semaphore, #tpu.memory_space<semaphore_mem>>)
      } else {
      }
      %scan3A_186 = arith.constant 0 : i32
      %scan3A_187 = arith.constant 128 : i32
      %scan3A_188 = arith.addi %scan3A_186, %scan3A_187 : i32
      %scan3A_189 = arith.constant 1 : i32
      scf.for %scan3A_307 = %scan3A_186 to %scan3A_188 step %scan3A_189  : i32 {
        %mul3A_308 = arith.constant 1 : i32
        %mul3A_309 = arith.muli %scan3A_307, %mul3A_308 : i32
        %add3A_310 = arith.constant 0 : i32
        %add3A_311 = arith.addi %add3A_310, %mul3A_309 : i32
        %add3A_312 = arith.constant 128 : i32
        %add3A_313 = arith.addi %add3A_312, %add3A_311 : i32
        %broadcast_in_dim3A = vector.broadcast %add3A_313 : i32 to vector<16xi32>
        %gather3A = tpu.vector_load_idx %arg10[%broadcast_in_dim3A] : memref<512xf32, #tpu.memory_space<vmem>>[vector<16xi32>], vector<16xf32>,
        %get3A = arith.constant 1 : i32
        %get3A_314 = arith.index_cast %get3A : i32 to index
        %get3A_315 = arith.index_cast %add3A_311 : i32 to index
        %get3A_316 = arith.constant 0 : index
        %get3A_317 = tpu.vector_load %arg11[%get3A_314, %get3A_315, %get3A_316] {strides = array<i32>} : memref<2x128x128xf32, #tpu.memory_space<vmem>>, vector<16xf32>,
        %mul3A_318 = arith.mulf %get3A_317, %gather3A : vector<16xf32>
        %swap3A = arith.constant 1 : i32
        %swap3A_319 = arith.index_cast %swap3A : i32 to index
        %swap3A_320 = arith.index_cast %add3A_311 : i32 to index
        %swap3A_321 = arith.constant 0 : index
        %swap3A_322 = tpu.vector_load %arg11[%swap3A_319, %swap3A_320, %swap3A_321] {strides = array<i32>} : memref<2x128x128xf32, #tpu.memory_space<vmem>>, vector<16xf32>,
        tpu.vector_store %arg11[%swap3A_319, %swap3A_320, %swap3A_321], %mul3A_318 {strides = array<i32>} : memref<2x128x128xf32, #tpu.memory_space<vmem>>, vector<16xf32>,
        %get3A_323 = arith.constant 1 : i32
        %get3A_324 = arith.index_cast %get3A_323 : i32 to index
        %get3A_325 = arith.index_cast %add3A_311 : i32 to index
        %get3A_326 = arith.constant 16 : index
        %get3A_327 = tpu.vector_load %arg11[%get3A_324, %get3A_325, %get3A_326] {strides = array<i32>} : memref<2x128x128xf32, #tpu.memory_space<vmem>>, vector<16xf32>,
        %mul3A_328 = arith.mulf %get3A_327, %gather3A : vector<16xf32>
        %swap3A_329 = arith.constant 1 : i32
        %swap3A_330 = arith.index_cast %swap3A_329 : i32 to index
        %swap3A_331 = arith.index_cast %add3A_311 : i32 to index
        %swap3A_332 = arith.constant 16 : index
        %swap3A_333 = tpu.vector_load %arg11[%swap3A_330, %swap3A_331, %swap3A_332] {strides = array<i32>} : memref<2x128x128xf32, #tpu.memory_space<vmem>>, vector<16xf32>,
        tpu.vector_store %arg11[%swap3A_330, %swap3A_331, %swap3A_332], %mul3A_328 {strides = array<i32>} : memref<2x128x128xf32, #tpu.memory_space<vmem>>, vector<16xf32>,
        %get3A_334 = arith.constant 1 : i32
        %get3A_335 = arith.index_cast %get3A_334 : i32 to index
        %get3A_336 = arith.index_cast %add3A_311 : i32 to index
        %get3A_337 = arith.constant 32 : index
        %get3A_338 = tpu.vector_load %arg11[%get3A_335, %get3A_336, %get3A_337] {strides = array<i32>} : memref<2x128x128xf32, #tpu.memory_space<vmem>>, vector<16xf32>,
        %mul3A_339 = arith.mulf %get3A_338, %gather3A : vector<16xf32>
        %swap3A_340 = arith.constant 1 : i32
        %swap3A_341 = arith.index_cast %swap3A_340 : i32 to index
        %swap3A_342 = arith.index_cast %add3A_311 : i32 to index
        %swap3A_343 = arith.constant 32 : index
        %swap3A_344 = tpu.vector_load %arg11[%swap3A_341, %swap3A_342, %swap3A_343] {strides = array<i32>} : memref<2x128x128xf32, #tpu.memory_space<vmem>>, vector<16xf32>,
        tpu.vector_store %arg11[%swap3A_341, %swap3A_342, %swap3A_343], %mul3A_339 {strides = array<i32>} : memref<2x128x128xf32, #tpu.memory_space<vmem>>, vector<16xf32>,
        %get3A_345 = arith.constant 1 : i32
        %get3A_346 = arith.index_cast %get3A_345 : i32 to index
        %get3A_347 = arith.index_cast %add3A_311 : i32 to index
        %get3A_348 = arith.constant 48 : index
        %get3A_349 = tpu.vector_load %arg11[%get3A_346, %get3A_347, %get3A_348] {strides = array<i32>} : memref<2x128x128xf32, #tpu.memory_space<vmem>>, vector<16xf32>,
        %mul3A_350 = arith.mulf %get3A_349, %gather3A : vector<16xf32>
        %swap3A_351 = arith.constant 1 : i32
        %swap3A_352 = arith.index_cast %swap3A_351 : i32 to index
        %swap3A_353 = arith.index_cast %add3A_311 : i32 to index
        %swap3A_354 = arith.constant 48 : index
        %swap3A_355 = tpu.vector_load %arg11[%swap3A_352, %swap3A_353, %swap3A_354] {strides = array<i32>} : memref<2x128x128xf32, #tpu.memory_space<vmem>>, vector<16xf32>,
        tpu.vector_store %arg11[%swap3A_352, %swap3A_353, %swap3A_354], %mul3A_350 {strides = array<i32>} : memref<2x128x128xf32, #tpu.memory_space<vmem>>, vector<16xf32>,
        %get3A_356 = arith.constant 1 : i32
        %get3A_357 = arith.index_cast %get3A_356 : i32 to index
        %get3A_358 = arith.index_cast %add3A_311 : i32 to index
        %get3A_359 = arith.constant 64 : index
        %get3A_360 = tpu.vector_load %arg11[%get3A_357, %get3A_358, %get3A_359] {strides = array<i32>} : memref<2x128x128xf32, #tpu.memory_space<vmem>>, vector<16xf32>,
        %mul3A_361 = arith.mulf %get3A_360, %gather3A : vector<16xf32>
        %swap3A_362 = arith.constant 1 : i32
        %swap3A_363 = arith.index_cast %swap3A_362 : i32 to index
        %swap3A_364 = arith.index_cast %add3A_311 : i32 to index
        %swap3A_365 = arith.constant 64 : index
        %swap3A_366 = tpu.vector_load %arg11[%swap3A_363, %swap3A_364, %swap3A_365] {strides = array<i32>} : memref<2x128x128xf32, #tpu.memory_space<vmem>>, vector<16xf32>,
        tpu.vector_store %arg11[%swap3A_363, %swap3A_364, %swap3A_365], %mul3A_361 {strides = array<i32>} : memref<2x128x128xf32, #tpu.memory_space<vmem>>, vector<16xf32>,
        %get3A_367 = arith.constant 1 : i32
        %get3A_368 = arith.index_cast %get3A_367 : i32 to index
        %get3A_369 = arith.index_cast %add3A_311 : i32 to index
        %get3A_370 = arith.constant 80 : index
        %get3A_371 = tpu.vector_load %arg11[%get3A_368, %get3A_369, %get3A_370] {strides = array<i32>} : memref<2x128x128xf32, #tpu.memory_space<vmem>>, vector<16xf32>,
        %mul3A_372 = arith.mulf %get3A_371, %gather3A : vector<16xf32>
        %swap3A_373 = arith.constant 1 : i32
        %swap3A_374 = arith.index_cast %swap3A_373 : i32 to index
        %swap3A_375 = arith.index_cast %add3A_311 : i32 to index
        %swap3A_376 = arith.constant 80 : index
        %swap3A_377 = tpu.vector_load %arg11[%swap3A_374, %swap3A_375, %swap3A_376] {strides = array<i32>} : memref<2x128x128xf32, #tpu.memory_space<vmem>>, vector<16xf32>,
        tpu.vector_store %arg11[%swap3A_374, %swap3A_375, %swap3A_376], %mul3A_372 {strides = array<i32>} : memref<2x128x128xf32, #tpu.memory_space<vmem>>, vector<16xf32>,
        %get3A_378 = arith.constant 1 : i32
        %get3A_379 = arith.index_cast %get3A_378 : i32 to index
        %get3A_380 = arith.index_cast %add3A_311 : i32 to index
        %get3A_381 = arith.constant 96 : index
        %get3A_382 = tpu.vector_load %arg11[%get3A_379, %get3A_380, %get3A_381] {strides = array<i32>} : memref<2x128x128xf32, #tpu.memory_space<vmem>>, vector<16xf32>,
        %mul3A_383 = arith.mulf %get3A_382, %gather3A : vector<16xf32>
        %swap3A_384 = arith.constant 1 : i32
        %swap3A_385 = arith.index_cast %swap3A_384 : i32 to index
        %swap3A_386 = arith.index_cast %add3A_311 : i32 to index
        %swap3A_387 = arith.constant 96 : index
        %swap3A_388 = tpu.vector_load %arg11[%swap3A_385, %swap3A_386, %swap3A_387] {strides = array<i32>} : memref<2x128x128xf32, #tpu.memory_space<vmem>>, vector<16xf32>,
        tpu.vector_store %arg11[%swap3A_385, %swap3A_386, %swap3A_387], %mul3A_383 {strides = array<i32>} : memref<2x128x128xf32, #tpu.memory_space<vmem>>, vector<16xf32>,
        %get3A_389 = arith.constant 1 : i32
        %get3A_390 = arith.index_cast %get3A_389 : i32 to index
        %get3A_391 = arith.index_cast %add3A_311 : i32 to index
        %get3A_392 = arith.constant 112 : index
        %get3A_393 = tpu.vector_load %arg11[%get3A_390, %get3A_391, %get3A_392] {strides = array<i32>} : memref<2x128x128xf32, #tpu.memory_space<vmem>>, vector<16xf32>,
        %mul3A_394 = arith.mulf %get3A_393, %gather3A : vector<16xf32>
        %swap3A_395 = arith.constant 1 : i32
        %swap3A_396 = arith.index_cast %swap3A_395 : i32 to index
        %swap3A_397 = arith.index_cast %add3A_311 : i32 to index
        %swap3A_398 = arith.constant 112 : index
        %swap3A_399 = tpu.vector_load %arg11[%swap3A_396, %swap3A_397, %swap3A_398] {strides = array<i32>} : memref<2x128x128xf32, #tpu.memory_space<vmem>>, vector<16xf32>,
        tpu.vector_store %arg11[%swap3A_396, %swap3A_397, %swap3A_398], %mul3A_394 {strides = array<i32>} : memref<2x128x128xf32, #tpu.memory_space<vmem>>, vector<16xf32>,
      }
      %scan3A_190 = arith.constant 128 : i32
      %dma_start3A_191 = arith.constant 1 : i32
      %dma_start3A_192 = arith.constant 0 : i32
      %dma_start3A_193 = arith.constant 0 : i32
      %dma_start3A_194 = tpu.memref_slice %arg11[%dma_start3A_191, %dma_start3A_192, %dma_start3A_193] : memref<2x128x128xf32, #tpu.memory_space<vmem>> -> memref<1x128x128xf32, #tpu.memory_space<vmem>>
      %dma_start3A_195 = tpu.memref_squeeze %dma_start3A_194 : memref<1x128x128xf32, #tpu.memory_space<vmem>> -> memref<128x128xf32, #tpu.memory_space<vmem>>
      %dma_start3A_196 = arith.constant 0 : i32
      %dma_start3A_197 = tpu.memref_slice %arg8[%add3A_161, %dma_start3A_196] : memref<80x128xi32, #tpu.memory_space<vmem>> -> memref<1x128xi32, #tpu.memory_space<vmem>>
      %dma_start3A_198 = tpu.memref_squeeze %dma_start3A_197 : memref<1x128xi32, #tpu.memory_space<vmem>> -> memref<128xi32, #tpu.memory_space<vmem>>
      %dma_start3A_199 = arith.constant 0 : i32
      %dma_start3A_200 = arith.constant 0 : i32
      %dma_start3A_201 = tpu.memref_slice %arg18[%dma_start3A_199, %dma_start3A_200] : memref<10000x128xf32, #tpu.memory_space<vmem_shared>> -> memref<10000x128xf32, #tpu.memory_space<vmem_shared>>
      tpu.enqueue_indirect_dma source(%dma_start3A_195 : memref<128x128xf32, #tpu.memory_space<vmem>>) target(%dma_start3A_201 : memref<10000x128xf32, #tpu.memory_space<vmem_shared>>) offsets(%dma_start3A_198 : memref<128xi32, #tpu.memory_space<vmem>>) semaphore(%arg15 : memref<!tpu.dma_semaphore, #tpu.memory_space<semaphore_mem>>) {add = true}
      %add3A_202 = arith.constant 2 : i32
      %add3A_203 = arith.addi %add3A_161, %add3A_202 : i32
      %lt3A_204 = arith.constant 80 : i32
      %lt3A_205 = arith.cmpi slt, %add3A_203, %lt3A_204 : i32
      %convert_element_type3A_206 = arith.extui %lt3A_205 : i1 to i32
      %cond3A_207 = arith.constant 0 : i32
      %cond3A_208 = arith.cmpi ne, %convert_element_type3A_206, %cond3A_207 : i32
      scf.if %cond3A_208 {
        %add3A_307 = arith.constant 2 : i32
        %add3A_308 = arith.addi %add3A_161, %add3A_307 : i32
        %mul3A_309 = arith.constant 128 : i32
        %mul3A_310 = arith.muli %add3A_308, %mul3A_309 : i32
        %add3A_311 = arith.addi %mul3A_2, %mul3A_310 : i32
        %dma_start3A_312 = arith.constant 3 : i32
        %dma_start3A_313 = arith.constant 0 : i32
        %dma_start3A_314 = tpu.memref_slice %arg9[%dma_start3A_312, %dma_start3A_313] : memref<4x128xi32, #tpu.memory_space<vmem>> -> memref<1x128xi32, #tpu.memory_space<vmem>>
        %dma_start3A_315 = tpu.memref_squeeze %dma_start3A_314 : memref<1x128xi32, #tpu.memory_space<vmem>> -> memref<128xi32, #tpu.memory_space<vmem>>
        %dma_start3A_316 = tpu.memref_slice %arg3[%add3A_311] : memref<327680xi32, #tpu.memory_space<hbm>> -> memref<128xi32, #tpu.memory_space<hbm>>
        %dma_start3A_317 = arith.constant 0 : i32
        %dma_start3A_318 = tpu.memref_slice %arg9[%dma_start3A_312, %dma_start3A_317] : memref<4x128xi32, #tpu.memory_space<vmem>> -> memref<1x128xi32, #tpu.memory_space<vmem>>
        %dma_start3A_319 = tpu.memref_squeeze %dma_start3A_318 : memref<1x128xi32, #tpu.memory_space<vmem>> -> memref<128xi32, #tpu.memory_space<vmem>>
        %dma_start3A_320 = tpu.memref_slice %arg3[%add3A_311] : memref<327680xi32, #tpu.memory_space<hbm>> -> memref<128xi32, #tpu.memory_space<hbm>>
        tpu.enqueue_dma source(%dma_start3A_320 : memref<128xi32, #tpu.memory_space<hbm>>) target(%dma_start3A_319 : memref<128xi32, #tpu.memory_space<vmem>>) target_semaphore(%arg17 : memref<!tpu.dma_semaphore, #tpu.memory_space<semaphore_mem>>)
        %mul3A_321 = arith.constant 128 : i32
        %mul3A_322 = arith.muli %add3A_308, %mul3A_321 : i32
        %add3A_323 = arith.addi %mul3A_2, %mul3A_322 : i32
        %dma_start3A_324 = arith.constant 384 : i32
        %dma_start3A_325 = tpu.memref_slice %arg10[%dma_start3A_324] : memref<512xf32, #tpu.memory_space<vmem>> -> memref<128xf32, #tpu.memory_space<vmem>>
        %dma_start3A_326 = tpu.memref_slice %arg5[%add3A_323] : memref<327680xf32, #tpu.memory_space<hbm>> -> memref<128xf32, #tpu.memory_space<hbm>>
        %dma_start3A_327 = arith.constant 384 : i32
        %dma_start3A_328 = tpu.memref_slice %arg10[%dma_start3A_327] : memref<512xf32, #tpu.memory_space<vmem>> -> memref<128xf32, #tpu.memory_space<vmem>>
        %dma_start3A_329 = tpu.memref_slice %arg5[%add3A_323] : memref<327680xf32, #tpu.memory_space<hbm>> -> memref<128xf32, #tpu.memory_space<hbm>>
        tpu.enqueue_dma source(%dma_start3A_329 : memref<128xf32, #tpu.memory_space<hbm>>) target(%dma_start3A_328 : memref<128xf32, #tpu.memory_space<vmem>>) target_semaphore(%arg17 : memref<!tpu.dma_semaphore, #tpu.memory_space<semaphore_mem>>)
      } else {
      }
      %add3A_209 = arith.constant 2 : i32
      %add3A_210 = arith.addi %add3A_111, %add3A_209 : i32
      %dma_wait3A_211 = arith.constant 2 : i32
      %dma_wait3A_212 = arith.constant 0 : i32
      %dma_wait3A_213 = arith.constant 0 : i32
      %dma_wait3A_214 = arith.constant 0 : i32
      %dma_wait3A_215 = tpu.memref_slice %arg11[%dma_wait3A_212, %dma_wait3A_213, %dma_wait3A_214] : memref<2x128x128xf32, #tpu.memory_space<vmem>> -> memref<1x128x128xf32, #tpu.memory_space<vmem>>
      %dma_wait3A_216 = tpu.memref_squeeze %dma_wait3A_215 : memref<1x128x128xf32, #tpu.memory_space<vmem>> -> memref<128x128xf32, #tpu.memory_space<vmem>>
      %dma_wait3A_217 = arith.constant 0 : i32
      %dma_wait3A_218 = tpu.memref_slice %arg9[%dma_wait3A_211, %dma_wait3A_217] : memref<4x128xi32, #tpu.memory_space<vmem>> -> memref<1x128xi32, #tpu.memory_space<vmem>>
      %dma_wait3A_219 = tpu.memref_squeeze %dma_wait3A_218 : memref<1x128xi32, #tpu.memory_space<vmem>> -> memref<128xi32, #tpu.memory_space<vmem>>
      %dma_wait3A_220 = arith.constant 0 : i32
      %dma_wait3A_221 = arith.constant 0 : i32
      %dma_wait3A_222 = tpu.memref_slice %arg2[%dma_wait3A_220, %dma_wait3A_221] : memref<10000x128xf32, #tpu.memory_space<hbm>> -> memref<10000x128xf32, #tpu.memory_space<hbm>>
      tpu.wait_indirect_dma semaphore(%arg12 : memref<!tpu.dma_semaphore, #tpu.memory_space<semaphore_mem>>) src(%dma_wait3A_222 : memref<10000x128xf32, #tpu.memory_space<hbm>>) dst(%dma_wait3A_216 : memref<128x128xf32, #tpu.memory_space<vmem>>)
      %ge3A_223 = arith.constant 1 : i32
      %ge3A_224 = arith.cmpi sge, %add3A_210, %ge3A_223 : i32
      %convert_element_type3A_225 = arith.extui %ge3A_224 : i1 to i32
      %cond3A_226 = arith.constant 0 : i32
      %cond3A_227 = arith.cmpi ne, %convert_element_type3A_225, %cond3A_226 : i32
      scf.if %cond3A_227 {
        %dma_wait3A_307 = arith.constant 1 : i32
        %dma_wait3A_308 = arith.constant 0 : i32
        %dma_wait3A_309 = arith.constant 0 : i32
        %dma_wait3A_310 = tpu.memref_slice %arg11[%dma_wait3A_307, %dma_wait3A_308, %dma_wait3A_309] : memref<2x128x128xf32, #tpu.memory_space<vmem>> -> memref<1x128x128xf32, #tpu.memory_space<vmem>>
        %dma_wait3A_311 = tpu.memref_squeeze %dma_wait3A_310 : memref<1x128x128xf32, #tpu.memory_space<vmem>> -> memref<128x128xf32, #tpu.memory_space<vmem>>
        %dma_wait3A_312 = arith.constant 0 : i32
        %dma_wait3A_313 = tpu.memref_slice %arg8[%add3A_210, %dma_wait3A_312] : memref<80x128xi32, #tpu.memory_space<vmem>> -> memref<1x128xi32, #tpu.memory_space<vmem>>
        %dma_wait3A_314 = tpu.memref_squeeze %dma_wait3A_313 : memref<1x128xi32, #tpu.memory_space<vmem>> -> memref<128xi32, #tpu.memory_space<vmem>>
        %dma_wait3A_315 = arith.constant 0 : i32
        %dma_wait3A_316 = arith.constant 0 : i32
        %dma_wait3A_317 = tpu.memref_slice %arg18[%dma_wait3A_315, %dma_wait3A_316] : memref<10000x128xf32, #tpu.memory_space<vmem_shared>> -> memref<10000x128xf32, #tpu.memory_space<vmem_shared>>
        tpu.wait_indirect_dma semaphore(%arg15 : memref<!tpu.dma_semaphore, #tpu.memory_space<semaphore_mem>>) src(%dma_wait3A_311 : memref<128x128xf32, #tpu.memory_space<vmem>>) dst(%dma_wait3A_317 : memref<10000x128xf32, #tpu.memory_space<vmem_shared>>)
      } else {
      }
      %add3A_228 = arith.constant 1 : i32
      %add3A_229 = arith.addi %add3A_210, %add3A_228 : i32
      %lt3A_230 = arith.constant 80 : i32
      %lt3A_231 = arith.cmpi slt, %add3A_229, %lt3A_230 : i32
      %convert_element_type3A_232 = arith.extui %lt3A_231 : i1 to i32
      %cond3A_233 = arith.constant 0 : i32
      %cond3A_234 = arith.cmpi ne, %convert_element_type3A_232, %cond3A_233 : i32
      scf.if %cond3A_234 {
        %dma_wait3A_307 = arith.constant 3 : i32
        %dma_wait3A_308 = arith.constant 0 : i32
        %dma_wait3A_309 = tpu.memref_slice %arg9[%dma_wait3A_307, %dma_wait3A_308] : memref<4x128xi32, #tpu.memory_space<vmem>> -> memref<1x128xi32, #tpu.memory_space<vmem>>
        %dma_wait3A_310 = tpu.memref_squeeze %dma_wait3A_309 : memref<1x128xi32, #tpu.memory_space<vmem>> -> memref<128xi32, #tpu.memory_space<vmem>>
        %dma_wait3A_311 = arith.constant 0 : i32
        %dma_wait3A_312 = tpu.memref_slice %arg3[%dma_wait3A_311] : memref<327680xi32, #tpu.memory_space<hbm>> -> memref<128xi32, #tpu.memory_space<hbm>>
        %dma_wait3A_313 = arith.constant 0 : i32
        %dma_wait3A_314 = tpu.memref_slice %arg9[%dma_wait3A_307, %dma_wait3A_313] : memref<4x128xi32, #tpu.memory_space<vmem>> -> memref<1x128xi32, #tpu.memory_space<vmem>>
        %dma_wait3A_315 = tpu.memref_squeeze %dma_wait3A_314 : memref<1x128xi32, #tpu.memory_space<vmem>> -> memref<128xi32, #tpu.memory_space<vmem>>
        %dma_wait3A_316 = arith.constant 0 : i32
        %dma_wait3A_317 = tpu.memref_slice %arg3[%dma_wait3A_316] : memref<327680xi32, #tpu.memory_space<hbm>> -> memref<128xi32, #tpu.memory_space<hbm>>
        tpu.wait_dma2 semaphore(%arg17 : memref<!tpu.dma_semaphore, #tpu.memory_space<semaphore_mem>>) src(%dma_wait3A_317 : memref<128xi32, #tpu.memory_space<hbm>>) dst(%dma_wait3A_315 : memref<128xi32, #tpu.memory_space<vmem>>)
        %dma_wait3A_318 = arith.constant 384 : i32
        %dma_wait3A_319 = tpu.memref_slice %arg10[%dma_wait3A_318] : memref<512xf32, #tpu.memory_space<vmem>> -> memref<128xf32, #tpu.memory_space<vmem>>
        %dma_wait3A_320 = arith.constant 0 : i32
        %dma_wait3A_321 = tpu.memref_slice %arg5[%dma_wait3A_320] : memref<327680xf32, #tpu.memory_space<hbm>> -> memref<128xf32, #tpu.memory_space<hbm>>
        %dma_wait3A_322 = arith.constant 384 : i32
        %dma_wait3A_323 = tpu.memref_slice %arg10[%dma_wait3A_322] : memref<512xf32, #tpu.memory_space<vmem>> -> memref<128xf32, #tpu.memory_space<vmem>>
        %dma_wait3A_324 = arith.constant 0 : i32
        %dma_wait3A_325 = tpu.memref_slice %arg5[%dma_wait3A_324] : memref<327680xf32, #tpu.memory_space<hbm>> -> memref<128xf32, #tpu.memory_space<hbm>>
        tpu.wait_dma2 semaphore(%arg17 : memref<!tpu.dma_semaphore, #tpu.memory_space<semaphore_mem>>) src(%dma_wait3A_325 : memref<128xf32, #tpu.memory_space<hbm>>) dst(%dma_wait3A_323 : memref<128xf32, #tpu.memory_space<vmem>>)
        %dma_start3A_326 = arith.constant 3 : i32
        %dma_start3A_327 = arith.constant 1 : i32
        %dma_start3A_328 = arith.constant 0 : i32
        %dma_start3A_329 = arith.constant 0 : i32
        %dma_start3A_330 = tpu.memref_slice %arg11[%dma_start3A_327, %dma_start3A_328, %dma_start3A_329] : memref<2x128x128xf32, #tpu.memory_space<vmem>> -> memref<1x128x128xf32, #tpu.memory_space<vmem>>
        %dma_start3A_331 = tpu.memref_squeeze %dma_start3A_330 : memref<1x128x128xf32, #tpu.memory_space<vmem>> -> memref<128x128xf32, #tpu.memory_space<vmem>>
        %dma_start3A_332 = arith.constant 0 : i32
        %dma_start3A_333 = tpu.memref_slice %arg9[%dma_start3A_326, %dma_start3A_332] : memref<4x128xi32, #tpu.memory_space<vmem>> -> memref<1x128xi32, #tpu.memory_space<vmem>>
        %dma_start3A_334 = tpu.memref_squeeze %dma_start3A_333 : memref<1x128xi32, #tpu.memory_space<vmem>> -> memref<128xi32, #tpu.memory_space<vmem>>
        %dma_start3A_335 = arith.constant 0 : i32
        %dma_start3A_336 = arith.constant 0 : i32
        %dma_start3A_337 = tpu.memref_slice %arg2[%dma_start3A_335, %dma_start3A_336] : memref<10000x128xf32, #tpu.memory_space<hbm>> -> memref<10000x128xf32, #tpu.memory_space<hbm>>
        tpu.enqueue_indirect_dma source(%dma_start3A_337 : memref<10000x128xf32, #tpu.memory_space<hbm>>) target(%dma_start3A_331 : memref<128x128xf32, #tpu.memory_space<vmem>>) offsets(%dma_start3A_334 : memref<128xi32, #tpu.memory_space<vmem>>) semaphore(%arg13 : memref<!tpu.dma_semaphore, #tpu.memory_space<semaphore_mem>>)
      } else {
      }
      %scan3A_235 = arith.constant 0 : i32
      %scan3A_236 = arith.constant 128 : i32
      %scan3A_237 = arith.addi %scan3A_235, %scan3A_236 : i32
      %scan3A_238 = arith.constant 1 : i32
      scf.for %scan3A_307 = %scan3A_235 to %scan3A_237 step %scan3A_238  : i32 {
        %mul3A_308 = arith.constant 1 : i32
        %mul3A_309 = arith.muli %scan3A_307, %mul3A_308 : i32
        %add3A_310 = arith.constant 0 : i32
        %add3A_311 = arith.addi %add3A_310, %mul3A_309 : i32
        %add3A_312 = arith.constant 256 : i32
        %add3A_313 = arith.addi %add3A_312, %add3A_311 : i32
        %broadcast_in_dim3A = vector.broadcast %add3A_313 : i32 to vector<16xi32>
        %gather3A = tpu.vector_load_idx %arg10[%broadcast_in_dim3A] : memref<512xf32, #tpu.memory_space<vmem>>[vector<16xi32>], vector<16xf32>,
        %get3A = arith.constant 0 : i32
        %get3A_314 = arith.index_cast %get3A : i32 to index
        %get3A_315 = arith.index_cast %add3A_311 : i32 to index
        %get3A_316 = arith.constant 0 : index
        %get3A_317 = tpu.vector_load %arg11[%get3A_314, %get3A_315, %get3A_316] {strides = array<i32>} : memref<2x128x128xf32, #tpu.memory_space<vmem>>, vector<16xf32>,
        %mul3A_318 = arith.mulf %get3A_317, %gather3A : vector<16xf32>
        %swap3A = arith.constant 0 : i32
        %swap3A_319 = arith.index_cast %swap3A : i32 to index
        %swap3A_320 = arith.index_cast %add3A_311 : i32 to index
        %swap3A_321 = arith.constant 0 : index
        %swap3A_322 = tpu.vector_load %arg11[%swap3A_319, %swap3A_320, %swap3A_321] {strides = array<i32>} : memref<2x128x128xf32, #tpu.memory_space<vmem>>, vector<16xf32>,
        tpu.vector_store %arg11[%swap3A_319, %swap3A_320, %swap3A_321], %mul3A_318 {strides = array<i32>} : memref<2x128x128xf32, #tpu.memory_space<vmem>>, vector<16xf32>,
        %get3A_323 = arith.constant 0 : i32
        %get3A_324 = arith.index_cast %get3A_323 : i32 to index
        %get3A_325 = arith.index_cast %add3A_311 : i32 to index
        %get3A_326 = arith.constant 16 : index
        %get3A_327 = tpu.vector_load %arg11[%get3A_324, %get3A_325, %get3A_326] {strides = array<i32>} : memref<2x128x128xf32, #tpu.memory_space<vmem>>, vector<16xf32>,
        %mul3A_328 = arith.mulf %get3A_327, %gather3A : vector<16xf32>
        %swap3A_329 = arith.constant 0 : i32
        %swap3A_330 = arith.index_cast %swap3A_329 : i32 to index
        %swap3A_331 = arith.index_cast %add3A_311 : i32 to index
        %swap3A_332 = arith.constant 16 : index
        %swap3A_333 = tpu.vector_load %arg11[%swap3A_330, %swap3A_331, %swap3A_332] {strides = array<i32>} : memref<2x128x128xf32, #tpu.memory_space<vmem>>, vector<16xf32>,
        tpu.vector_store %arg11[%swap3A_330, %swap3A_331, %swap3A_332], %mul3A_328 {strides = array<i32>} : memref<2x128x128xf32, #tpu.memory_space<vmem>>, vector<16xf32>,
        %get3A_334 = arith.constant 0 : i32
        %get3A_335 = arith.index_cast %get3A_334 : i32 to index
        %get3A_336 = arith.index_cast %add3A_311 : i32 to index
        %get3A_337 = arith.constant 32 : index
        %get3A_338 = tpu.vector_load %arg11[%get3A_335, %get3A_336, %get3A_337] {strides = array<i32>} : memref<2x128x128xf32, #tpu.memory_space<vmem>>, vector<16xf32>,
        %mul3A_339 = arith.mulf %get3A_338, %gather3A : vector<16xf32>
        %swap3A_340 = arith.constant 0 : i32
        %swap3A_341 = arith.index_cast %swap3A_340 : i32 to index
        %swap3A_342 = arith.index_cast %add3A_311 : i32 to index
        %swap3A_343 = arith.constant 32 : index
        %swap3A_344 = tpu.vector_load %arg11[%swap3A_341, %swap3A_342, %swap3A_343] {strides = array<i32>} : memref<2x128x128xf32, #tpu.memory_space<vmem>>, vector<16xf32>,
        tpu.vector_store %arg11[%swap3A_341, %swap3A_342, %swap3A_343], %mul3A_339 {strides = array<i32>} : memref<2x128x128xf32, #tpu.memory_space<vmem>>, vector<16xf32>,
        %get3A_345 = arith.constant 0 : i32
        %get3A_346 = arith.index_cast %get3A_345 : i32 to index
        %get3A_347 = arith.index_cast %add3A_311 : i32 to index
        %get3A_348 = arith.constant 48 : index
        %get3A_349 = tpu.vector_load %arg11[%get3A_346, %get3A_347, %get3A_348] {strides = array<i32>} : memref<2x128x128xf32, #tpu.memory_space<vmem>>, vector<16xf32>,
        %mul3A_350 = arith.mulf %get3A_349, %gather3A : vector<16xf32>
        %swap3A_351 = arith.constant 0 : i32
        %swap3A_352 = arith.index_cast %swap3A_351 : i32 to index
        %swap3A_353 = arith.index_cast %add3A_311 : i32 to index
        %swap3A_354 = arith.constant 48 : index
        %swap3A_355 = tpu.vector_load %arg11[%swap3A_352, %swap3A_353, %swap3A_354] {strides = array<i32>} : memref<2x128x128xf32, #tpu.memory_space<vmem>>, vector<16xf32>,
        tpu.vector_store %arg11[%swap3A_352, %swap3A_353, %swap3A_354], %mul3A_350 {strides = array<i32>} : memref<2x128x128xf32, #tpu.memory_space<vmem>>, vector<16xf32>,
        %get3A_356 = arith.constant 0 : i32
        %get3A_357 = arith.index_cast %get3A_356 : i32 to index
        %get3A_358 = arith.index_cast %add3A_311 : i32 to index
        %get3A_359 = arith.constant 64 : index
        %get3A_360 = tpu.vector_load %arg11[%get3A_357, %get3A_358, %get3A_359] {strides = array<i32>} : memref<2x128x128xf32, #tpu.memory_space<vmem>>, vector<16xf32>,
        %mul3A_361 = arith.mulf %get3A_360, %gather3A : vector<16xf32>
        %swap3A_362 = arith.constant 0 : i32
        %swap3A_363 = arith.index_cast %swap3A_362 : i32 to index
        %swap3A_364 = arith.index_cast %add3A_311 : i32 to index
        %swap3A_365 = arith.constant 64 : index
        %swap3A_366 = tpu.vector_load %arg11[%swap3A_363, %swap3A_364, %swap3A_365] {strides = array<i32>} : memref<2x128x128xf32, #tpu.memory_space<vmem>>, vector<16xf32>,
        tpu.vector_store %arg11[%swap3A_363, %swap3A_364, %swap3A_365], %mul3A_361 {strides = array<i32>} : memref<2x128x128xf32, #tpu.memory_space<vmem>>, vector<16xf32>,
        %get3A_367 = arith.constant 0 : i32
        %get3A_368 = arith.index_cast %get3A_367 : i32 to index
        %get3A_369 = arith.index_cast %add3A_311 : i32 to index
        %get3A_370 = arith.constant 80 : index
        %get3A_371 = tpu.vector_load %arg11[%get3A_368, %get3A_369, %get3A_370] {strides = array<i32>} : memref<2x128x128xf32, #tpu.memory_space<vmem>>, vector<16xf32>,
        %mul3A_372 = arith.mulf %get3A_371, %gather3A : vector<16xf32>
        %swap3A_373 = arith.constant 0 : i32
        %swap3A_374 = arith.index_cast %swap3A_373 : i32 to index
        %swap3A_375 = arith.index_cast %add3A_311 : i32 to index
        %swap3A_376 = arith.constant 80 : index
        %swap3A_377 = tpu.vector_load %arg11[%swap3A_374, %swap3A_375, %swap3A_376] {strides = array<i32>} : memref<2x128x128xf32, #tpu.memory_space<vmem>>, vector<16xf32>,
        tpu.vector_store %arg11[%swap3A_374, %swap3A_375, %swap3A_376], %mul3A_372 {strides = array<i32>} : memref<2x128x128xf32, #tpu.memory_space<vmem>>, vector<16xf32>,
        %get3A_378 = arith.constant 0 : i32
        %get3A_379 = arith.index_cast %get3A_378 : i32 to index
        %get3A_380 = arith.index_cast %add3A_311 : i32 to index
        %get3A_381 = arith.constant 96 : index
        %get3A_382 = tpu.vector_load %arg11[%get3A_379, %get3A_380, %get3A_381] {strides = array<i32>} : memref<2x128x128xf32, #tpu.memory_space<vmem>>, vector<16xf32>,
        %mul3A_383 = arith.mulf %get3A_382, %gather3A : vector<16xf32>
        %swap3A_384 = arith.constant 0 : i32
        %swap3A_385 = arith.index_cast %swap3A_384 : i32 to index
        %swap3A_386 = arith.index_cast %add3A_311 : i32 to index
        %swap3A_387 = arith.constant 96 : index
        %swap3A_388 = tpu.vector_load %arg11[%swap3A_385, %swap3A_386, %swap3A_387] {strides = array<i32>} : memref<2x128x128xf32, #tpu.memory_space<vmem>>, vector<16xf32>,
        tpu.vector_store %arg11[%swap3A_385, %swap3A_386, %swap3A_387], %mul3A_383 {strides = array<i32>} : memref<2x128x128xf32, #tpu.memory_space<vmem>>, vector<16xf32>,
        %get3A_389 = arith.constant 0 : i32
        %get3A_390 = arith.index_cast %get3A_389 : i32 to index
        %get3A_391 = arith.index_cast %add3A_311 : i32 to index
        %get3A_392 = arith.constant 112 : index
        %get3A_393 = tpu.vector_load %arg11[%get3A_390, %get3A_391, %get3A_392] {strides = array<i32>} : memref<2x128x128xf32, #tpu.memory_space<vmem>>, vector<16xf32>,
        %mul3A_394 = arith.mulf %get3A_393, %gather3A : vector<16xf32>
        %swap3A_395 = arith.constant 0 : i32
        %swap3A_396 = arith.index_cast %swap3A_395 : i32 to index
        %swap3A_397 = arith.index_cast %add3A_311 : i32 to index
        %swap3A_398 = arith.constant 112 : index
        %swap3A_399 = tpu.vector_load %arg11[%swap3A_396, %swap3A_397, %swap3A_398] {strides = array<i32>} : memref<2x128x128xf32, #tpu.memory_space<vmem>>, vector<16xf32>,
        tpu.vector_store %arg11[%swap3A_396, %swap3A_397, %swap3A_398], %mul3A_394 {strides = array<i32>} : memref<2x128x128xf32, #tpu.memory_space<vmem>>, vector<16xf32>,
      }
      %scan3A_239 = arith.constant 128 : i32
      %dma_start3A_240 = arith.constant 0 : i32
      %dma_start3A_241 = arith.constant 0 : i32
      %dma_start3A_242 = arith.constant 0 : i32
      %dma_start3A_243 = tpu.memref_slice %arg11[%dma_start3A_240, %dma_start3A_241, %dma_start3A_242] : memref<2x128x128xf32, #tpu.memory_space<vmem>> -> memref<1x128x128xf32, #tpu.memory_space<vmem>>
      %dma_start3A_244 = tpu.memref_squeeze %dma_start3A_243 : memref<1x128x128xf32, #tpu.memory_space<vmem>> -> memref<128x128xf32, #tpu.memory_space<vmem>>
      %dma_start3A_245 = arith.constant 0 : i32
      %dma_start3A_246 = tpu.memref_slice %arg8[%add3A_210, %dma_start3A_245] : memref<80x128xi32, #tpu.memory_space<vmem>> -> memref<1x128xi32, #tpu.memory_space<vmem>>
      %dma_start3A_247 = tpu.memref_squeeze %dma_start3A_246 : memref<1x128xi32, #tpu.memory_space<vmem>> -> memref<128xi32, #tpu.memory_space<vmem>>
      %dma_start3A_248 = arith.constant 0 : i32
      %dma_start3A_249 = arith.constant 0 : i32
      %dma_start3A_250 = tpu.memref_slice %arg18[%dma_start3A_248, %dma_start3A_249] : memref<10000x128xf32, #tpu.memory_space<vmem_shared>> -> memref<10000x128xf32, #tpu.memory_space<vmem_shared>>
      tpu.enqueue_indirect_dma source(%dma_start3A_244 : memref<128x128xf32, #tpu.memory_space<vmem>>) target(%dma_start3A_250 : memref<10000x128xf32, #tpu.memory_space<vmem_shared>>) offsets(%dma_start3A_247 : memref<128xi32, #tpu.memory_space<vmem>>) semaphore(%arg14 : memref<!tpu.dma_semaphore, #tpu.memory_space<semaphore_mem>>) {add = true}
      %add3A_251 = arith.constant 2 : i32
      %add3A_252 = arith.addi %add3A_210, %add3A_251 : i32
      %lt3A_253 = arith.constant 80 : i32
      %lt3A_254 = arith.cmpi slt, %add3A_252, %lt3A_253 : i32
      %convert_element_type3A_255 = arith.extui %lt3A_254 : i1 to i32
      %cond3A_256 = arith.constant 0 : i32
      %cond3A_257 = arith.cmpi ne, %convert_element_type3A_255, %cond3A_256 : i32
      scf.if %cond3A_257 {
        %add3A_307 = arith.constant 2 : i32
        %add3A_308 = arith.addi %add3A_210, %add3A_307 : i32
        %mul3A_309 = arith.constant 128 : i32
        %mul3A_310 = arith.muli %add3A_308, %mul3A_309 : i32
        %add3A_311 = arith.addi %mul3A_2, %mul3A_310 : i32
        %dma_start3A_312 = arith.constant 0 : i32
        %dma_start3A_313 = arith.constant 0 : i32
        %dma_start3A_314 = tpu.memref_slice %arg9[%dma_start3A_312, %dma_start3A_313] : memref<4x128xi32, #tpu.memory_space<vmem>> -> memref<1x128xi32, #tpu.memory_space<vmem>>
        %dma_start3A_315 = tpu.memref_squeeze %dma_start3A_314 : memref<1x128xi32, #tpu.memory_space<vmem>> -> memref<128xi32, #tpu.memory_space<vmem>>
        %dma_start3A_316 = tpu.memref_slice %arg3[%add3A_311] : memref<327680xi32, #tpu.memory_space<hbm>> -> memref<128xi32, #tpu.memory_space<hbm>>
        %dma_start3A_317 = arith.constant 0 : i32
        %dma_start3A_318 = tpu.memref_slice %arg9[%dma_start3A_312, %dma_start3A_317] : memref<4x128xi32, #tpu.memory_space<vmem>> -> memref<1x128xi32, #tpu.memory_space<vmem>>
        %dma_start3A_319 = tpu.memref_squeeze %dma_start3A_318 : memref<1x128xi32, #tpu.memory_space<vmem>> -> memref<128xi32, #tpu.memory_space<vmem>>
        %dma_start3A_320 = tpu.memref_slice %arg3[%add3A_311] : memref<327680xi32, #tpu.memory_space<hbm>> -> memref<128xi32, #tpu.memory_space<hbm>>
        tpu.enqueue_dma source(%dma_start3A_320 : memref<128xi32, #tpu.memory_space<hbm>>) target(%dma_start3A_319 : memref<128xi32, #tpu.memory_space<vmem>>) target_semaphore(%arg16 : memref<!tpu.dma_semaphore, #tpu.memory_space<semaphore_mem>>)
        %mul3A_321 = arith.constant 128 : i32
        %mul3A_322 = arith.muli %add3A_308, %mul3A_321 : i32
        %add3A_323 = arith.addi %mul3A_2, %mul3A_322 : i32
        %dma_start3A_324 = arith.constant 0 : i32
        %dma_start3A_325 = tpu.memref_slice %arg10[%dma_start3A_324] : memref<512xf32, #tpu.memory_space<vmem>> -> memref<128xf32, #tpu.memory_space<vmem>>
        %dma_start3A_326 = tpu.memref_slice %arg5[%add3A_323] : memref<327680xf32, #tpu.memory_space<hbm>> -> memref<128xf32, #tpu.memory_space<hbm>>
        %dma_start3A_327 = arith.constant 0 : i32
        %dma_start3A_328 = tpu.memref_slice %arg10[%dma_start3A_327] : memref<512xf32, #tpu.memory_space<vmem>> -> memref<128xf32, #tpu.memory_space<vmem>>
        %dma_start3A_329 = tpu.memref_slice %arg5[%add3A_323] : memref<327680xf32, #tpu.memory_space<hbm>> -> memref<128xf32, #tpu.memory_space<hbm>>
        tpu.enqueue_dma source(%dma_start3A_329 : memref<128xf32, #tpu.memory_space<hbm>>) target(%dma_start3A_328 : memref<128xf32, #tpu.memory_space<vmem>>) target_semaphore(%arg16 : memref<!tpu.dma_semaphore, #tpu.memory_space<semaphore_mem>>)
      } else {
      }
      %add3A_258 = arith.constant 3 : i32
      %add3A_259 = arith.addi %add3A_111, %add3A_258 : i32
      %dma_wait3A_260 = arith.constant 3 : i32
      %dma_wait3A_261 = arith.constant 1 : i32
      %dma_wait3A_262 = arith.constant 0 : i32
      %dma_wait3A_263 = arith.constant 0 : i32
      %dma_wait3A_264 = tpu.memref_slice %arg11[%dma_wait3A_261, %dma_wait3A_262, %dma_wait3A_263] : memref<2x128x128xf32, #tpu.memory_space<vmem>> -> memref<1x128x128xf32, #tpu.memory_space<vmem>>
      %dma_wait3A_265 = tpu.memref_squeeze %dma_wait3A_264 : memref<1x128x128xf32, #tpu.memory_space<vmem>> -> memref<128x128xf32, #tpu.memory_space<vmem>>
      %dma_wait3A_266 = arith.constant 0 : i32
      %dma_wait3A_267 = tpu.memref_slice %arg9[%dma_wait3A_260, %dma_wait3A_266] : memref<4x128xi32, #tpu.memory_space<vmem>> -> memref<1x128xi32, #tpu.memory_space<vmem>>
      %dma_wait3A_268 = tpu.memref_squeeze %dma_wait3A_267 : memref<1x128xi32, #tpu.memory_space<vmem>> -> memref<128xi32, #tpu.memory_space<vmem>>
      %dma_wait3A_269 = arith.constant 0 : i32
      %dma_wait3A_270 = arith.constant 0 : i32
      %dma_wait3A_271 = tpu.memref_slice %arg2[%dma_wait3A_269, %dma_wait3A_270] : memref<10000x128xf32, #tpu.memory_space<hbm>> -> memref<10000x128xf32, #tpu.memory_space<hbm>>
      tpu.wait_indirect_dma semaphore(%arg13 : memref<!tpu.dma_semaphore, #tpu.memory_space<semaphore_mem>>) src(%dma_wait3A_271 : memref<10000x128xf32, #tpu.memory_space<hbm>>) dst(%dma_wait3A_265 : memref<128x128xf32, #tpu.memory_space<vmem>>)
      %ge3A_272 = arith.constant 1 : i32
      %ge3A_273 = arith.cmpi sge, %add3A_259, %ge3A_272 : i32
      %convert_element_type3A_274 = arith.extui %ge3A_273 : i1 to i32
      %cond3A_275 = arith.constant 0 : i32
      %cond3A_276 = arith.cmpi ne, %convert_element_type3A_274, %cond3A_275 : i32
      scf.if %cond3A_276 {
        %dma_wait3A_307 = arith.constant 0 : i32
        %dma_wait3A_308 = arith.constant 0 : i32
        %dma_wait3A_309 = arith.constant 0 : i32
        %dma_wait3A_310 = tpu.memref_slice %arg11[%dma_wait3A_307, %dma_wait3A_308, %dma_wait3A_309] : memref<2x128x128xf32, #tpu.memory_space<vmem>> -> memref<1x128x128xf32, #tpu.memory_space<vmem>>
        %dma_wait3A_311 = tpu.memref_squeeze %dma_wait3A_310 : memref<1x128x128xf32, #tpu.memory_space<vmem>> -> memref<128x128xf32, #tpu.memory_space<vmem>>
        %dma_wait3A_312 = arith.constant 0 : i32
        %dma_wait3A_313 = tpu.memref_slice %arg8[%add3A_259, %dma_wait3A_312] : memref<80x128xi32, #tpu.memory_space<vmem>> -> memref<1x128xi32, #tpu.memory_space<vmem>>
        %dma_wait3A_314 = tpu.memref_squeeze %dma_wait3A_313 : memref<1x128xi32, #tpu.memory_space<vmem>> -> memref<128xi32, #tpu.memory_space<vmem>>
        %dma_wait3A_315 = arith.constant 0 : i32
        %dma_wait3A_316 = arith.constant 0 : i32
        %dma_wait3A_317 = tpu.memref_slice %arg18[%dma_wait3A_315, %dma_wait3A_316] : memref<10000x128xf32, #tpu.memory_space<vmem_shared>> -> memref<10000x128xf32, #tpu.memory_space<vmem_shared>>
        tpu.wait_indirect_dma semaphore(%arg14 : memref<!tpu.dma_semaphore, #tpu.memory_space<semaphore_mem>>) src(%dma_wait3A_311 : memref<128x128xf32, #tpu.memory_space<vmem>>) dst(%dma_wait3A_317 : memref<10000x128xf32, #tpu.memory_space<vmem_shared>>)
      } else {
      }
      %add3A_277 = arith.constant 1 : i32
      %add3A_278 = arith.addi %add3A_259, %add3A_277 : i32
      %lt3A_279 = arith.constant 80 : i32
      %lt3A_280 = arith.cmpi slt, %add3A_278, %lt3A_279 : i32
      %convert_element_type3A_281 = arith.extui %lt3A_280 : i1 to i32
      %cond3A_282 = arith.constant 0 : i32
      %cond3A_283 = arith.cmpi ne, %convert_element_type3A_281, %cond3A_282 : i32
      scf.if %cond3A_283 {
        %dma_wait3A_307 = arith.constant 0 : i32
        %dma_wait3A_308 = arith.constant 0 : i32
        %dma_wait3A_309 = tpu.memref_slice %arg9[%dma_wait3A_307, %dma_wait3A_308] : memref<4x128xi32, #tpu.memory_space<vmem>> -> memref<1x128xi32, #tpu.memory_space<vmem>>
        %dma_wait3A_310 = tpu.memref_squeeze %dma_wait3A_309 : memref<1x128xi32, #tpu.memory_space<vmem>> -> memref<128xi32, #tpu.memory_space<vmem>>
        %dma_wait3A_311 = arith.constant 0 : i32
        %dma_wait3A_312 = tpu.memref_slice %arg3[%dma_wait3A_311] : memref<327680xi32, #tpu.memory_space<hbm>> -> memref<128xi32, #tpu.memory_space<hbm>>
        %dma_wait3A_313 = arith.constant 0 : i32
        %dma_wait3A_314 = tpu.memref_slice %arg9[%dma_wait3A_307, %dma_wait3A_313] : memref<4x128xi32, #tpu.memory_space<vmem>> -> memref<1x128xi32, #tpu.memory_space<vmem>>
        %dma_wait3A_315 = tpu.memref_squeeze %dma_wait3A_314 : memref<1x128xi32, #tpu.memory_space<vmem>> -> memref<128xi32, #tpu.memory_space<vmem>>
        %dma_wait3A_316 = arith.constant 0 : i32
        %dma_wait3A_317 = tpu.memref_slice %arg3[%dma_wait3A_316] : memref<327680xi32, #tpu.memory_space<hbm>> -> memref<128xi32, #tpu.memory_space<hbm>>
        tpu.wait_dma2 semaphore(%arg16 : memref<!tpu.dma_semaphore, #tpu.memory_space<semaphore_mem>>) src(%dma_wait3A_317 : memref<128xi32, #tpu.memory_space<hbm>>) dst(%dma_wait3A_315 : memref<128xi32, #tpu.memory_space<vmem>>)
        %dma_wait3A_318 = arith.constant 0 : i32
        %dma_wait3A_319 = tpu.memref_slice %arg10[%dma_wait3A_318] : memref<512xf32, #tpu.memory_space<vmem>> -> memref<128xf32, #tpu.memory_space<vmem>>
        %dma_wait3A_320 = arith.constant 0 : i32
        %dma_wait3A_321 = tpu.memref_slice %arg5[%dma_wait3A_320] : memref<327680xf32, #tpu.memory_space<hbm>> -> memref<128xf32, #tpu.memory_space<hbm>>
        %dma_wait3A_322 = arith.constant 0 : i32
        %dma_wait3A_323 = tpu.memref_slice %arg10[%dma_wait3A_322] : memref<512xf32, #tpu.memory_space<vmem>> -> memref<128xf32, #tpu.memory_space<vmem>>
        %dma_wait3A_324 = arith.constant 0 : i32
        %dma_wait3A_325 = tpu.memref_slice %arg5[%dma_wait3A_324] : memref<327680xf32, #tpu.memory_space<hbm>> -> memref<128xf32, #tpu.memory_space<hbm>>
        tpu.wait_dma2 semaphore(%arg16 : memref<!tpu.dma_semaphore, #tpu.memory_space<semaphore_mem>>) src(%dma_wait3A_325 : memref<128xf32, #tpu.memory_space<hbm>>) dst(%dma_wait3A_323 : memref<128xf32, #tpu.memory_space<vmem>>)
        %dma_start3A_326 = arith.constant 0 : i32
        %dma_start3A_327 = arith.constant 0 : i32
        %dma_start3A_328 = arith.constant 0 : i32
        %dma_start3A_329 = arith.constant 0 : i32
        %dma_start3A_330 = tpu.memref_slice %arg11[%dma_start3A_327, %dma_start3A_328, %dma_start3A_329] : memref<2x128x128xf32, #tpu.memory_space<vmem>> -> memref<1x128x128xf32, #tpu.memory_space<vmem>>
        %dma_start3A_331 = tpu.memref_squeeze %dma_start3A_330 : memref<1x128x128xf32, #tpu.memory_space<vmem>> -> memref<128x128xf32, #tpu.memory_space<vmem>>
        %dma_start3A_332 = arith.constant 0 : i32
        %dma_start3A_333 = tpu.memref_slice %arg9[%dma_start3A_326, %dma_start3A_332] : memref<4x128xi32, #tpu.memory_space<vmem>> -> memref<1x128xi32, #tpu.memory_space<vmem>>
        %dma_start3A_334 = tpu.memref_squeeze %dma_start3A_333 : memref<1x128xi32, #tpu.memory_space<vmem>> -> memref<128xi32, #tpu.memory_space<vmem>>
        %dma_start3A_335 = arith.constant 0 : i32
        %dma_start3A_336 = arith.constant 0 : i32
        %dma_start3A_337 = tpu.memref_slice %arg2[%dma_start3A_335, %dma_start3A_336] : memref<10000x128xf32, #tpu.memory_space<hbm>> -> memref<10000x128xf32, #tpu.memory_space<hbm>>
        tpu.enqueue_indirect_dma source(%dma_start3A_337 : memref<10000x128xf32, #tpu.memory_space<hbm>>) target(%dma_start3A_331 : memref<128x128xf32, #tpu.memory_space<vmem>>) offsets(%dma_start3A_334 : memref<128xi32, #tpu.memory_space<vmem>>) semaphore(%arg12 : memref<!tpu.dma_semaphore, #tpu.memory_space<semaphore_mem>>)
      } else {
      }
      %scan3A_284 = arith.constant 0 : i32
      %scan3A_285 = arith.constant 128 : i32
      %scan3A_286 = arith.addi %scan3A_284, %scan3A_285 : i32
      %scan3A_287 = arith.constant 1 : i32
      scf.for %scan3A_307 = %scan3A_284 to %scan3A_286 step %scan3A_287  : i32 {
        %mul3A_308 = arith.constant 1 : i32
        %mul3A_309 = arith.muli %scan3A_307, %mul3A_308 : i32
        %add3A_310 = arith.constant 0 : i32
        %add3A_311 = arith.addi %add3A_310, %mul3A_309 : i32
        %add3A_312 = arith.constant 384 : i32
        %add3A_313 = arith.addi %add3A_312, %add3A_311 : i32
        %broadcast_in_dim3A = vector.broadcast %add3A_313 : i32 to vector<16xi32>
        %gather3A = tpu.vector_load_idx %arg10[%broadcast_in_dim3A] : memref<512xf32, #tpu.memory_space<vmem>>[vector<16xi32>], vector<16xf32>,
        %get3A = arith.constant 1 : i32
        %get3A_314 = arith.index_cast %get3A : i32 to index
        %get3A_315 = arith.index_cast %add3A_311 : i32 to index
        %get3A_316 = arith.constant 0 : index
        %get3A_317 = tpu.vector_load %arg11[%get3A_314, %get3A_315, %get3A_316] {strides = array<i32>} : memref<2x128x128xf32, #tpu.memory_space<vmem>>, vector<16xf32>,
        %mul3A_318 = arith.mulf %get3A_317, %gather3A : vector<16xf32>
        %swap3A = arith.constant 1 : i32
        %swap3A_319 = arith.index_cast %swap3A : i32 to index
        %swap3A_320 = arith.index_cast %add3A_311 : i32 to index
        %swap3A_321 = arith.constant 0 : index
        %swap3A_322 = tpu.vector_load %arg11[%swap3A_319, %swap3A_320, %swap3A_321] {strides = array<i32>} : memref<2x128x128xf32, #tpu.memory_space<vmem>>, vector<16xf32>,
        tpu.vector_store %arg11[%swap3A_319, %swap3A_320, %swap3A_321], %mul3A_318 {strides = array<i32>} : memref<2x128x128xf32, #tpu.memory_space<vmem>>, vector<16xf32>,
        %get3A_323 = arith.constant 1 : i32
        %get3A_324 = arith.index_cast %get3A_323 : i32 to index
        %get3A_325 = arith.index_cast %add3A_311 : i32 to index
        %get3A_326 = arith.constant 16 : index
        %get3A_327 = tpu.vector_load %arg11[%get3A_324, %get3A_325, %get3A_326] {strides = array<i32>} : memref<2x128x128xf32, #tpu.memory_space<vmem>>, vector<16xf32>,
        %mul3A_328 = arith.mulf %get3A_327, %gather3A : vector<16xf32>
        %swap3A_329 = arith.constant 1 : i32
        %swap3A_330 = arith.index_cast %swap3A_329 : i32 to index
        %swap3A_331 = arith.index_cast %add3A_311 : i32 to index
        %swap3A_332 = arith.constant 16 : index
        %swap3A_333 = tpu.vector_load %arg11[%swap3A_330, %swap3A_331, %swap3A_332] {strides = array<i32>} : memref<2x128x128xf32, #tpu.memory_space<vmem>>, vector<16xf32>,
        tpu.vector_store %arg11[%swap3A_330, %swap3A_331, %swap3A_332], %mul3A_328 {strides = array<i32>} : memref<2x128x128xf32, #tpu.memory_space<vmem>>, vector<16xf32>,
        %get3A_334 = arith.constant 1 : i32
        %get3A_335 = arith.index_cast %get3A_334 : i32 to index
        %get3A_336 = arith.index_cast %add3A_311 : i32 to index
        %get3A_337 = arith.constant 32 : index
        %get3A_338 = tpu.vector_load %arg11[%get3A_335, %get3A_336, %get3A_337] {strides = array<i32>} : memref<2x128x128xf32, #tpu.memory_space<vmem>>, vector<16xf32>,
        %mul3A_339 = arith.mulf %get3A_338, %gather3A : vector<16xf32>
        %swap3A_340 = arith.constant 1 : i32
        %swap3A_341 = arith.index_cast %swap3A_340 : i32 to index
        %swap3A_342 = arith.index_cast %add3A_311 : i32 to index
        %swap3A_343 = arith.constant 32 : index
        %swap3A_344 = tpu.vector_load %arg11[%swap3A_341, %swap3A_342, %swap3A_343] {strides = array<i32>} : memref<2x128x128xf32, #tpu.memory_space<vmem>>, vector<16xf32>,
        tpu.vector_store %arg11[%swap3A_341, %swap3A_342, %swap3A_343], %mul3A_339 {strides = array<i32>} : memref<2x128x128xf32, #tpu.memory_space<vmem>>, vector<16xf32>,
        %get3A_345 = arith.constant 1 : i32
        %get3A_346 = arith.index_cast %get3A_345 : i32 to index
        %get3A_347 = arith.index_cast %add3A_311 : i32 to index
        %get3A_348 = arith.constant 48 : index
        %get3A_349 = tpu.vector_load %arg11[%get3A_346, %get3A_347, %get3A_348] {strides = array<i32>} : memref<2x128x128xf32, #tpu.memory_space<vmem>>, vector<16xf32>,
        %mul3A_350 = arith.mulf %get3A_349, %gather3A : vector<16xf32>
        %swap3A_351 = arith.constant 1 : i32
        %swap3A_352 = arith.index_cast %swap3A_351 : i32 to index
        %swap3A_353 = arith.index_cast %add3A_311 : i32 to index
        %swap3A_354 = arith.constant 48 : index
        %swap3A_355 = tpu.vector_load %arg11[%swap3A_352, %swap3A_353, %swap3A_354] {strides = array<i32>} : memref<2x128x128xf32, #tpu.memory_space<vmem>>, vector<16xf32>,
        tpu.vector_store %arg11[%swap3A_352, %swap3A_353, %swap3A_354], %mul3A_350 {strides = array<i32>} : memref<2x128x128xf32, #tpu.memory_space<vmem>>, vector<16xf32>,
        %get3A_356 = arith.constant 1 : i32
        %get3A_357 = arith.index_cast %get3A_356 : i32 to index
        %get3A_358 = arith.index_cast %add3A_311 : i32 to index
        %get3A_359 = arith.constant 64 : index
        %get3A_360 = tpu.vector_load %arg11[%get3A_357, %get3A_358, %get3A_359] {strides = array<i32>} : memref<2x128x128xf32, #tpu.memory_space<vmem>>, vector<16xf32>,
        %mul3A_361 = arith.mulf %get3A_360, %gather3A : vector<16xf32>
        %swap3A_362 = arith.constant 1 : i32
        %swap3A_363 = arith.index_cast %swap3A_362 : i32 to index
        %swap3A_364 = arith.index_cast %add3A_311 : i32 to index
        %swap3A_365 = arith.constant 64 : index
        %swap3A_366 = tpu.vector_load %arg11[%swap3A_363, %swap3A_364, %swap3A_365] {strides = array<i32>} : memref<2x128x128xf32, #tpu.memory_space<vmem>>, vector<16xf32>,
        tpu.vector_store %arg11[%swap3A_363, %swap3A_364, %swap3A_365], %mul3A_361 {strides = array<i32>} : memref<2x128x128xf32, #tpu.memory_space<vmem>>, vector<16xf32>,
        %get3A_367 = arith.constant 1 : i32
        %get3A_368 = arith.index_cast %get3A_367 : i32 to index
        %get3A_369 = arith.index_cast %add3A_311 : i32 to index
        %get3A_370 = arith.constant 80 : index
        %get3A_371 = tpu.vector_load %arg11[%get3A_368, %get3A_369, %get3A_370] {strides = array<i32>} : memref<2x128x128xf32, #tpu.memory_space<vmem>>, vector<16xf32>,
        %mul3A_372 = arith.mulf %get3A_371, %gather3A : vector<16xf32>
        %swap3A_373 = arith.constant 1 : i32
        %swap3A_374 = arith.index_cast %swap3A_373 : i32 to index
        %swap3A_375 = arith.index_cast %add3A_311 : i32 to index
        %swap3A_376 = arith.constant 80 : index
        %swap3A_377 = tpu.vector_load %arg11[%swap3A_374, %swap3A_375, %swap3A_376] {strides = array<i32>} : memref<2x128x128xf32, #tpu.memory_space<vmem>>, vector<16xf32>,
        tpu.vector_store %arg11[%swap3A_374, %swap3A_375, %swap3A_376], %mul3A_372 {strides = array<i32>} : memref<2x128x128xf32, #tpu.memory_space<vmem>>, vector<16xf32>,
        %get3A_378 = arith.constant 1 : i32
        %get3A_379 = arith.index_cast %get3A_378 : i32 to index
        %get3A_380 = arith.index_cast %add3A_311 : i32 to index
        %get3A_381 = arith.constant 96 : index
        %get3A_382 = tpu.vector_load %arg11[%get3A_379, %get3A_380, %get3A_381] {strides = array<i32>} : memref<2x128x128xf32, #tpu.memory_space<vmem>>, vector<16xf32>,
        %mul3A_383 = arith.mulf %get3A_382, %gather3A : vector<16xf32>
        %swap3A_384 = arith.constant 1 : i32
        %swap3A_385 = arith.index_cast %swap3A_384 : i32 to index
        %swap3A_386 = arith.index_cast %add3A_311 : i32 to index
        %swap3A_387 = arith.constant 96 : index
        %swap3A_388 = tpu.vector_load %arg11[%swap3A_385, %swap3A_386, %swap3A_387] {strides = array<i32>} : memref<2x128x128xf32, #tpu.memory_space<vmem>>, vector<16xf32>,
        tpu.vector_store %arg11[%swap3A_385, %swap3A_386, %swap3A_387], %mul3A_383 {strides = array<i32>} : memref<2x128x128xf32, #tpu.memory_space<vmem>>, vector<16xf32>,
        %get3A_389 = arith.constant 1 : i32
        %get3A_390 = arith.index_cast %get3A_389 : i32 to index
        %get3A_391 = arith.index_cast %add3A_311 : i32 to index
        %get3A_392 = arith.constant 112 : index
        %get3A_393 = tpu.vector_load %arg11[%get3A_390, %get3A_391, %get3A_392] {strides = array<i32>} : memref<2x128x128xf32, #tpu.memory_space<vmem>>, vector<16xf32>,
        %mul3A_394 = arith.mulf %get3A_393, %gather3A : vector<16xf32>
        %swap3A_395 = arith.constant 1 : i32
        %swap3A_396 = arith.index_cast %swap3A_395 : i32 to index
        %swap3A_397 = arith.index_cast %add3A_311 : i32 to index
        %swap3A_398 = arith.constant 112 : index
        %swap3A_399 = tpu.vector_load %arg11[%swap3A_396, %swap3A_397, %swap3A_398] {strides = array<i32>} : memref<2x128x128xf32, #tpu.memory_space<vmem>>, vector<16xf32>,
        tpu.vector_store %arg11[%swap3A_396, %swap3A_397, %swap3A_398], %mul3A_394 {strides = array<i32>} : memref<2x128x128xf32, #tpu.memory_space<vmem>>, vector<16xf32>,
      }
      %scan3A_288 = arith.constant 128 : i32
      %dma_start3A_289 = arith.constant 1 : i32
      %dma_start3A_290 = arith.constant 0 : i32
      %dma_start3A_291 = arith.constant 0 : i32
      %dma_start3A_292 = tpu.memref_slice %arg11[%dma_start3A_289, %dma_start3A_290, %dma_start3A_291] : memref<2x128x128xf32, #tpu.memory_space<vmem>> -> memref<1x128x128xf32, #tpu.memory_space<vmem>>
      %dma_start3A_293 = tpu.memref_squeeze %dma_start3A_292 : memref<1x128x128xf32, #tpu.memory_space<vmem>> -> memref<128x128xf32, #tpu.memory_space<vmem>>
      %dma_start3A_294 = arith.constant 0 : i32
      %dma_start3A_295 = tpu.memref_slice %arg8[%add3A_259, %dma_start3A_294] : memref<80x128xi32, #tpu.memory_space<vmem>> -> memref<1x128xi32, #tpu.memory_space<vmem>>
      %dma_start3A_296 = tpu.memref_squeeze %dma_start3A_295 : memref<1x128xi32, #tpu.memory_space<vmem>> -> memref<128xi32, #tpu.memory_space<vmem>>
      %dma_start3A_297 = arith.constant 0 : i32
      %dma_start3A_298 = arith.constant 0 : i32
      %dma_start3A_299 = tpu.memref_slice %arg18[%dma_start3A_297, %dma_start3A_298] : memref<10000x128xf32, #tpu.memory_space<vmem_shared>> -> memref<10000x128xf32, #tpu.memory_space<vmem_shared>>
      tpu.enqueue_indirect_dma source(%dma_start3A_293 : memref<128x128xf32, #tpu.memory_space<vmem>>) target(%dma_start3A_299 : memref<10000x128xf32, #tpu.memory_space<vmem_shared>>) offsets(%dma_start3A_296 : memref<128xi32, #tpu.memory_space<vmem>>) semaphore(%arg15 : memref<!tpu.dma_semaphore, #tpu.memory_space<semaphore_mem>>) {add = true}
      %add3A_300 = arith.constant 2 : i32
      %add3A_301 = arith.addi %add3A_259, %add3A_300 : i32
      %lt3A_302 = arith.constant 80 : i32
      %lt3A_303 = arith.cmpi slt, %add3A_301, %lt3A_302 : i32
      %convert_element_type3A_304 = arith.extui %lt3A_303 : i1 to i32
      %cond3A_305 = arith.constant 0 : i32
      %cond3A_306 = arith.cmpi ne, %convert_element_type3A_304, %cond3A_305 : i32
      scf.if %cond3A_306 {
        %add3A_307 = arith.constant 2 : i32
        %add3A_308 = arith.addi %add3A_259, %add3A_307 : i32
        %mul3A_309 = arith.constant 128 : i32
        %mul3A_310 = arith.muli %add3A_308, %mul3A_309 : i32
        %add3A_311 = arith.addi %mul3A_2, %mul3A_310 : i32
        %dma_start3A_312 = arith.constant 1 : i32
        %dma_start3A_313 = arith.constant 0 : i32
        %dma_start3A_314 = tpu.memref_slice %arg9[%dma_start3A_312, %dma_start3A_313] : memref<4x128xi32, #tpu.memory_space<vmem>> -> memref<1x128xi32, #tpu.memory_space<vmem>>
        %dma_start3A_315 = tpu.memref_squeeze %dma_start3A_314 : memref<1x128xi32, #tpu.memory_space<vmem>> -> memref<128xi32, #tpu.memory_space<vmem>>
        %dma_start3A_316 = tpu.memref_slice %arg3[%add3A_311] : memref<327680xi32, #tpu.memory_space<hbm>> -> memref<128xi32, #tpu.memory_space<hbm>>
        %dma_start3A_317 = arith.constant 0 : i32
        %dma_start3A_318 = tpu.memref_slice %arg9[%dma_start3A_312, %dma_start3A_317] : memref<4x128xi32, #tpu.memory_space<vmem>> -> memref<1x128xi32, #tpu.memory_space<vmem>>
        %dma_start3A_319 = tpu.memref_squeeze %dma_start3A_318 : memref<1x128xi32, #tpu.memory_space<vmem>> -> memref<128xi32, #tpu.memory_space<vmem>>
        %dma_start3A_320 = tpu.memref_slice %arg3[%add3A_311] : memref<327680xi32, #tpu.memory_space<hbm>> -> memref<128xi32, #tpu.memory_space<hbm>>
        tpu.enqueue_dma source(%dma_start3A_320 : memref<128xi32, #tpu.memory_space<hbm>>) target(%dma_start3A_319 : memref<128xi32, #tpu.memory_space<vmem>>) target_semaphore(%arg17 : memref<!tpu.dma_semaphore, #tpu.memory_space<semaphore_mem>>)
        %mul3A_321 = arith.constant 128 : i32
        %mul3A_322 = arith.muli %add3A_308, %mul3A_321 : i32
        %add3A_323 = arith.addi %mul3A_2, %mul3A_322 : i32
        %dma_start3A_324 = arith.constant 128 : i32
        %dma_start3A_325 = tpu.memref_slice %arg10[%dma_start3A_324] : memref<512xf32, #tpu.memory_space<vmem>> -> memref<128xf32, #tpu.memory_space<vmem>>
        %dma_start3A_326 = tpu.memref_slice %arg5[%add3A_323] : memref<327680xf32, #tpu.memory_space<hbm>> -> memref<128xf32, #tpu.memory_space<hbm>>
        %dma_start3A_327 = arith.constant 128 : i32
        %dma_start3A_328 = tpu.memref_slice %arg10[%dma_start3A_327] : memref<512xf32, #tpu.memory_space<vmem>> -> memref<128xf32, #tpu.memory_space<vmem>>
        %dma_start3A_329 = tpu.memref_slice %arg5[%add3A_323] : memref<327680xf32, #tpu.memory_space<hbm>> -> memref<128xf32, #tpu.memory_space<hbm>>
        tpu.enqueue_dma source(%dma_start3A_329 : memref<128xf32, #tpu.memory_space<hbm>>) target(%dma_start3A_328 : memref<128xf32, #tpu.memory_space<vmem>>) target_semaphore(%arg17 : memref<!tpu.dma_semaphore, #tpu.memory_space<semaphore_mem>>)
      } else {
      }
    }
    %scan3A_83 = arith.constant 20 : i32
    %dma_wait3A_84 = arith.constant 1 : i32
    %dma_wait3A_85 = arith.constant 0 : i32
    %dma_wait3A_86 = arith.constant 0 : i32
    %dma_wait3A_87 = arith.constant 0 : i32
    %dma_wait3A_88 = tpu.memref_slice %arg11[%dma_wait3A_84, %dma_wait3A_86, %dma_wait3A_87] : memref<2x128x128xf32, #tpu.memory_space<vmem>> -> memref<1x128x128xf32, #tpu.memory_space<vmem>>
    %dma_wait3A_89 = tpu.memref_squeeze %dma_wait3A_88 : memref<1x128x128xf32, #tpu.memory_space<vmem>> -> memref<128x128xf32, #tpu.memory_space<vmem>>
    %dma_wait3A_90 = arith.constant 0 : i32
    %dma_wait3A_91 = tpu.memref_slice %arg8[%dma_wait3A_85, %dma_wait3A_90] : memref<80x128xi32, #tpu.memory_space<vmem>> -> memref<1x128xi32, #tpu.memory_space<vmem>>
    %dma_wait3A_92 = tpu.memref_squeeze %dma_wait3A_91 : memref<1x128xi32, #tpu.memory_space<vmem>> -> memref<128xi32, #tpu.memory_space<vmem>>
    %dma_wait3A_93 = arith.constant 0 : i32
    %dma_wait3A_94 = arith.constant 0 : i32
    %dma_wait3A_95 = tpu.memref_slice %arg18[%dma_wait3A_93, %dma_wait3A_94] : memref<10000x128xf32, #tpu.memory_space<vmem_shared>> -> memref<10000x128xf32, #tpu.memory_space<vmem_shared>>
    tpu.wait_indirect_dma semaphore(%arg15 : memref<!tpu.dma_semaphore, #tpu.memory_space<semaphore_mem>>) src(%dma_wait3A_89 : memref<128x128xf32, #tpu.memory_space<vmem>>) dst(%dma_wait3A_95 : memref<10000x128xf32, #tpu.memory_space<vmem_shared>>)
    %barrier3A_96 = arith.constant 0 : index
    tpu.barrier barrier_id(%barrier3A_96)
    %lt3A_97 = arith.constant 15 : i32
    %lt3A_98 = arith.cmpi slt, %arg1, %lt3A_97 : i32
    %convert_element_type3A_99 = arith.extui %lt3A_98 : i1 to i32
    %cond3A_100 = arith.constant 0 : i32
    %cond3A_101 = arith.cmpi ne, %convert_element_type3A_99, %cond3A_100 : i32
    scf.if %cond3A_101 {
      "tpu.region"() ({
        %run_scoped3A = tpu.sem_alloc : memref<!tpu.dma_semaphore, #tpu.memory_space<semaphore_mem>>
        %dma_start3A_107 = arith.constant 0 : i32
        %dma_start3A_108 = tpu.memref_slice %arg7[%arg0, %mul3A_6, %dma_start3A_107] : memref<2x10000x128xf32, #tpu.memory_space<hbm>> -> memref<1x632x128xf32, #tpu.memory_space<hbm>>
        %dma_start3A_109 = tpu.memref_squeeze %dma_start3A_108 : memref<1x632x128xf32, #tpu.memory_space<hbm>> -> memref<632x128xf32, #tpu.memory_space<hbm>>
        %dma_start3A_110 = arith.constant 0 : i32
        %dma_start3A_111 = tpu.memref_slice %arg18[%mul3A_6, %dma_start3A_110] : memref<10000x128xf32, #tpu.memory_space<vmem_shared>> -> memref<632x128xf32, #tpu.memory_space<vmem_shared>>
        tpu.enqueue_dma source(%dma_start3A_111 : memref<632x128xf32, #tpu.memory_space<vmem_shared>>) target(%dma_start3A_109 : memref<632x128xf32, #tpu.memory_space<hbm>>) target_semaphore(%run_scoped3A : memref<!tpu.dma_semaphore, #tpu.memory_space<semaphore_mem>>)
        %dma_wait3A_112 = arith.constant 0 : i32
        %dma_wait3A_113 = tpu.memref_slice %arg7[%arg0, %mul3A_6, %dma_wait3A_112] : memref<2x10000x128xf32, #tpu.memory_space<hbm>> -> memref<1x632x128xf32, #tpu.memory_space<hbm>>
        %dma_wait3A_114 = tpu.memref_squeeze %dma_wait3A_113 : memref<1x632x128xf32, #tpu.memory_space<hbm>> -> memref<632x128xf32, #tpu.memory_space<hbm>>
        %dma_wait3A_115 = arith.constant 0 : i32
        %dma_wait3A_116 = tpu.memref_slice %arg18[%mul3A_6, %dma_wait3A_115] : memref<10000x128xf32, #tpu.memory_space<vmem_shared>> -> memref<632x128xf32, #tpu.memory_space<vmem_shared>>
        tpu.wait_dma2 semaphore(%run_scoped3A : memref<!tpu.dma_semaphore, #tpu.memory_space<semaphore_mem>>) src(%dma_wait3A_116 : memref<632x128xf32, #tpu.memory_space<vmem_shared>>) dst(%dma_wait3A_114 : memref<632x128xf32, #tpu.memory_space<hbm>>)
        tpu.yield
      }) : () -> ()
    } else {
    }
    %eq3A_102 = arith.constant 15 : i32
    %eq3A_103 = arith.cmpi eq, %arg1, %eq3A_102 : i32
    %convert_element_type3A_104 = arith.extui %eq3A_103 : i1 to i32
    %cond3A_105 = arith.constant 0 : i32
    %cond3A_106 = arith.cmpi ne, %convert_element_type3A_104, %cond3A_105 : i32
    scf.if %cond3A_106 {
      "tpu.region"() ({
        %run_scoped3A = tpu.sem_alloc : memref<!tpu.dma_semaphore, #tpu.memory_space<semaphore_mem>>
        %dma_start3A_107 = arith.constant 9480 : i32
        %dma_start3A_108 = arith.constant 0 : i32
        %dma_start3A_109 = tpu.memref_slice %arg7[%arg0, %dma_start3A_107, %dma_start3A_108] : memref<2x10000x128xf32, #tpu.memory_space<hbm>> -> memref<1x520x128xf32, #tpu.memory_space<hbm>>
        %dma_start3A_110 = tpu.memref_squeeze %dma_start3A_109 : memref<1x520x128xf32, #tpu.memory_space<hbm>> -> memref<520x128xf32, #tpu.memory_space<hbm>>
        %dma_start3A_111 = arith.constant 9480 : i32
        %dma_start3A_112 = arith.constant 0 : i32
        %dma_start3A_113 = tpu.memref_slice %arg18[%dma_start3A_111, %dma_start3A_112] : memref<10000x128xf32, #tpu.memory_space<vmem_shared>> -> memref<520x128xf32, #tpu.memory_space<vmem_shared>>
        tpu.enqueue_dma source(%dma_start3A_113 : memref<520x128xf32, #tpu.memory_space<vmem_shared>>) target(%dma_start3A_110 : memref<520x128xf32, #tpu.memory_space<hbm>>) target_semaphore(%run_scoped3A : memref<!tpu.dma_semaphore, #tpu.memory_space<semaphore_mem>>)
        %dma_wait3A_114 = arith.constant 9480 : i32
        %dma_wait3A_115 = arith.constant 0 : i32
        %dma_wait3A_116 = tpu.memref_slice %arg7[%arg0, %dma_wait3A_114, %dma_wait3A_115] : memref<2x10000x128xf32, #tpu.memory_space<hbm>> -> memref<1x520x128xf32, #tpu.memory_space<hbm>>
        %dma_wait3A_117 = tpu.memref_squeeze %dma_wait3A_116 : memref<1x520x128xf32, #tpu.memory_space<hbm>> -> memref<520x128xf32, #tpu.memory_space<hbm>>
        %dma_wait3A_118 = arith.constant 9480 : i32
        %dma_wait3A_119 = arith.constant 0 : i32
        %dma_wait3A_120 = tpu.memref_slice %arg18[%dma_wait3A_118, %dma_wait3A_119] : memref<10000x128xf32, #tpu.memory_space<vmem_shared>> -> memref<520x128xf32, #tpu.memory_space<vmem_shared>>
        tpu.wait_dma2 semaphore(%run_scoped3A : memref<!tpu.dma_semaphore, #tpu.memory_space<semaphore_mem>>) src(%dma_wait3A_120 : memref<520x128xf32, #tpu.memory_space<vmem_shared>>) dst(%dma_wait3A_117 : memref<520x128xf32, #tpu.memory_space<hbm>>)
        tpu.yield
      }) : () -> ()
    } else {
    }
    return
  }
}

module attributes {stable_mosaic.version = 14 : i64} {
  func.func @body(%arg0: i32, %arg1: memref<1000x128xf32, #tpu.memory_space<vmem>>, %arg2: memref<128x128xf32, #tpu.memory_space<vmem>>, %arg3: memref<1x128xf32, #tpu.memory_space<vmem>>, %arg4: memref<1000x128xf32, #tpu.memory_space<vmem>>) attributes {dimension_semantics = [#tpu.dimension_semantics<arbitrary>], iteration_bounds = array<i64: 10>, scalar_prefetch = 0 : i64, scratch_operands = 0 : i64, tpu.core_type = #tpu.core_type<tc>, window_params = [{transform_indices = @transform_0, window_bounds = array<i64: 1000, 128>}, {pipeline_mode = #tpu.pipeline_mode<synchronous>, transform_indices = @transform_1, window_bounds = array<i64: 128, 128>}, {pipeline_mode = #tpu.pipeline_mode<synchronous>, transform_indices = @transform_2, window_bounds = array<i64: 1, 128>}, {transform_indices = @transform_3, window_bounds = array<i64: 1000, 128>}]} {
    %get3A = arith.constant 0 : index
    %get3A_0 = arith.constant 0 : index
    %get3A_1 = vector.load %arg1[%get3A, %get3A_0] : memref<1000x128xf32, #tpu.memory_space<vmem>>, vector<1000x128xf32>
    %get3A_2 = arith.constant 0 : index
    %get3A_3 = arith.constant 0 : index
    %get3A_4 = vector.load %arg2[%get3A_2, %get3A_3] : memref<128x128xf32, #tpu.memory_space<vmem>>, vector<128x128xf32>
    %dot_general3A = arith.constant dense<0.000000e+00> : vector<1000x128xf32>
    %dot_general3A_5 = tpu.matmul %get3A_1, %get3A_4, %dot_general3A {dimension_numbers = #tpu.dot_dimension_numbers<[1], [0], [0], [1], [0, 0, 1, 1], [], []>, precision = #tpu.contract_precision<fp32>, transpose_lhs_hint = false} : vector<1000x128xf32>, vector<128x128xf32>, vector<1000x128xf32> -> vector<1000x128xf32>
    %get3A_6 = arith.constant 0 : index
    %get3A_7 = arith.constant 0 : index
    %get3A_8 = vector.load %arg3[%get3A_6, %get3A_7] : memref<1x128xf32, #tpu.memory_space<vmem>>, vector<1x128xf32>
    %add3A = vector.broadcast %get3A_8 : vector<1x128xf32> to vector<1000x128xf32>
    %add3A_9 = arith.addf %dot_general3A_5, %add3A : vector<1000x128xf32>
    %max3A = arith.constant 0.000000e+00 : f32
    %max3A_10 = vector.broadcast %max3A : f32 to vector<1000x128xf32>
    %max3A_11 = arith.maximumf %add3A_9, %max3A_10 : vector<1000x128xf32>
    %swap3A = arith.constant 0 : index
    %swap3A_12 = arith.constant 0 : index
    %swap3A_13 = vector.load %arg4[%swap3A, %swap3A_12] : memref<1000x128xf32, #tpu.memory_space<vmem>>, vector<1000x128xf32>
    tpu.vector_store %arg4[%swap3A, %swap3A_12], %max3A_11 {strides = array<i32>} : memref<1000x128xf32, #tpu.memory_space<vmem>>, vector<1000x128xf32>,
    return
  }
  func.func @transform_0(%arg0: i32) -> (i32, i32) {
    %c0_i32 = arith.constant 0 : i32
    %c0_i32_0 = arith.constant 0 : i32
    return %arg0, %c0_i32 : i32, i32
  }
  func.func @transform_1(%arg0: i32) -> (i32, i32) {
    %c0_i32 = arith.constant 0 : i32
    %c0_i32_0 = arith.constant 0 : i32
    %c0_i32_1 = arith.constant 0 : i32
    return %c0_i32, %c0_i32_0 : i32, i32
  }
  func.func @transform_2(%arg0: i32) -> (i32, i32) {
    %c0_i32 = arith.constant 0 : i32
    %c0_i32_0 = arith.constant 0 : i32
    %c0_i32_1 = arith.constant 0 : i32
    return %c0_i32, %c0_i32_0 : i32, i32
  }
  func.func @transform_3(%arg0: i32) -> (i32, i32) {
    %c0_i32 = arith.constant 0 : i32
    %c0_i32_0 = arith.constant 0 : i32
    return %arg0, %c0_i32 : i32, i32
  }
}

module attributes {stable_mosaic.version = 14 : i64} {
  func.func @body(%arg0: i32, %arg1: memref<1000x128xf32, #tpu.memory_space<vmem>>, %arg2: memref<1000x128xf32, #tpu.memory_space<vmem>>, %arg3: memref<1000x128xf32, #tpu.memory_space<vmem>>, %arg4: memref<1x128xf32, #tpu.memory_space<vmem>>, %arg5: memref<1x128xf32, #tpu.memory_space<vmem>>, %arg6: memref<128x128xf32, #tpu.memory_space<vmem>>, %arg7: memref<1x128xf32, #tpu.memory_space<vmem>>, %arg8: memref<1000x128xf32, #tpu.memory_space<vmem>>) attributes {dimension_semantics = [#tpu.dimension_semantics<arbitrary>], iteration_bounds = array<i64: 10>, scalar_prefetch = 0 : i64, scratch_operands = 0 : i64, tpu.core_type = #tpu.core_type<tc>, window_params = [{transform_indices = @transform_0, window_bounds = array<i64: 1000, 128>}, {transform_indices = @transform_1, window_bounds = array<i64: 1000, 128>}, {transform_indices = @transform_2, window_bounds = array<i64: 1000, 128>}, {pipeline_mode = #tpu.pipeline_mode<synchronous>, transform_indices = @transform_3, window_bounds = array<i64: 1, 128>}, {pipeline_mode = #tpu.pipeline_mode<synchronous>, transform_indices = @transform_4, window_bounds = array<i64: 1, 128>}, {pipeline_mode = #tpu.pipeline_mode<synchronous>, transform_indices = @transform_5, window_bounds = array<i64: 128, 128>}, {pipeline_mode = #tpu.pipeline_mode<synchronous>, transform_indices = @transform_6, window_bounds = array<i64: 1, 128>}, {transform_indices = @transform_7, window_bounds = array<i64: 1000, 128>}]} {
    %get3A = arith.constant 0 : index
    %get3A_0 = arith.constant 0 : index
    %get3A_1 = vector.load %arg1[%get3A, %get3A_0] : memref<1000x128xf32, #tpu.memory_space<vmem>>, vector<1000x128xf32>
    %get3A_2 = arith.constant 0 : index
    %get3A_3 = arith.constant 0 : index
    %get3A_4 = vector.load %arg2[%get3A_2, %get3A_3] : memref<1000x128xf32, #tpu.memory_space<vmem>>, vector<1000x128xf32>
    %add3A = arith.addf %get3A_1, %get3A_4 : vector<1000x128xf32>
    %get3A_5 = arith.constant 0 : index
    %get3A_6 = arith.constant 0 : index
    %get3A_7 = vector.load %arg3[%get3A_5, %get3A_6] : memref<1000x128xf32, #tpu.memory_space<vmem>>, vector<1000x128xf32>
    %add3A_8 = arith.addf %add3A, %get3A_7 : vector<1000x128xf32>
    %reduce_sum3A = arith.constant dense<0.000000e+00> : vector<1000xf32>
    %reduce_sum3A_9 = vector.multi_reduction <add>, %add3A_8, %reduce_sum3A [1] : vector<1000x128xf32> to vector<1000xf32>
    %broadcast_in_dim3A = vector.shape_cast %reduce_sum3A_9 : vector<1000xf32> to vector<1000x1xf32>
    %div3A = arith.constant 1.280000e+02 : f32
    %div3A_10 = vector.broadcast %div3A : f32 to vector<1000x1xf32>
    %div3A_11 = arith.divf %broadcast_in_dim3A, %div3A_10 : vector<1000x1xf32>
    %sub3A = vector.broadcast %div3A_11 : vector<1000x1xf32> to vector<1000x128xf32>
    %sub3A_12 = arith.subf %add3A_8, %sub3A : vector<1000x128xf32>
    %integer_pow3A = arith.mulf %sub3A_12, %sub3A_12 : vector<1000x128xf32>
    %reduce_sum3A_13 = arith.constant dense<0.000000e+00> : vector<1000xf32>
    %reduce_sum3A_14 = vector.multi_reduction <add>, %integer_pow3A, %reduce_sum3A_13 [1] : vector<1000x128xf32> to vector<1000xf32>
    %broadcast_in_dim3A_15 = vector.shape_cast %reduce_sum3A_14 : vector<1000xf32> to vector<1000x1xf32>
    %div3A_16 = arith.constant 1.280000e+02 : f32
    %div3A_17 = vector.broadcast %div3A_16 : f32 to vector<1000x1xf32>
    %div3A_18 = arith.divf %broadcast_in_dim3A_15, %div3A_17 : vector<1000x1xf32>
    %sub3A_19 = vector.broadcast %div3A_11 : vector<1000x1xf32> to vector<1000x128xf32>
    %sub3A_20 = arith.subf %add3A_8, %sub3A_19 : vector<1000x128xf32>
    %add3A_21 = arith.constant 9.99999974E-6 : f32
    %add3A_22 = vector.broadcast %add3A_21 : f32 to vector<1000x1xf32>
    %add3A_23 = arith.addf %div3A_18, %add3A_22 : vector<1000x1xf32>
    %rsqrt3A = math.rsqrt %add3A_23 : vector<1000x1xf32>
    %mul3A = vector.broadcast %rsqrt3A : vector<1000x1xf32> to vector<1000x128xf32>
    %mul3A_24 = arith.mulf %sub3A_20, %mul3A : vector<1000x128xf32>
    %get3A_25 = arith.constant 0 : index
    %get3A_26 = arith.constant 0 : index
    %get3A_27 = vector.load %arg4[%get3A_25, %get3A_26] : memref<1x128xf32, #tpu.memory_space<vmem>>, vector<1x128xf32>
    %mul3A_28 = vector.broadcast %get3A_27 : vector<1x128xf32> to vector<1000x128xf32>
    %mul3A_29 = arith.mulf %mul3A_24, %mul3A_28 : vector<1000x128xf32>
    %get3A_30 = arith.constant 0 : index
    %get3A_31 = arith.constant 0 : index
    %get3A_32 = vector.load %arg5[%get3A_30, %get3A_31] : memref<1x128xf32, #tpu.memory_space<vmem>>, vector<1x128xf32>
    %add3A_33 = vector.broadcast %get3A_32 : vector<1x128xf32> to vector<1000x128xf32>
    %add3A_34 = arith.addf %mul3A_29, %add3A_33 : vector<1000x128xf32>
    %get3A_35 = arith.constant 0 : index
    %get3A_36 = arith.constant 0 : index
    %get3A_37 = vector.load %arg6[%get3A_35, %get3A_36] : memref<128x128xf32, #tpu.memory_space<vmem>>, vector<128x128xf32>
    %dot_general3A = arith.constant dense<0.000000e+00> : vector<1000x128xf32>
    %dot_general3A_38 = tpu.matmul %add3A_34, %get3A_37, %dot_general3A {dimension_numbers = #tpu.dot_dimension_numbers<[1], [0], [0], [1], [0, 0, 1, 1], [], []>, precision = #tpu.contract_precision<fp32>, transpose_lhs_hint = false} : vector<1000x128xf32>, vector<128x128xf32>, vector<1000x128xf32> -> vector<1000x128xf32>
    %get3A_39 = arith.constant 0 : index
    %get3A_40 = arith.constant 0 : index
    %get3A_41 = vector.load %arg7[%get3A_39, %get3A_40] : memref<1x128xf32, #tpu.memory_space<vmem>>, vector<1x128xf32>
    %add3A_42 = vector.broadcast %get3A_41 : vector<1x128xf32> to vector<1000x128xf32>
    %add3A_43 = arith.addf %dot_general3A_38, %add3A_42 : vector<1000x128xf32>
    %max3A = arith.constant 0.000000e+00 : f32
    %max3A_44 = vector.broadcast %max3A : f32 to vector<1000x128xf32>
    %max3A_45 = arith.maximumf %add3A_43, %max3A_44 : vector<1000x128xf32>
    %swap3A = arith.constant 0 : index
    %swap3A_46 = arith.constant 0 : index
    %swap3A_47 = vector.load %arg8[%swap3A, %swap3A_46] : memref<1000x128xf32, #tpu.memory_space<vmem>>, vector<1000x128xf32>
    tpu.vector_store %arg8[%swap3A, %swap3A_46], %max3A_45 {strides = array<i32>} : memref<1000x128xf32, #tpu.memory_space<vmem>>, vector<1000x128xf32>,
    return
  }
  func.func @transform_0(%arg0: i32) -> (i32, i32) {
    %c0_i32 = arith.constant 0 : i32
    %c0_i32_0 = arith.constant 0 : i32
    return %arg0, %c0_i32 : i32, i32
  }
  func.func @transform_1(%arg0: i32) -> (i32, i32) {
    %c0_i32 = arith.constant 0 : i32
    %c0_i32_0 = arith.constant 0 : i32
    return %arg0, %c0_i32 : i32, i32
  }
  func.func @transform_2(%arg0: i32) -> (i32, i32) {
    %c0_i32 = arith.constant 0 : i32
    %c0_i32_0 = arith.constant 0 : i32
    return %arg0, %c0_i32 : i32, i32
  }
  func.func @transform_3(%arg0: i32) -> (i32, i32) {
    %c0_i32 = arith.constant 0 : i32
    %c0_i32_0 = arith.constant 0 : i32
    %c0_i32_1 = arith.constant 0 : i32
    return %c0_i32, %c0_i32_0 : i32, i32
  }
  func.func @transform_4(%arg0: i32) -> (i32, i32) {
    %c0_i32 = arith.constant 0 : i32
    %c0_i32_0 = arith.constant 0 : i32
    %c0_i32_1 = arith.constant 0 : i32
    return %c0_i32, %c0_i32_0 : i32, i32
  }
  func.func @transform_5(%arg0: i32) -> (i32, i32) {
    %c0_i32 = arith.constant 0 : i32
    %c0_i32_0 = arith.constant 0 : i32
    %c0_i32_1 = arith.constant 0 : i32
    return %c0_i32, %c0_i32_0 : i32, i32
  }
  func.func @transform_6(%arg0: i32) -> (i32, i32) {
    %c0_i32 = arith.constant 0 : i32
    %c0_i32_0 = arith.constant 0 : i32
    %c0_i32_1 = arith.constant 0 : i32
    return %c0_i32, %c0_i32_0 : i32, i32
  }
  func.func @transform_7(%arg0: i32) -> (i32, i32) {
    %c0_i32 = arith.constant 0 : i32
    %c0_i32_0 = arith.constant 0 : i32
    return %arg0, %c0_i32 : i32, i32
  }
}

module attributes {stable_mosaic.version = 14 : i64} {
  func.func @body(%arg0: i32, %arg1: memref<1000x128xf32, #tpu.memory_space<vmem>>, %arg2: memref<1000x128xf32, #tpu.memory_space<vmem>>, %arg3: memref<1000x128xf32, #tpu.memory_space<vmem>>, %arg4: memref<1x128xf32, #tpu.memory_space<vmem>>, %arg5: memref<1x128xf32, #tpu.memory_space<vmem>>, %arg6: memref<1000x128xf32, #tpu.memory_space<vmem>>) attributes {dimension_semantics = [#tpu.dimension_semantics<arbitrary>], iteration_bounds = array<i64: 10>, scalar_prefetch = 0 : i64, scratch_operands = 0 : i64, tpu.core_type = #tpu.core_type<tc>, window_params = [{transform_indices = @transform_0, window_bounds = array<i64: 1000, 128>}, {transform_indices = @transform_1, window_bounds = array<i64: 1000, 128>}, {transform_indices = @transform_2, window_bounds = array<i64: 1000, 128>}, {pipeline_mode = #tpu.pipeline_mode<synchronous>, transform_indices = @transform_3, window_bounds = array<i64: 1, 128>}, {pipeline_mode = #tpu.pipeline_mode<synchronous>, transform_indices = @transform_4, window_bounds = array<i64: 1, 128>}, {transform_indices = @transform_5, window_bounds = array<i64: 1000, 128>}]} {
    %get3A = arith.constant 0 : index
    %get3A_0 = arith.constant 0 : index
    %get3A_1 = vector.load %arg1[%get3A, %get3A_0] : memref<1000x128xf32, #tpu.memory_space<vmem>>, vector<1000x128xf32>
    %get3A_2 = arith.constant 0 : index
    %get3A_3 = arith.constant 0 : index
    %get3A_4 = vector.load %arg2[%get3A_2, %get3A_3] : memref<1000x128xf32, #tpu.memory_space<vmem>>, vector<1000x128xf32>
    %add3A = arith.addf %get3A_1, %get3A_4 : vector<1000x128xf32>
    %get3A_5 = arith.constant 0 : index
    %get3A_6 = arith.constant 0 : index
    %get3A_7 = vector.load %arg3[%get3A_5, %get3A_6] : memref<1000x128xf32, #tpu.memory_space<vmem>>, vector<1000x128xf32>
    %add3A_8 = arith.addf %add3A, %get3A_7 : vector<1000x128xf32>
    %reduce_sum3A = arith.constant dense<0.000000e+00> : vector<1000xf32>
    %reduce_sum3A_9 = vector.multi_reduction <add>, %add3A_8, %reduce_sum3A [1] : vector<1000x128xf32> to vector<1000xf32>
    %broadcast_in_dim3A = vector.shape_cast %reduce_sum3A_9 : vector<1000xf32> to vector<1000x1xf32>
    %div3A = arith.constant 1.280000e+02 : f32
    %div3A_10 = vector.broadcast %div3A : f32 to vector<1000x1xf32>
    %div3A_11 = arith.divf %broadcast_in_dim3A, %div3A_10 : vector<1000x1xf32>
    %sub3A = vector.broadcast %div3A_11 : vector<1000x1xf32> to vector<1000x128xf32>
    %sub3A_12 = arith.subf %add3A_8, %sub3A : vector<1000x128xf32>
    %integer_pow3A = arith.mulf %sub3A_12, %sub3A_12 : vector<1000x128xf32>
    %reduce_sum3A_13 = arith.constant dense<0.000000e+00> : vector<1000xf32>
    %reduce_sum3A_14 = vector.multi_reduction <add>, %integer_pow3A, %reduce_sum3A_13 [1] : vector<1000x128xf32> to vector<1000xf32>
    %broadcast_in_dim3A_15 = vector.shape_cast %reduce_sum3A_14 : vector<1000xf32> to vector<1000x1xf32>
    %div3A_16 = arith.constant 1.280000e+02 : f32
    %div3A_17 = vector.broadcast %div3A_16 : f32 to vector<1000x1xf32>
    %div3A_18 = arith.divf %broadcast_in_dim3A_15, %div3A_17 : vector<1000x1xf32>
    %sub3A_19 = vector.broadcast %div3A_11 : vector<1000x1xf32> to vector<1000x128xf32>
    %sub3A_20 = arith.subf %add3A_8, %sub3A_19 : vector<1000x128xf32>
    %add3A_21 = arith.constant 9.99999974E-6 : f32
    %add3A_22 = vector.broadcast %add3A_21 : f32 to vector<1000x1xf32>
    %add3A_23 = arith.addf %div3A_18, %add3A_22 : vector<1000x1xf32>
    %rsqrt3A = math.rsqrt %add3A_23 : vector<1000x1xf32>
    %mul3A = vector.broadcast %rsqrt3A : vector<1000x1xf32> to vector<1000x128xf32>
    %mul3A_24 = arith.mulf %sub3A_20, %mul3A : vector<1000x128xf32>
    %get3A_25 = arith.constant 0 : index
    %get3A_26 = arith.constant 0 : index
    %get3A_27 = vector.load %arg4[%get3A_25, %get3A_26] : memref<1x128xf32, #tpu.memory_space<vmem>>, vector<1x128xf32>
    %mul3A_28 = vector.broadcast %get3A_27 : vector<1x128xf32> to vector<1000x128xf32>
    %mul3A_29 = arith.mulf %mul3A_24, %mul3A_28 : vector<1000x128xf32>
    %get3A_30 = arith.constant 0 : index
    %get3A_31 = arith.constant 0 : index
    %get3A_32 = vector.load %arg5[%get3A_30, %get3A_31] : memref<1x128xf32, #tpu.memory_space<vmem>>, vector<1x128xf32>
    %add3A_33 = vector.broadcast %get3A_32 : vector<1x128xf32> to vector<1000x128xf32>
    %add3A_34 = arith.addf %mul3A_29, %add3A_33 : vector<1000x128xf32>
    %swap3A = arith.constant 0 : index
    %swap3A_35 = arith.constant 0 : index
    %swap3A_36 = vector.load %arg6[%swap3A, %swap3A_35] : memref<1000x128xf32, #tpu.memory_space<vmem>>, vector<1000x128xf32>
    tpu.vector_store %arg6[%swap3A, %swap3A_35], %add3A_34 {strides = array<i32>} : memref<1000x128xf32, #tpu.memory_space<vmem>>, vector<1000x128xf32>,
    return
  }
  func.func @transform_0(%arg0: i32) -> (i32, i32) {
    %c0_i32 = arith.constant 0 : i32
    %c0_i32_0 = arith.constant 0 : i32
    return %arg0, %c0_i32 : i32, i32
  }
  func.func @transform_1(%arg0: i32) -> (i32, i32) {
    %c0_i32 = arith.constant 0 : i32
    %c0_i32_0 = arith.constant 0 : i32
    return %arg0, %c0_i32 : i32, i32
  }
  func.func @transform_2(%arg0: i32) -> (i32, i32) {
    %c0_i32 = arith.constant 0 : i32
    %c0_i32_0 = arith.constant 0 : i32
    return %arg0, %c0_i32 : i32, i32
  }
  func.func @transform_3(%arg0: i32) -> (i32, i32) {
    %c0_i32 = arith.constant 0 : i32
    %c0_i32_0 = arith.constant 0 : i32
    %c0_i32_1 = arith.constant 0 : i32
    return %c0_i32, %c0_i32_0 : i32, i32
  }
  func.func @transform_4(%arg0: i32) -> (i32, i32) {
    %c0_i32 = arith.constant 0 : i32
    %c0_i32_0 = arith.constant 0 : i32
    %c0_i32_1 = arith.constant 0 : i32
    return %c0_i32, %c0_i32_0 : i32, i32
  }
  func.func @transform_5(%arg0: i32) -> (i32, i32) {
    %c0_i32 = arith.constant 0 : i32
    %c0_i32_0 = arith.constant 0 : i32
    return %arg0, %c0_i32 : i32, i32
  }
}

</mosaic_0001>

<sc_bundles>
// kernel: kernel.10.cloned.1.call-start
scs
__scs_entry_jumppad:
0x0: {  	(pc) =	sbr.rel $0x88, $3  }
0x1: {  	(tag) =	ssettag $0x0;
	lr =	simm.s32 $0x1  }
0x2: {  	[smem:$0x3F96] =	sst lr;
	_ =	strace $0xD0000000  }
0x3: {  	_ = 	snop  }
0x4: {  	_ = 	snop  }
0x5: {  	_ = 	snop  }
0x6: {  	_ = 	snop  }
0x7: {  	_ = 	snop  }
__scs_overlays_trampoline_lowered:
0x8: {  	[smem:$0x3FA5] =	sst s0  }
0x9: {  	[smem:$0x3FA6] =	sst s1  }
0xa: {  	[smem:$0x3FA7] =	sst s2  }
0xb: {  	[smem:$0x3FA8] =	sst s3  }
0xc: {  	[smem:$0x3FA9] =	sst s4  }
0xd: {  	[smem:$0x3FAA] =	sst s5  }
0xe: {  	[smem:$0x3FAB] =	sst s6  }
0xf: {  	[smem:$0x3FAC] =	sst s7  }
0x10: {  	[smem:$0x3FAD] =	sst s8  }
0x11: {  	[smem:$0x3FAE] =	sst s9;
	s0 =	simm.s32 @!p0 $0x0  }
0x12: {  	s1 =	sld [smem:$0x3F94];
	s0 =	simm.s32 @p0 $0x1  }
0x13: {  	[smem:$0x3FAF] =	sst s0;
	s0 =	simm.s32 @!p1 $0x0  }
0x14: {  	s2 =	sld [smem:$0x3F93];
	s0 =	simm.s32 @p1 $0x1  }
0x15: {  	[smem:$0x3FB0] =	sst s0;
	s0 =	simm.s32 @!p2 $0x0  }
0x16: {  	s3 =	sld [smem:$0x3FDB];
	s0 =	simm.s32 @p2 $0x1  }
0x17: {  	s4 =	simm.s32 $0x1BF5;
	[smem:$0x3FB2] =	sst s0  }
0x18: {  	s0 =	sld [smem:$0x3F95];
	_ =	swait.ge [sflag:s4], $0x0  }
0x19: {  	s7 =	sld [smem:$0x3F96]  }
0x1a: {  	s8 =	sadd.s32 $0xFFFFE003, lr  }
0x1b: {  	s9 =	sadd.s32 $0xFFFFFEF7, lr;
	s5 =	simm.s32 $0xFFFFFFFF;
	p2 =	slt.u32 s8, $0xFFFFF086  }
0x1c: {  	p1 =	slt.u32 s9, $0xF7A;
	s5 =	simm.s32 @!p2 $0x0  }
0x1d: {  	s5 =	simm.s32 @p1 $0x1;
	p0 =	seq.s32 s7, s2  }
0x1e: {  	s7 =	smul.u32 @!p0 $0xF7A, s2;
	p2 =	seq.s32 @!p0 s5, $0x0  }
0x1f: {  	s9 =	smul.u32 $0xF7A, s1;
	s8 =	simm.s32 @!p0 $0x1BF5;
	p2 =	por !p2, p0  }
0x20: {  	[sflag:s8] =	ssyncset.s32 @!p0 $0xFFFFF086;
	s6 =	sadd.s32 @!p0 s3, s7;
	s7 =	simm.s32 @!p0 $0x108  }
0x21: {  	s3 =	sadd.s32 s3, s9;
	s6 =	sadd.s32 @!p0 $0x88, s6;
	s7 =	simm.s32 @p2 $0x1082  }
0x22: {  	[simem:s7], [sflag:s8] =	dma.local @!p0 [hbm:s6], $0xF7A  }
0x23: {  	s9 =	sor.u32 $0xD0000000, s2;
	s6 =	simm.s32 $0x108;
	_ =	swait.ge @!p0 [sflag:s8], $0x0  }
0x24: {  	s3 =	sadd.s32 $0x88, s3;
	s6 =	simm.s32 @!p1 $0x1082;
	[sflag:s4] =	ssyncset.s32 $0xFFFFF086  }
0x25: {  	[simem:s6], [sflag:s4] =	dma.local [hbm:s3], $0xF7A  }
0x26: {  	[smem:$0x3F96] =	sst s1;
	(tag) =	ssettag s2;
	_ =	strace s9  }
0x27: {  	s1 =	sld [smem:$0x3FA6]  }
0x28: {  	s2 =	sld [smem:$0x3FA7]  }
0x29: {  	s4 =	sld [smem:$0x3FA9]  }
0x2a: {  	p0 =	seq.s32 s5, $0x0;
	s5 =	sld [smem:$0x3FAA]  }
0x2b: {  	s6 =	sld [smem:$0x3FAB]  }
0x2c: {  	s7 =	sld [smem:$0x3FAC]  }
0x2d: {  	s3 =	simm.s32 $0x108;
	s8 =	sld [smem:$0x3FAD]  }
0x2e: {  	s3 =	simm.s32 @!p0 $0x1082;
	s9 =	sld [smem:$0x3FAE]  }
0x2f: {  	lr =	sadd.s32 s0, s3;
	s0 =	sld [smem:$0x3FA5]  }
0x30: {  	s3 =	sld [smem:$0x3FA8]  }
0x31: {  	[smem:$0x3FB1] =	sst s10  }
0x32: {  	s10 =	sld [smem:$0x3FAF];
	_ =	sdelay $0x3  }
0x33: {  	p0 =	seq.s32 s10, $0x1;
	s10 =	sld [smem:$0x3FB1];
	_ =	sdelay $0x3  }
0x34: {  	[smem:$0x3FB1] =	sst s10  }
0x35: {  	s10 =	sld [smem:$0x3FB0];
	_ =	sdelay $0x3  }
0x36: {  	p1 =	seq.s32 s10, $0x1;
	s10 =	sld [smem:$0x3FB1];
	_ =	sdelay $0x3  }
0x37: {  	[smem:$0x3FB1] =	sst s10  }
0x38: {  	s10 =	sld [smem:$0x3FB2]  }
0x39: {  	_ = 	snop;
	(pc) =	sbr.ind lr, $3  }
0x3a: {  	_ = 	snop  }
0x3b: {  	_ = 	snop  }
0x3c: {  	p2 =	seq.s32 s10, $0x1;
	s10 =	sld [smem:$0x3FB1]  }
0x3d: {  	_ =	shalt  }
0x3e: {  	_ =	shalt  }
0x3f: {  	_ =	shalt  }
0x40: {  	_ =	shalt  }
0x41: {  	_ =	shalt  }
0x42: {  	_ =	shalt  }
0x43: {  	_ =	shalt  }
0x44: {  	_ =	shalt  }
0x45: {  	_ =	shalt  }
0x46: {  	_ =	shalt  }
0x47: {  	_ =	shalt  }
0x48: {  	_ =	shalt  }
0x49: {  	_ =	shalt  }
0x4a: {  	_ =	shalt  }
0x4b: {  	_ =	shalt  }
0x4c: {  	_ =	shalt  }
0x4d: {  	_ =	shalt  }
0x4e: {  	_ =	shalt  }
0x4f: {  	_ =	shalt  }
0x50: {  	_ =	shalt  }
0x51: {  	_ =	shalt  }
0x52: {  	_ =	shalt  }
0x53: {  	_ =	shalt  }
0x54: {  	_ =	shalt  }
0x55: {  	_ =	shalt  }
0x56: {  	_ =	shalt  }
0x57: {  	_ =	shalt  }
0x58: {  	_ =	shalt  }
0x59: {  	_ =	shalt  }
0x5a: {  	_ =	shalt  }
0x5b: {  	_ =	shalt  }
0x5c: {  	_ =	shalt  }
0x5d: {  	_ =	shalt  }
0x5e: {  	_ =	shalt  }
0x5f: {  	_ =	shalt  }
0x60: {  	_ =	shalt  }
0x61: {  	_ =	shalt  }
0x62: {  	_ =	shalt  }
0x63: {  	_ =	shalt  }
0x64: {  	_ =	shalt  }
0x65: {  	_ =	shalt  }
0x66: {  	_ =	shalt  }
0x67: {  	_ =	shalt  }
0x68: {  	_ =	shalt  }
0x69: {  	_ =	shalt  }
0x6a: {  	_ =	shalt  }
0x6b: {  	_ =	shalt  }
0x6c: {  	_ =	shalt  }
0x6d: {  	_ =	shalt  }
0x6e: {  	_ =	shalt  }
0x6f: {  	_ =	shalt  }
0x70: {  	_ =	shalt  }
0x71: {  	_ =	shalt  }
0x72: {  	_ =	shalt  }
0x73: {  	_ =	shalt  }
0x74: {  	_ =	shalt  }
0x75: {  	_ =	shalt  }
0x76: {  	_ =	shalt  }
0x77: {  	_ =	shalt  }
0x78: {  	_ =	shalt  }
0x79: {  	_ =	shalt  }
0x7a: {  	_ =	shalt  }
0x7b: {  	_ =	shalt  }
0x7c: {  	_ =	shalt  }
0x7d: {  	_ =	shalt  }
0x7e: {  	_ =	shalt  }
0x7f: {  	_ =	shalt  }
0x80: {  	_ =	shalt  }
0x81: {  	_ =	shalt  }
0x82: {  	_ =	shalt  }
0x83: {  	_ =	shalt  }
0x84: {  	_ =	shalt  }
0x85: {  	_ =	shalt  }
0x86: {  	_ =	shalt  }
0x87: {  	_ =	shalt  }
.Lfunc_end0:
.L_simem_size_0:
called_computation.1_lowered:
.L_overlay_start_0:
0x88: {  	s2 =	sld [smem:$0x3FD9]  }
0x89: {  	s3 =	sld [smem:$0x3FFE];
	_ =	sdelay $0x1  }
0x8a: {  	s1 =	srdreg.scid  }
0x8b: {  	s0 =	sand.u32 $0x1, s1  }
0x8c: {  	s17 =	sshll.u32 s0, $0xA;
	s2 =	sadd.s32 s3, s2  }
0x8d: {  	s2 =	sadd.s32 s2, s17  }
0x8e: {  	[smem:$0x3FBD] =	sst s2  }
0x8f: {  	_ = 	snop  }
0x90: {  	s2 =	sld [smem:$0x3FD0];
	(tm) =	ssettm $0x1  }
0x91: {  	s18 =	sld [smem:$0x3FFB];
	_ =	sdelay $0x3  }
0x92: {  	_ =	strace s18  }
0x93: {  	s3 =	sld [smem:$0x3FFC];
	_ =	sdelay $0x3  }
0x94: {  	_ =	strace s3  }
0x95: {  	s3 =	sld [smem:$0x3FFD];
	_ =	sdelay $0x3  }
0x96: {  	_ =	strace s3  }
0x97: {  	_ =	strace $0x8FFFFFFF  }
0x98: {  	s19 =	sld [smem:$0x3FDB];
	_ =	sdelay $0x1  }
0x99: {  	s4 =	simm.s32 $_scs_section_size  }
0x9a: {  	s5 =	simm.s32 $_size__tile_overlayer_lowered;
	s6 =	simm.s32 $_tile_overlayer_lowered  }
0x9b: {  	s22 =	simm.s32 $0x1BFF;
	s21 =	sshll.u32 s6, $0x1;
	s3 =	sadd.s32 s4, s19  }
0x9c: {  	s7 =	simm.s32 $0x0;
	s20 =	sshll.u32 s5, $0x1;
	s5 =	sadd.s32 s21, s3  }
0x9d: {  	[timem:s7], [sflag:s22] =	dma.local [hbm:s5], s20  }
0x9e: {  	_ =	swait.ge [sflag:s22], s20  }
0x9f: {  	s4 =	ssub.s32 $0x0, s20;
	[sflag:s22] =	ssyncset.done $0x0  }
0xa0: {  	[sflag:s22] =	ssyncadd.s32 s4;
	_ =	sdelay $0x1  }
0xa1: {  	s23 =	simm.s32 $0x1B8B  }
0xa2: {  	_ =	swait.ge [sflag:s23], $0x1  }
0xa3: {  	[sflag:s23] =	ssyncset.done $0x0  }
0xa4: {  	s25 =	simm.s32 $0x1B8E;
	s24 =	sld [smem:$0x3FFE];
	[sflag:s23] =	ssyncadd.s32 $0xFFFFFFFF  }
0xa5: {  	s26 =	simm.s32 $execute0_lowered;
	[smem:$0x3FD2] =	sst s25  }
0xa6: {  	s5 =	sshll.u32 s26, $0x1;
	_ =	strace $0x80000049;
	[dreg:$0x1] =	wrdreg $0xFFFFFFFF  }
0xa7: {  	s28 =	simm.s32 $_size_execute0_lowered;
	s3 =	sadd.s32 s3, s5;
	[dreg:$0x0] =	wrdreg $0x0  }
0xa8: {  	s5 =	sshll.u32 s28, $0x1;
	[dreg:$0x2] =	wrdreg s3  }
0xa9: {  	[dreg:$0x3] =	wrdreg s5  }
0xaa: {  	[dreg:$0x4] =	wrdreg $0xC0  }
0xab: {  	_ =	task [dreg:s7], $0x5FFFF  }
0xac: {  	[dreg:$0x1] =	wrdreg $0xFFFFFFFF  }
0xad: {  	[dreg:$0x0] =	wrdreg $0x60  }
0xae: {  	[dreg:$0x2] =	wrdreg s2  }
0xaf: {  	[dreg:$0x3] =	wrdreg s24  }
0xb0: {  	[dreg:$0x4] =	wrdreg $0xAC000  }
0xb1: {  	[dreg:$0x5] =	wrdreg $0x9  }
0xb2: {  	_ =	task.clear_ibuf [dreg:s7], $0x6FFFF;
	_ =	strace $0x90000049  }
0xb3: {  	s29 =	simm.s32 $0x9;
	_ =	strace $0x8000004B  }
0xb4: {  	_ =	swait.ge [sflag:s29], $0x1  }
0xb5: {  	[sflag:s29] =	ssyncadd.s32 $0xFFFFFFFF  }
0xb6: {  	_ =	strace $0x9000004B  }
0xb7: {  	_ =	sfence  }
0xb8: {  	s30 =	sld [smem:$0x0];
	_ =	sdelay $0x2  }
0xb9: {  	s31 =	sshll.u32 s1, $0xD;
	s1 =	sshrl.u32 s1, $0x2  }
0xba: {  	s3 =	sand.u32 $0x4000, s31;
	s1 =	sadd.s32 s1, s30  }
0xbb: {  	s0 =	sor.u32 s3, s0;
	s1 =	sshll.u32 s1, $0x11  }
0xbc: {  	s0 =	sor.u32 s1, s0  }
0xbd: {  	s0 =	sadd.s32 $0x8F2B, s0  }
0xbe: {  	[sflag:s0] =	ssyncadd.remote.s32 $0x1  }
0xbf: {  	_ =	sfence.sel $0xFFFF  }
0xc0: {  	[dreg:$0x0] =	wrdreg $0xFFFFFFFF;
	(pc) =	sbr.abs _section_cstart, $3  }
0xc1: {  	[dreg:$0x1] =	wrdreg $0xFFFFFFFF  }
0xc2: {  	_ =	task.clear_ibuf [dreg:s7], $0x2FFFF;
	_ =	strace $0x9FFFFFFF  }
0xc3: {  	(tm) =	ssettm $0x7FFFFFFF  }
tec
execute0_lowered:
.L_overlay_start_1:
0x0: {  	(tag) =	ssettag $0x1  }
0x1: {  	s0 =	rddreg [dreg:$0x0]  }
0x2: {  	s1 =	srdreg.scid;
	s2 =	rddreg [dreg:$0x1]  }
0x3: {  	s3 =	rddreg [dreg:$0x2];
	s14 =	stileid.u32;
	s4 =	simm.s32 $0x0  }
0x4: {  	s28 =	simm.s32 $0x5;
	s29 =	simm.s32 $0x80;
	s30 =	simm.s32 $0x2C00  }
0x5: {  	s31 =	simm.s32 $0x1;
	s16 =	simm.s32 $0x0;
	s9 =	smul.u32 $0x2780, s14  }
0x6: {  	s1 =	sand.u32 $0x1, s1;
	[smem:$0x7FF] =	sst s4;
	s11 =	smul.u32 $0x4F000, s14  }
0x7: {  	s12 =	sadd.s32 $0x47E00, s2;
	s19 =	sadd.s32 $0x128400, s3;
	s22 =	smul.u32 $0x13C00, s14  }
0x8: {  	p0 =	seq.s32 s14, $0xF;
	s5 =	sshll.u32 s1, $0x4;
	_ =	strace $0x8000004A  }
0x9: {  	s10 =	ssub.s32 $0x2, s1;
	[dreg:$0x7] =	wrdreg s19;
	s1 =	smul.u32 $0x138800, s1  }
0xa: {  	s7 =	sor.u32 s14, s5;
	s5 =	sadd.s32 $0x16C00, s2;
	s9 =	sadd.s32 s9, s2  }
0xb: {  	s13 =	sshrl.u32 s10, $0x1;
	s11 =	sshrl.u32 s11, $0x2;
	s6 =	smul.u32 $0x500, s7  }
0xc: {  	s14 =	simm.s32 $0x4;
	s10 =	ssub.s32 s10, s13;
	s7 =	smul.u32 $0x2800, s7  }
0xd: {  	s17 =	sadd.s32 s11, s3;
	s18 =	sadd.s32 $0x20C00, s9;
	s25 =	sadd.s32 s22, s1  }
0xe: {  	s1 =	sshrl.u32 s1, $0x3;
	s11 =	simm.s32 $0x3;
	[dreg:$0x5] =	wrdreg s17  }
0xf: {  	s13 =	simm.s32 $0x2B80;
	[dreg:$0x6] =	wrdreg s18;
	s1 =	sadd.s32 s12, s1  }
0x10: {  	s26 =	smax.u32 s10, $0x1;
	s10 =	simm.s32 $0x2;
	s8 =	sadd.s32 s6, s2  }
0x11: {  	s6 =	sadd.s32 $0xCC00, s2;
	s2 =	sadd.s32 $0x45C80, s2;
	[dreg:$0xf] =	wrdreg s26  }
0x12: {  	s20 =	sshrl.u32 s7, $0x3;
	s1 =	sadd.s32 $0x25080, s1;
	[dreg:$0x8] =	wrdreg s2  }
0x13: {  	s17 =	sor.u32 $0x200, s7;
	s8 =	sadd.s32 $0x2C00, s8;
	[dreg:$0xe] =	wrdreg s1  }
0x14: {  	s18 =	sor.u32 $0x280, s7;
	s23 =	sadd.s32 s5, s20;
	[dreg:$0x4] =	wrdreg s8  }
0x15: {  	s21 =	sor.u32 $0x10, s20;
	[dreg:$0x9] =	wrdreg s23;
	s8 =	sadd.s32 s6, s20  }
.Ltmp0:
0x16: {  	s24 =	sadd.s32 s5, s21;
	[dreg:$0xa] =	wrdreg s8;
	(pc) =	sbr.rel .LBB2_1-.Ltmp0, $4  }
0x17: {  	s1 =	simm.s32 $0x6;
	s2 =	sadd.s32 s6, s21;
	[dreg:$0xb] =	wrdreg s24  }
0x18: {  	[dreg:$0xc] =	wrdreg s2;
	s2 =	sshrl.u32 s25, $0x3;
	s24 =	simm.s32 $0x2A00  }
0x19: {  	s25 =	simm.s32 $0x2880;
	s8 =	simm.s32 $0x2900;
	s2 =	sadd.s32 s12, s2  }
0x1a: {  	s12 =	simm.s32 $0x2980;
	[dreg:$0xd] =	wrdreg s2;
	s2 =	simm.s32 $0x6C00  }
.LBB2_12:
0x1b: {  	_ =	swait.ge [sflag:s14], $0x4000  }
0x1c: {  	[sflag:s14] =	ssyncset.done $0x0  }
0x1d: {  	[sflag:s14] =	ssyncadd.s32 $0xFFFFC000  }
0x1e: {  	[bflag:$0x0] =	sbarrier.arrive $0xFFFF  }
0x1f: {  	s15 =	rddreg [dreg:$0xe]  }
0x20: {  	s9 =	simm.s32 @p0 $0x1FC7;
	s16 =	rddreg [dreg:$0x11]  }
0x21: {  	[hbm:s15], [sflag:s9] =	dma.local @p0 [spmem:s16], $0x2080  }
0x22: {  	s9 =	simm.s32 @p0 $0x7  }
0x23: {  	_ =	swait.ge @p0 [sflag:s9], $0x2080  }
0x24: {  	s15 =	rddreg [dreg:$0x12]  }
0x25: {  	[sflag:s9] =	ssyncset.done @p0 $0x0;
	s16 =	rddreg [dreg:$0x13]  }
0x26: {  	[sflag:s9] =	ssyncadd.s32 @p0 $0xFFFFDF80;
	s9 =	rddreg [dreg:$0xd]  }
0x27: {  	[hbm:s9], [sflag:s15] =	dma.local @!p0 [spmem:s16], $0x2780  }
0x28: {  	s9 =	simm.s32 @!p0 $0x7  }
0x29: {  	_ =	swait.ge @!p0 [sflag:s9], $0x2780  }
0x2a: {  	s23 =	rddreg [dreg:$0x10]  }
0x2b: {  	s26 =	rddreg [dreg:$0xf];
	s16 =	sadd.s32 $0x1, s23  }
0x2c: {  	p1 =	sne.s32 s16, s26  }
.Ltmp1:
0x2d: {  	_ = 	snop;
	(pc) =	sbr.rel @!p1 .LBB2_13-.Ltmp1, $3  }
0x2e: {  	_ =	sdelay $0x1  }
0x2f: {  	[sflag:s9] =	ssyncset.done @!p0 $0x0  }
0x30: {  	[sflag:s9] =	ssyncadd.s32 @!p0 $0xFFFFD880  }
.LBB2_1:
0x31: {  	[dreg:$0x10] =	wrdreg s16  }
0x32: {  	s9 =	rddreg [dreg:$0x4];
	s16 =	simm.s32 $0x7  }
0x33: {  	[tilespmem:s4], [sflag:$0x7] =	stream.linear.gather [hbm4b:s9+s4], $0x2800, $0x38;
	[tilespmem:$0x1E480] =	vst v63  }
0x34: {  	_ =	swait.ge [sflag:s16], $0x2800  }
0x35: {  	[sflag:s16] =	ssyncset.done $0x0;
	s9 =	rddreg [dreg:$0x7]  }
0x36: {  	[sflag:s16] =	ssyncadd.s32 $0xFFFFD800;
	s16 =	sshrl.u32 @p0 s9, $0x3;
	s9 =	rddreg [dreg:$0x8]  }
0x37: {  	s15 =	simm.s32 @p0 $0x1FC7;
	[dreg:$0x11] =	wrdreg s16  }
0x38: {  	[spmem:s16], [sflag:s15] =	dma.local @p0 [hbm:s9], $0x2080  }
0x39: {  	s15 =	simm.s32 @p0 $0x7  }
0x3a: {  	_ =	swait.ge @p0 [sflag:s15], $0x2080  }
0x3b: {  	s9 =	stileid.u32;
	[sflag:s15] =	ssyncset.done @p0 $0x0  }
0x3c: {  	s16 =	sshll.u32 @!p0 s9, $0x6;
	s9 =	rddreg [dreg:$0x5];
	[sflag:s15] =	ssyncadd.s32 @p0 $0xFFFFDF80  }
0x3d: {  	s15 =	sor.u32 @!p0 $0x1C07, s16;
	s16 =	sshrl.u32 @!p0 s9, $0x3;
	s9 =	rddreg [dreg:$0x6]  }
0x3e: {  	[dreg:$0x12] =	wrdreg s15  }
0x3f: {  	[dreg:$0x13] =	wrdreg s16  }
0x40: {  	[spmem:s16], [sflag:s15] =	dma.local @!p0 [hbm:s9], $0x2780  }
0x41: {  	s15 =	simm.s32 @!p0 $0x7  }
0x42: {  	_ =	swait.ge @!p0 [sflag:s15], $0x2780  }
0x43: {  	[sflag:s15] =	ssyncset.done @!p0 $0x0  }
0x44: {  	[sflag:s15] =	ssyncadd.s32 @!p0 $0xFFFFD880  }
0x45: {  	[bflag:$0x0] =	sbarrier.arrive $0xFFFF  }
0x46: {  	s20 =	simm.s32 $0x2800;
	s19 =	rddreg [dreg:$0x9]  }
0x47: {  	[tilespmem:s20], [sflag:$0x5] =	stream.linear.gather [hbm4b:s19+s4], $0x80, $0x38;
	[tilespmem:$0x1E480] =	vst v63  }
0x48: {  	s21 =	rddreg [dreg:$0xa]  }
0x49: {  	[tilespmem:s24], [sflag:$0x5] =	stream.linear.gather [hbm4b:s21+s4], $0x80, $0x38;
	[tilespmem:$0x1E480] =	vst v63  }
0x4a: {  	s22 =	rddreg [dreg:$0xb]  }
0x4b: {  	[tilespmem:s25], [sflag:$0x6] =	stream.linear.gather [hbm4b:s22+s4], $0x80, $0x38;
	[tilespmem:$0x1E480] =	vst v63  }
0x4c: {  	s26 =	simm.s32 $0x2A80;
	s23 =	rddreg [dreg:$0xc]  }
0x4d: {  	[tilespmem:s26], [sflag:$0x6] =	stream.linear.gather [hbm4b:s23+s4], $0x80, $0x38;
	[tilespmem:$0x1E480] =	vst v63  }
0x4e: {  	_ =	swait.ge [sflag:s28], $0x80  }
0x4f: {  	[sflag:s28] =	ssyncset.done $0x0  }
0x50: {  	[sflag:s28] =	ssyncadd.s32 $0xFFFFFF80  }
0x51: {  	_ =	swait.ge [sflag:s28], $0x80  }
0x52: {  	[sflag:s28] =	ssyncset.done $0x0  }
0x53: {  	[sflag:s28] =	ssyncadd.s32 $0xFFFFFF80  }
0x54: {  	[tilespmem:s30], [sflag:$0x1] =	stream.indirect.gather [hbm4b:s0+s29], $0x80, s20, s29, $0xb8;
	[tilespmem:$0x1E480] =	vst v63  }
0x55: {  	s20 =	simm.s32 $0x0  }
.LBB2_2:
0x56: {  	_ =	swait.ge [sflag:s31], $0x4000  }
0x57: {  	p1 =	seq.s32 s20, $0x0;
	[sflag:s31] =	ssyncset.done $0x0  }
0x58: {  	s15 =	simm.s32 @!p1 $0x4;
	[sflag:s31] =	ssyncadd.s32 $0xFFFFC000  }
0x59: {  	_ =	swait.ge @!p1 [sflag:s15], $0x4000  }
0x5a: {  	[sflag:s15] =	ssyncset.done @!p1 $0x0  }
0x5b: {  	[sflag:s15] =	ssyncadd.s32 @!p1 $0xFFFFC000  }
0x5c: {  	_ =	swait.ge [sflag:s1], $0x80  }
0x5d: {  	[sflag:s1] =	ssyncset.done $0x0  }
0x5e: {  	[sflag:s1] =	ssyncadd.s32 $0xFFFFFF80  }
0x5f: {  	_ =	swait.ge [sflag:s1], $0x80  }
0x60: {  	s26 =	simm.s32 $0x0;
	[sflag:s1] =	ssyncset.done $0x0  }
0x61: {  	s16 =	simm.s32 $0x2C40;
	v0 =	vmov s26;
	[sflag:s1] =	ssyncadd.s32 $0xFFFFFF80  }
0x62: {  	[tilespmem:s2], [sflag:$0x2] =	stream.indirect.gather [hbm4b:s0+s29], $0x80, s25, s29, $0xb8;
	[tilespmem:$0x1E480] =	vst v63  }
0x63: {  	v4 =	vld [tilespmem:s16+$0x30]  }
0x64: {  	v7 =	vld [tilespmem:s16+$0x10]  }
0x65: {  	v5 =	vld [tilespmem:s16+$0xFFFFFFC0]  }
0x66: {  	v1 =	vld.idx.msk [tilespmem:v0+s24+$0x0], $0xffff  }
0x67: {  	v9 =	vld [tilespmem:s16+$0xFFFFFFE0]  }
0x68: {  	v0 =	vld [tilespmem:s16+$0xFFFFFFF0]  }
0x69: {  	v2 =	vld [tilespmem:s16+$0x20]  }
0x6a: {  	v3 =	vld [tilespmem:s16+$0xFFFFFFD0]  }
0x6b: {  	v8 =	vmul.f32 v4, v1;
	v4 =	vld [tilespmem:s16+$0x0]  }
0x6c: {  	v6 =	vmul.f32 v5, v1  }
0x6d: {  	s22 =	sshll.u32 s20, $0x2;
	s19 =	simm.s32 $0x2C40;
	s15 =	simm.s32 $0x1;
	v5 =	vmul.f32 v9, v1;
	v7 =	vmul.f32 v7, v1  }
.LBB2_3:
0x6e: {  	p1 =	sne.s32 s15, $0x7F  }
0x6f: {  	v3 =	vmul.f32 v3, v1;
	v2 =	vmul.f32 v2, v1;
	[tilespmem:s16+$0x30] =	vst v8;
	s19 =	sadd.s32 $0x80, s19;
	s21 =	smov.u32 s15;
	s15 =	sadd.s32 $0x1, s15  }
0x70: {  	[tilespmem:s16+$0xFFFFFFC0] =	vst v6;
	v6 =	vmul.f32 v0, v1;
	v1 =	vmul.f32 v4, v1  }
0x71: {  	[tilespmem:s16+$0x10] =	vst v7  }
0x72: {  	v4 =	vmov s21;
	[tilespmem:s16+$0xFFFFFFE0] =	vst v5  }
0x73: {  	v0 =	vld [tilespmem:s19+$0xFFFFFFF0];
	[tilespmem:s16+$0xFFFFFFF0] =	vst v6  }
0x74: {  	v5 =	vld [tilespmem:s19+$0x30];
	[tilespmem:s16+$0x0] =	vst v1  }
0x75: {  	v7 =	vld [tilespmem:s19+$0x10];
	[tilespmem:s16+$0x20] =	vst v2  }
0x76: {  	v6 =	vld [tilespmem:s19+$0xFFFFFFC0];
	[tilespmem:s16+$0xFFFFFFD0] =	vst v3;
	s16 =	smov.u32 s19  }
0x77: {  	v1 =	vld.idx.msk [tilespmem:v4+s24+$0x0], $0xffff  }
0x78: {  	v9 =	vld [tilespmem:s19+$0xFFFFFFE0]  }
0x79: {  	v2 =	vld [tilespmem:s19+$0x20]  }
.Ltmp2:
0x7a: {  	v3 =	vld [tilespmem:s19+$0xFFFFFFD0];
	(pc) =	sbr.rel @p1 .LBB2_3-.Ltmp2, $3  }
0x7b: {  	v4 =	vld [tilespmem:s19+$0x0];
	_ =	sdelay $0x1  }
0x7c: {  	v6 =	vmul.f32 v6, v1;
	v8 =	vmul.f32 v5, v1  }
0x7d: {  	v7 =	vmul.f32 v7, v1;
	v5 =	vmul.f32 v9, v1  }
0x7e: {  	[tilespmem:s16+$0x30] =	vst v8  }
0x7f: {  	[tilespmem:s16+$0xFFFFFFC0] =	vst v6  }
0x80: {  	v0 =	vmul.f32 v0, v1;
	[tilespmem:s16+$0x10] =	vst v7  }
0x81: {  	v2 =	vmul.f32 v2, v1;
	[tilespmem:s16+$0xFFFFFFE0] =	vst v5  }
0x82: {  	v4 =	vmul.f32 v4, v1;
	[tilespmem:s16+$0xFFFFFFF0] =	vst v0  }
0x83: {  	v0 =	vmul.f32 v3, v1;
	[tilespmem:s16+$0x20] =	vst v2  }
0x84: {  	s21 =	sshll.u32 s20, $0x9;
	s15 =	sor.u32 $0x2, s22;
	[tilespmem:s16+$0x0] =	vst v4  }
0x85: {  	s19 =	simm.s32 $0x80;
	s23 =	sand.u32 $0x3FFFFE00, s21;
	[tilespmem:s16+$0xFFFFFFD0] =	vst v0;
	s16 =	sshll.u32 s15, $0x7  }
0x86: {  	[spmem:s3] =	stream.indirect.scatter.add.f32 [tilespmem:s30], [sflag:$0x3], $0x80, s23, s19, $0xb8;
	[tilespmem:$0x1E480] =	vst v63  }
0x87: {  	s15 =	sadd.s32 s7, s16  }
0x88: {  	s15 =	sshrl.u32 s15, $0x3  }
0x89: {  	s9 =	simm.s32 $0x0;
	s26 =	sadd.s32 s5, s15  }
0x8a: {  	[tilespmem:s8], [sflag:$0x5] =	stream.linear.gather [hbm4b:s26+s9], $0x80, $0x38;
	[tilespmem:$0x1E480] =	vst v63  }
0x8b: {  	s15 =	sadd.s32 s6, s15;
	s26 =	simm.s32 $0x2B00  }
0x8c: {  	[tilespmem:s26], [sflag:$0x5] =	stream.linear.gather [hbm4b:s15+s9], $0x80, $0x38;
	[tilespmem:$0x1E480] =	vst v63  }
0x8d: {  	_ =	swait.ge [sflag:s10], $0x4000  }
0x8e: {  	[sflag:s10] =	ssyncset.done $0x0  }
0x8f: {  	[sflag:s10] =	ssyncadd.s32 $0xFFFFC000  }
0x90: {  	_ =	swait.ge [sflag:s11], $0x4000  }
0x91: {  	[sflag:s11] =	ssyncset.done $0x0  }
0x92: {  	[sflag:s11] =	ssyncadd.s32 $0xFFFFC000  }
0x93: {  	_ =	swait.ge [sflag:s28], $0x80  }
0x94: {  	[sflag:s28] =	ssyncset.done $0x0  }
0x95: {  	[sflag:s28] =	ssyncadd.s32 $0xFFFFFF80  }
0x96: {  	_ =	swait.ge [sflag:s28], $0x80  }
0x97: {  	[sflag:s28] =	ssyncset.done $0x0  }
0x98: {  	v0 =	vmov s19;
	s15 =	simm.s32 $0x0;
	[sflag:s28] =	ssyncadd.s32 $0xFFFFFF80  }
0x99: {  	[tilespmem:s30], [sflag:$0x1] =	stream.indirect.gather [hbm4b:s0+s19], $0x80, s8, s19, $0xb8;
	[tilespmem:$0x1E480] =	vst v63  }
0x9a: {  	v8 =	vld [tilespmem:s15+$0x6C20]  }
0x9b: {  	v7 =	vld [tilespmem:s15+$0x6C00]  }
0x9c: {  	v3 =	vld [tilespmem:s15+$0x6C50]  }
0x9d: {  	v0 =	vld.idx.msk [tilespmem:v0+s24+$0x0], $0xffff  }
0x9e: {  	v4 =	vld [tilespmem:s15+$0x6C30]  }
0x9f: {  	v2 =	vld [tilespmem:s15+$0x6C60]  }
0xa0: {  	v5 =	vld [tilespmem:s15+$0x6C40]  }
0xa1: {  	v6 =	vld [tilespmem:s15+$0x6C70]  }
0xa2: {  	s26 =	simm.s32 $0x200;
	v1 =	vld [tilespmem:s15+$0x6C10];
	v7 =	vmul.f32 v7, v0;
	v8 =	vmul.f32 v8, v0  }
.LBB2_5:
0xa3: {  	p1 =	sne.s32 s26, $0xFE00  }
0xa4: {  	v4 =	vmul.f32 v4, v0;
	v3 =	vmul.f32 v3, v0;
	s19 =	sadd.s32 $0x1, s19;
	s9 =	smov.u32 s26;
	s26 =	sadd.s32 $0x200, s26  }
0xa5: {  	v2 =	vmul.f32 v2, v0;
	[tilespmem:s15+$0x6C20] =	vst v8;
	v5 =	vmul.f32 v5, v0  }
0xa6: {  	[tilespmem:s15+$0x6C00] =	vst v7;
	v6 =	vmul.f32 v6, v0  }
0xa7: {  	v7 =	vmov s19;
	[tilespmem:s15+$0x6C50] =	vst v3  }
0xa8: {  	s9 =	sshra.s32 s9, $0x2;
	[tilespmem:s15+$0x6C70] =	vst v6  }
0xa9: {  	v0 =	vmul.f32 v1, v0;
	v8 =	vld [tilespmem:s9+$0x6C20];
	[tilespmem:s15+$0x6C30] =	vst v4  }
0xaa: {  	v9 =	vld [tilespmem:s9+$0x6C00];
	[tilespmem:s15+$0x6C40] =	vst v5  }
0xab: {  	v3 =	vld [tilespmem:s9+$0x6C50];
	[tilespmem:s15+$0x6C60] =	vst v2  }
0xac: {  	v4 =	vld [tilespmem:s9+$0x6C30];
	[tilespmem:s15+$0x6C10] =	vst v0;
	s15 =	smov.u32 s9  }
0xad: {  	v0 =	vld.idx.msk [tilespmem:v7+s24+$0x0], $0xffff  }
0xae: {  	v2 =	vld [tilespmem:s15+$0x6C60]  }
.Ltmp3:
0xaf: {  	v1 =	vld [tilespmem:s15+$0x6C10];
	(pc) =	sbr.rel @p1 .LBB2_5-.Ltmp3, $3  }
0xb0: {  	v5 =	vld [tilespmem:s15+$0x6C40]  }
0xb1: {  	v6 =	vld [tilespmem:s15+$0x6C70];
	_ =	sdelay $0x1  }
0xb2: {  	v7 =	vmul.f32 v9, v0;
	v8 =	vmul.f32 v8, v0  }
0xb3: {  	_ = 	snop  }
0xb4: {  	v3 =	vmul.f32 v3, v0;
	[tilespmem:s15+$0x6C20] =	vst v8  }
0xb5: {  	v4 =	vmul.f32 v4, v0;
	[tilespmem:s15+$0x6C00] =	vst v7  }
0xb6: {  	v2 =	vmul.f32 v2, v0;
	[tilespmem:s15+$0x6C50] =	vst v3  }
0xb7: {  	v6 =	vmul.f32 v6, v0;
	[tilespmem:s15+$0x6C30] =	vst v4  }
0xb8: {  	v3 =	vmul.f32 v5, v0;
	[tilespmem:s15+$0x6C60] =	vst v2  }
0xb9: {  	v0 =	vmul.f32 v1, v0;
	[tilespmem:s15+$0x6C70] =	vst v6  }
0xba: {  	s22 =	sor.u32 $0x3, s22;
	[tilespmem:s15+$0x6C40] =	vst v3  }
0xbb: {  	s9 =	sadd.s32 $0x80, s23;
	s22 =	sshll.u32 s22, $0x7;
	[tilespmem:s15+$0x6C10] =	vst v0  }
0xbc: {  	[spmem:s3] =	stream.indirect.scatter.add.f32 [tilespmem:s2], [sflag:$0x4], $0x80, s9, s29, $0xb8;
	[tilespmem:$0x1E480] =	vst v63  }
0xbd: {  	s9 =	sadd.s32 s7, s22  }
0xbe: {  	s9 =	sshrl.u32 s9, $0x3  }
0xbf: {  	s23 =	sadd.s32 s5, s9  }
0xc0: {  	[tilespmem:s12], [sflag:$0x6] =	stream.linear.gather [hbm4b:s23+s4], $0x80, $0x38;
	[tilespmem:$0x1E480] =	vst v63  }
0xc1: {  	s9 =	sadd.s32 s6, s9  }
0xc2: {  	[tilespmem:s13], [sflag:$0x6] =	stream.linear.gather [hbm4b:s9+s4], $0x80, $0x38;
	[tilespmem:$0x1E480] =	vst v63  }
0xc3: {  	_ =	swait.ge [sflag:s31], $0x4000  }
0xc4: {  	[sflag:s31] =	ssyncset.done $0x0  }
0xc5: {  	[sflag:s31] =	ssyncadd.s32 $0xFFFFC000  }
0xc6: {  	_ =	swait.ge [sflag:s14], $0x4000  }
0xc7: {  	[sflag:s14] =	ssyncset.done $0x0  }
0xc8: {  	[sflag:s14] =	ssyncadd.s32 $0xFFFFC000  }
0xc9: {  	_ =	swait.ge [sflag:s1], $0x80  }
0xca: {  	[sflag:s1] =	ssyncset.done $0x0  }
0xcb: {  	[sflag:s1] =	ssyncadd.s32 $0xFFFFFF80  }
0xcc: {  	_ =	swait.ge [sflag:s1], $0x80  }
0xcd: {  	s26 =	simm.s32 $0x100;
	[sflag:s1] =	ssyncset.done $0x0  }
0xce: {  	v0 =	vmov s26;
	s15 =	simm.s32 $0x2C40;
	[sflag:s1] =	ssyncadd.s32 $0xFFFFFF80  }
0xcf: {  	[tilespmem:s2], [sflag:$0x2] =	stream.indirect.gather [hbm4b:s0+s29], $0x80, s12, s29, $0xb8;
	[tilespmem:$0x1E480] =	vst v63  }
0xd0: {  	v4 =	vld [tilespmem:s15+$0x30]  }
0xd1: {  	v7 =	vld [tilespmem:s15+$0x10]  }
0xd2: {  	v5 =	vld [tilespmem:s15+$0xFFFFFFC0]  }
0xd3: {  	v1 =	vld.idx.msk [tilespmem:v0+s24+$0x0], $0xffff  }
0xd4: {  	v9 =	vld [tilespmem:s15+$0xFFFFFFE0]  }
0xd5: {  	v0 =	vld [tilespmem:s15+$0xFFFFFFF0]  }
0xd6: {  	v2 =	vld [tilespmem:s15+$0x20]  }
0xd7: {  	v3 =	vld [tilespmem:s15+$0xFFFFFFD0]  }
0xd8: {  	v8 =	vmul.f32 v4, v1;
	v4 =	vld [tilespmem:s15+$0x0]  }
0xd9: {  	v6 =	vmul.f32 v5, v1  }
0xda: {  	s19 =	simm.s32 $0x101;
	s23 =	simm.s32 $0x2C40;
	v5 =	vmul.f32 v9, v1;
	v7 =	vmul.f32 v7, v1  }
.LBB2_7:
0xdb: {  	p1 =	sne.s32 s19, $0x17F  }
0xdc: {  	v3 =	vmul.f32 v3, v1;
	v2 =	vmul.f32 v2, v1;
	[tilespmem:s15+$0x30] =	vst v8;
	s23 =	sadd.s32 $0x80, s23;
	s9 =	smov.u32 s19;
	s19 =	sadd.s32 $0x1, s19  }
0xdd: {  	[tilespmem:s15+$0xFFFFFFC0] =	vst v6;
	v6 =	vmul.f32 v0, v1;
	v1 =	vmul.f32 v4, v1  }
0xde: {  	[tilespmem:s15+$0x10] =	vst v7  }
0xdf: {  	v4 =	vmov s9;
	[tilespmem:s15+$0xFFFFFFE0] =	vst v5  }
0xe0: {  	v0 =	vld [tilespmem:s23+$0xFFFFFFF0];
	[tilespmem:s15+$0xFFFFFFF0] =	vst v6  }
0xe1: {  	v5 =	vld [tilespmem:s23+$0x30];
	[tilespmem:s15+$0x0] =	vst v1  }
0xe2: {  	v7 =	vld [tilespmem:s23+$0x10];
	[tilespmem:s15+$0x20] =	vst v2  }
0xe3: {  	v6 =	vld [tilespmem:s23+$0xFFFFFFC0];
	[tilespmem:s15+$0xFFFFFFD0] =	vst v3;
	s15 =	smov.u32 s23  }
0xe4: {  	v1 =	vld.idx.msk [tilespmem:v4+s24+$0x0], $0xffff  }
0xe5: {  	v9 =	vld [tilespmem:s23+$0xFFFFFFE0]  }
0xe6: {  	v2 =	vld [tilespmem:s23+$0x20]  }
.Ltmp4:
0xe7: {  	v3 =	vld [tilespmem:s23+$0xFFFFFFD0];
	(pc) =	sbr.rel @p1 .LBB2_7-.Ltmp4, $3  }
0xe8: {  	v4 =	vld [tilespmem:s23+$0x0];
	_ =	sdelay $0x1  }
0xe9: {  	v6 =	vmul.f32 v6, v1;
	v8 =	vmul.f32 v5, v1  }
0xea: {  	v7 =	vmul.f32 v7, v1;
	v5 =	vmul.f32 v9, v1  }
0xeb: {  	[tilespmem:s15+$0x30] =	vst v8  }
0xec: {  	[tilespmem:s15+$0xFFFFFFC0] =	vst v6  }
0xed: {  	v0 =	vmul.f32 v0, v1;
	[tilespmem:s15+$0x10] =	vst v7  }
0xee: {  	v2 =	vmul.f32 v2, v1;
	[tilespmem:s15+$0xFFFFFFE0] =	vst v5  }
0xef: {  	v4 =	vmul.f32 v4, v1;
	[tilespmem:s15+$0xFFFFFFF0] =	vst v0  }
0xf0: {  	v0 =	vmul.f32 v3, v1;
	[tilespmem:s15+$0x20] =	vst v2  }
0xf1: {  	[tilespmem:s15+$0x0] =	vst v4  }
0xf2: {  	s9 =	sand.u32 $0x3FFFFF80, s16;
	p1 =	seq.s32 s20, $0x13;
	[tilespmem:s15+$0xFFFFFFD0] =	vst v0  }
0xf3: {  	[spmem:s3] =	stream.indirect.scatter.add.f32 [tilespmem:s30], [sflag:$0x3], $0x80, s9, s29, $0xb8;
	[tilespmem:$0x1E480] =	vst v63  }
0xf4: {  	s9 =	simm.s32 @p1 $0x2  }
0xf5: {  	_ =	swait.ge @p1 [sflag:s9], $0x4000  }
0xf6: {  	[sflag:s9] =	ssyncset.done @p1 $0x0  }
0xf7: {  	[sflag:s9] =	ssyncadd.s32 @p1 $0xFFFFC000;
	s9 =	simm.s32 @p1 $0x3  }
0xf8: {  	s15 =	sshll.u32 @!p1 s20, $0x9;
	_ =	swait.ge @p1 [sflag:s9], $0x4000  }
0xf9: {  	s15 =	sadd.s32 @!p1 s15, s17;
	[sflag:s9] =	ssyncset.done @p1 $0x0  }
0xfa: {  	[sflag:s9] =	ssyncadd.s32 @p1 $0xFFFFC000;
	s9 =	sshrl.u32 @!p1 s15, $0x3  }
0xfb: {  	s16 =	simm.s32 @!p1 $0x0;
	s19 =	simm.s32 @!p1 $0x2800;
	s15 =	sadd.s32 @!p1 s5, s9  }
0xfc: {  	[tilespmem:s19], [sflag:$0x5] =	stream.linear.gather @!p1 [hbm4b:s15+s16], $0x80, $0x38;
	[tilespmem:$0x1E480] =	vst v63  }
0xfd: {  	s9 =	sadd.s32 @!p1 s6, s9;
	s15 =	simm.s32 @!p1 $0x2A00  }
0xfe: {  	[tilespmem:s15], [sflag:$0x5] =	stream.linear.gather @!p1 [hbm4b:s9+s16], $0x80, $0x38;
	[tilespmem:$0x1E480] =	vst v63  }
0xff: {  	s9 =	simm.s32 @!p1 $0x2  }
0x100: {  	_ =	swait.ge @!p1 [sflag:s9], $0x4000  }
0x101: {  	[sflag:s9] =	ssyncset.done @!p1 $0x0  }
0x102: {  	[sflag:s9] =	ssyncadd.s32 @!p1 $0xFFFFC000;
	s9 =	simm.s32 @!p1 $0x3  }
0x103: {  	_ =	swait.ge @!p1 [sflag:s9], $0x4000  }
0x104: {  	[sflag:s9] =	ssyncset.done @!p1 $0x0  }
0x105: {  	[sflag:s9] =	ssyncadd.s32 @!p1 $0xFFFFC000;
	s9 =	simm.s32 @!p1 $0x5  }
0x106: {  	_ =	swait.ge @!p1 [sflag:s9], $0x80  }
0x107: {  	[sflag:s9] =	ssyncset.done @!p1 $0x0  }
0x108: {  	[sflag:s9] =	ssyncadd.s32 @!p1 $0xFFFFFF80  }
0x109: {  	_ =	swait.ge @!p1 [sflag:s9], $0x80  }
0x10a: {  	s15 =	simm.s32 @!p1 $0x2C00;
	[sflag:s9] =	ssyncset.done @!p1 $0x0  }
0x10b: {  	s16 =	simm.s32 $0x180;
	[sflag:s9] =	ssyncadd.s32 @!p1 $0xFFFFFF80;
	s9 =	simm.s32 @!p1 $0x80  }
0x10c: {  	v0 =	vmov s16;
	[tilespmem:s15], [sflag:$0x1] =	stream.indirect.gather @!p1 [hbm4b:s0+s9], $0x80, s19, s9, $0xb8;
	[tilespmem:$0x1E480] =	vst v63  }
0x10d: {  	s15 =	simm.s32 $0x0  }
0x10e: {  	v8 =	vld [tilespmem:s15+$0x6C20]  }
0x10f: {  	v7 =	vld [tilespmem:s15+$0x6C00]  }
0x110: {  	v3 =	vld [tilespmem:s15+$0x6C50]  }
0x111: {  	v0 =	vld.idx.msk [tilespmem:v0+s24+$0x0], $0xffff  }
0x112: {  	v4 =	vld [tilespmem:s15+$0x6C30]  }
0x113: {  	v2 =	vld [tilespmem:s15+$0x6C60]  }
0x114: {  	v5 =	vld [tilespmem:s15+$0x6C40]  }
0x115: {  	v6 =	vld [tilespmem:s15+$0x6C70]  }
0x116: {  	s19 =	simm.s32 $0x200;
	v1 =	vld [tilespmem:s15+$0x6C10];
	v7 =	vmul.f32 v7, v0;
	v8 =	vmul.f32 v8, v0  }
.LBB2_9:
0x117: {  	p2 =	sne.s32 s19, $0xFE00  }
0x118: {  	v4 =	vmul.f32 v4, v0;
	v3 =	vmul.f32 v3, v0;
	s16 =	sadd.s32 $0x1, s16;
	s9 =	smov.u32 s19;
	s19 =	sadd.s32 $0x200, s19  }
0x119: {  	v2 =	vmul.f32 v2, v0;
	[tilespmem:s15+$0x6C20] =	vst v8;
	v5 =	vmul.f32 v5, v0  }
0x11a: {  	[tilespmem:s15+$0x6C00] =	vst v7;
	v6 =	vmul.f32 v6, v0  }
0x11b: {  	v7 =	vmov s16;
	[tilespmem:s15+$0x6C50] =	vst v3  }
0x11c: {  	s9 =	sshra.s32 s9, $0x2;
	[tilespmem:s15+$0x6C70] =	vst v6  }
0x11d: {  	v0 =	vmul.f32 v1, v0;
	v8 =	vld [tilespmem:s9+$0x6C20];
	[tilespmem:s15+$0x6C30] =	vst v4  }
0x11e: {  	v9 =	vld [tilespmem:s9+$0x6C00];
	[tilespmem:s15+$0x6C40] =	vst v5  }
0x11f: {  	v3 =	vld [tilespmem:s9+$0x6C50];
	[tilespmem:s15+$0x6C60] =	vst v2  }
0x120: {  	v4 =	vld [tilespmem:s9+$0x6C30];
	[tilespmem:s15+$0x6C10] =	vst v0;
	s15 =	smov.u32 s9  }
0x121: {  	v0 =	vld.idx.msk [tilespmem:v7+s24+$0x0], $0xffff  }
0x122: {  	v2 =	vld [tilespmem:s15+$0x6C60]  }
.Ltmp5:
0x123: {  	v1 =	vld [tilespmem:s15+$0x6C10];
	(pc) =	sbr.rel @p2 .LBB2_9-.Ltmp5, $3  }
0x124: {  	v5 =	vld [tilespmem:s15+$0x6C40]  }
0x125: {  	v6 =	vld [tilespmem:s15+$0x6C70];
	_ =	sdelay $0x1  }
0x126: {  	v7 =	vmul.f32 v9, v0;
	v8 =	vmul.f32 v8, v0  }
0x127: {  	_ = 	snop  }
0x128: {  	v3 =	vmul.f32 v3, v0;
	[tilespmem:s15+$0x6C20] =	vst v8  }
0x129: {  	v4 =	vmul.f32 v4, v0;
	[tilespmem:s15+$0x6C00] =	vst v7  }
0x12a: {  	v2 =	vmul.f32 v2, v0;
	[tilespmem:s15+$0x6C50] =	vst v3  }
0x12b: {  	v63 =	vmul.f32 v1, v0;
	[tilespmem:s15+$0x6C30] =	vst v4  }
.Ltmp6:
0x12c: {  	v62 =	vmul.f32 v5, v0;
	[tilespmem:s15+$0x6C60] =	vst v2;
	(pc) =	sbr.rel @p1 .LBB2_12-.Ltmp6, $4  }
0x12d: {  	v6 =	vmul.f32 v6, v0;
	[tilespmem:s15+$0x6C10] =	vst v63  }
0x12e: {  	[tilespmem:s15+$0x6C40] =	vst v62  }
0x12f: {  	s9 =	sand.u32 $0x3FFFFF80, s22;
	[tilespmem:s15+$0x6C70] =	vst v6  }
0x130: {  	[spmem:s3] =	stream.indirect.scatter.add.f32 [tilespmem:s2], [sflag:$0x4], $0x80, s9, s29, $0xb8;
	[tilespmem:$0x1E480] =	vst v63  }
0x131: {  	s9 =	sadd.s32 s21, s18  }
.Ltmp7:
0x132: {  	s9 =	sshrl.u32 s9, $0x3;
	(pc) =	sbr.rel .LBB2_2-.Ltmp7, $4  }
0x133: {  	s15 =	sadd.s32 s5, s9  }
0x134: {  	[tilespmem:s25], [sflag:$0x6] =	stream.linear.gather [hbm4b:s15+s4], $0x80, $0x38;
	[tilespmem:$0x1E480] =	vst v63  }
0x135: {  	s26 =	simm.s32 $0x2A80;
	s20 =	sadd.s32 $0x1, s20;
	s9 =	sadd.s32 s6, s9  }
0x136: {  	[tilespmem:s26], [sflag:$0x6] =	stream.linear.gather [hbm4b:s9+s4], $0x80, $0x38;
	[tilespmem:$0x1E480] =	vst v63  }
.LBB2_13:
0x137: {  	_ =	sfence.sel $0x180000  }
0x138: {  	[bflag:$0x0] =	sbarrier.arrive $0xFFFF  }
0x139: {  	_ =	strace $0x9000004A  }
0x13a: {  	s0 =	stileid.u32;
	[bflag:$0x2] =	sbarrier.arrive $0xFFFF  }
0x13b: {  	p0 =	sne.s32 s0, $0x0;
	s0 =	rddreg [dreg:$0x3]  }
0x13c: {  	s0 =	sadd.s32 @!p0 $0x100000, s0  }
0x13d: {  	[sflag:s0] =	ssyncadd.tile.s32 @!p0 $0x1;
	_ =	shalt  }
.Lfunc_end2:
_tile_overlayer_lowered:
.L_overlay_start_2:
0x13e: {  	(tag) =	ssettag $0x2  }
0x13f: {  	s0 =	rddreg [dreg:$0x0];
	s2 =	stileid.u32  }
0x140: {  	s1 =	rddreg [dreg:$0x1];
	p0 =	sne.s32 s2, $0x0  }
0x141: {  	s3 =	rddreg [dreg:$0x2];
	[bflag:$0x3] =	sbarrier.arrive $0xFFFF;
	s2 =	simm.s32 @!p0 $0x1C07  }
0x142: {  	[timem:s3], [sflag:s2] =	dma.local @!p0 [hbm:s0], s1  }
0x143: {  	s0 =	simm.s32 @!p0 $0x7  }
0x144: {  	_ =	swait.ge @!p0 [sflag:s0], s1  }
0x145: {  	s1 =	ssub.s32 @!p0 $0x0, s1;
	[sflag:s0] =	ssyncset.done @!p0 $0x0  }
0x146: {  	[sflag:s0] =	ssyncadd.s32 @!p0 s1  }
0x147: {  	[bflag:$0x3] =	sbarrier.arrive $0xFFFF  }
0x148: {  	_ =	shalt  }

// kernel: kernel.7.cloned.1.call-start
scs
__scs_entry_jumppad:
0x0: {  	(pc) =	sbr.rel $0x88, $3  }
0x1: {  	(tag) =	ssettag $0x0;
	lr =	simm.s32 $0x1  }
0x2: {  	[smem:$0x3F96] =	sst lr;
	_ =	strace $0xD0000000  }
0x3: {  	_ = 	snop  }
0x4: {  	_ = 	snop  }
0x5: {  	_ = 	snop  }
0x6: {  	_ = 	snop  }
0x7: {  	_ = 	snop  }
__scs_overlays_trampoline_lowered:
0x8: {  	[smem:$0x3FA5] =	sst s0  }
0x9: {  	[smem:$0x3FA6] =	sst s1  }
0xa: {  	[smem:$0x3FA7] =	sst s2  }
0xb: {  	[smem:$0x3FA8] =	sst s3  }
0xc: {  	[smem:$0x3FA9] =	sst s4  }
0xd: {  	[smem:$0x3FAA] =	sst s5  }
0xe: {  	[smem:$0x3FAB] =	sst s6  }
0xf: {  	[smem:$0x3FAC] =	sst s7  }
0x10: {  	[smem:$0x3FAD] =	sst s8  }
0x11: {  	[smem:$0x3FAE] =	sst s9;
	s0 =	simm.s32 @!p0 $0x0  }
0x12: {  	s1 =	sld [smem:$0x3F94];
	s0 =	simm.s32 @p0 $0x1  }
0x13: {  	[smem:$0x3FAF] =	sst s0;
	s0 =	simm.s32 @!p1 $0x0  }
0x14: {  	s2 =	sld [smem:$0x3F93];
	s0 =	simm.s32 @p1 $0x1  }
0x15: {  	[smem:$0x3FB0] =	sst s0;
	s0 =	simm.s32 @!p2 $0x0  }
0x16: {  	s3 =	sld [smem:$0x3FDB];
	s0 =	simm.s32 @p2 $0x1  }
0x17: {  	s4 =	simm.s32 $0x1BF5;
	[smem:$0x3FB2] =	sst s0  }
0x18: {  	s0 =	sld [smem:$0x3F95];
	_ =	swait.ge [sflag:s4], $0x0  }
0x19: {  	s7 =	sld [smem:$0x3F96]  }
0x1a: {  	s8 =	sadd.s32 $0xFFFFE003, lr  }
0x1b: {  	s9 =	sadd.s32 $0xFFFFFEF7, lr;
	s5 =	simm.s32 $0xFFFFFFFF;
	p2 =	slt.u32 s8, $0xFFFFF086  }
0x1c: {  	p1 =	slt.u32 s9, $0xF7A;
	s5 =	simm.s32 @!p2 $0x0  }
0x1d: {  	s5 =	simm.s32 @p1 $0x1;
	p0 =	seq.s32 s7, s2  }
0x1e: {  	s7 =	smul.u32 @!p0 $0xF7A, s2;
	p2 =	seq.s32 @!p0 s5, $0x0  }
0x1f: {  	s9 =	smul.u32 $0xF7A, s1;
	s8 =	simm.s32 @!p0 $0x1BF5;
	p2 =	por !p2, p0  }
0x20: {  	[sflag:s8] =	ssyncset.s32 @!p0 $0xFFFFF086;
	s6 =	sadd.s32 @!p0 s3, s7;
	s7 =	simm.s32 @!p0 $0x108  }
0x21: {  	s3 =	sadd.s32 s3, s9;
	s6 =	sadd.s32 @!p0 $0x88, s6;
	s7 =	simm.s32 @p2 $0x1082  }
0x22: {  	[simem:s7], [sflag:s8] =	dma.local @!p0 [hbm:s6], $0xF7A  }
0x23: {  	s9 =	sor.u32 $0xD0000000, s2;
	s6 =	simm.s32 $0x108;
	_ =	swait.ge @!p0 [sflag:s8], $0x0  }
0x24: {  	s3 =	sadd.s32 $0x88, s3;
	s6 =	simm.s32 @!p1 $0x1082;
	[sflag:s4] =	ssyncset.s32 $0xFFFFF086  }
0x25: {  	[simem:s6], [sflag:s4] =	dma.local [hbm:s3], $0xF7A  }
0x26: {  	[smem:$0x3F96] =	sst s1;
	(tag) =	ssettag s2;
	_ =	strace s9  }
0x27: {  	s1 =	sld [smem:$0x3FA6]  }
0x28: {  	s2 =	sld [smem:$0x3FA7]  }
0x29: {  	s4 =	sld [smem:$0x3FA9]  }
0x2a: {  	p0 =	seq.s32 s5, $0x0;
	s5 =	sld [smem:$0x3FAA]  }
0x2b: {  	s6 =	sld [smem:$0x3FAB]  }
0x2c: {  	s7 =	sld [smem:$0x3FAC]  }
0x2d: {  	s3 =	simm.s32 $0x108;
	s8 =	sld [smem:$0x3FAD]  }
0x2e: {  	s3 =	simm.s32 @!p0 $0x1082;
	s9 =	sld [smem:$0x3FAE]  }
0x2f: {  	lr =	sadd.s32 s0, s3;
	s0 =	sld [smem:$0x3FA5]  }
0x30: {  	s3 =	sld [smem:$0x3FA8]  }
0x31: {  	[smem:$0x3FB1] =	sst s10  }
0x32: {  	s10 =	sld [smem:$0x3FAF];
	_ =	sdelay $0x3  }
0x33: {  	p0 =	seq.s32 s10, $0x1;
	s10 =	sld [smem:$0x3FB1];
	_ =	sdelay $0x3  }
0x34: {  	[smem:$0x3FB1] =	sst s10  }
0x35: {  	s10 =	sld [smem:$0x3FB0];
	_ =	sdelay $0x3  }
0x36: {  	p1 =	seq.s32 s10, $0x1;
	s10 =	sld [smem:$0x3FB1];
	_ =	sdelay $0x3  }
0x37: {  	[smem:$0x3FB1] =	sst s10  }
0x38: {  	s10 =	sld [smem:$0x3FB2]  }
0x39: {  	_ = 	snop;
	(pc) =	sbr.ind lr, $3  }
0x3a: {  	_ = 	snop  }
0x3b: {  	_ = 	snop  }
0x3c: {  	p2 =	seq.s32 s10, $0x1;
	s10 =	sld [smem:$0x3FB1]  }
0x3d: {  	_ =	shalt  }
0x3e: {  	_ =	shalt  }
0x3f: {  	_ =	shalt  }
0x40: {  	_ =	shalt  }
0x41: {  	_ =	shalt  }
0x42: {  	_ =	shalt  }
0x43: {  	_ =	shalt  }
0x44: {  	_ =	shalt  }
0x45: {  	_ =	shalt  }
0x46: {  	_ =	shalt  }
0x47: {  	_ =	shalt  }
0x48: {  	_ =	shalt  }
0x49: {  	_ =	shalt  }
0x4a: {  	_ =	shalt  }
0x4b: {  	_ =	shalt  }
0x4c: {  	_ =	shalt  }
0x4d: {  	_ =	shalt  }
0x4e: {  	_ =	shalt  }
0x4f: {  	_ =	shalt  }
0x50: {  	_ =	shalt  }
0x51: {  	_ =	shalt  }
0x52: {  	_ =	shalt  }
0x53: {  	_ =	shalt  }
0x54: {  	_ =	shalt  }
0x55: {  	_ =	shalt  }
0x56: {  	_ =	shalt  }
0x57: {  	_ =	shalt  }
0x58: {  	_ =	shalt  }
0x59: {  	_ =	shalt  }
0x5a: {  	_ =	shalt  }
0x5b: {  	_ =	shalt  }
0x5c: {  	_ =	shalt  }
0x5d: {  	_ =	shalt  }
0x5e: {  	_ =	shalt  }
0x5f: {  	_ =	shalt  }
0x60: {  	_ =	shalt  }
0x61: {  	_ =	shalt  }
0x62: {  	_ =	shalt  }
0x63: {  	_ =	shalt  }
0x64: {  	_ =	shalt  }
0x65: {  	_ =	shalt  }
0x66: {  	_ =	shalt  }
0x67: {  	_ =	shalt  }
0x68: {  	_ =	shalt  }
0x69: {  	_ =	shalt  }
0x6a: {  	_ =	shalt  }
0x6b: {  	_ =	shalt  }
0x6c: {  	_ =	shalt  }
0x6d: {  	_ =	shalt  }
0x6e: {  	_ =	shalt  }
0x6f: {  	_ =	shalt  }
0x70: {  	_ =	shalt  }
0x71: {  	_ =	shalt  }
0x72: {  	_ =	shalt  }
0x73: {  	_ =	shalt  }
0x74: {  	_ =	shalt  }
0x75: {  	_ =	shalt  }
0x76: {  	_ =	shalt  }
0x77: {  	_ =	shalt  }
0x78: {  	_ =	shalt  }
0x79: {  	_ =	shalt  }
0x7a: {  	_ =	shalt  }
0x7b: {  	_ =	shalt  }
0x7c: {  	_ =	shalt  }
0x7d: {  	_ =	shalt  }
0x7e: {  	_ =	shalt  }
0x7f: {  	_ =	shalt  }
0x80: {  	_ =	shalt  }
0x81: {  	_ =	shalt  }
0x82: {  	_ =	shalt  }
0x83: {  	_ =	shalt  }
0x84: {  	_ =	shalt  }
0x85: {  	_ =	shalt  }
0x86: {  	_ =	shalt  }
0x87: {  	_ =	shalt  }
.Lfunc_end0:
.L_simem_size_0:
called_computation_lowered:
.L_overlay_start_0:
0x88: {  	s2 =	sld [smem:$0x3FD9]  }
0x89: {  	s3 =	sld [smem:$0x3FFE];
	_ =	sdelay $0x1  }
0x8a: {  	s1 =	srdreg.scid  }
0x8b: {  	s0 =	sand.u32 $0x1, s1  }
0x8c: {  	s17 =	sshll.u32 s0, $0xA;
	s2 =	sadd.s32 s3, s2  }
0x8d: {  	s2 =	sadd.s32 s2, s17  }
0x8e: {  	[smem:$0x3FBD] =	sst s2  }
0x8f: {  	_ = 	snop  }
0x90: {  	s2 =	sld [smem:$0x3FD0];
	(tm) =	ssettm $0x1  }
0x91: {  	s18 =	sld [smem:$0x3FFB];
	_ =	sdelay $0x3  }
0x92: {  	_ =	strace s18  }
0x93: {  	s3 =	sld [smem:$0x3FFC];
	_ =	sdelay $0x3  }
0x94: {  	_ =	strace s3  }
0x95: {  	s3 =	sld [smem:$0x3FFD];
	_ =	sdelay $0x3  }
0x96: {  	_ =	strace s3  }
0x97: {  	_ =	strace $0x8FFFFFFF  }
0x98: {  	s19 =	sld [smem:$0x3FDB];
	_ =	sdelay $0x1  }
0x99: {  	s4 =	simm.s32 $_scs_section_size  }
0x9a: {  	s5 =	simm.s32 $_size__tile_overlayer_lowered;
	s6 =	simm.s32 $_tile_overlayer_lowered  }
0x9b: {  	s22 =	simm.s32 $0x1BFF;
	s21 =	sshll.u32 s6, $0x1;
	s3 =	sadd.s32 s4, s19  }
0x9c: {  	s7 =	simm.s32 $0x0;
	s20 =	sshll.u32 s5, $0x1;
	s5 =	sadd.s32 s21, s3  }
0x9d: {  	[timem:s7], [sflag:s22] =	dma.local [hbm:s5], s20  }
0x9e: {  	_ =	swait.ge [sflag:s22], s20  }
0x9f: {  	s4 =	ssub.s32 $0x0, s20;
	[sflag:s22] =	ssyncset.done $0x0  }
0xa0: {  	[sflag:s22] =	ssyncadd.s32 s4;
	_ =	sdelay $0x1  }
0xa1: {  	s23 =	simm.s32 $0x1B8B  }
0xa2: {  	_ =	swait.ge [sflag:s23], $0x1  }
0xa3: {  	[sflag:s23] =	ssyncset.done $0x0  }
0xa4: {  	s25 =	simm.s32 $0x1B8E;
	s24 =	sld [smem:$0x3FFE];
	[sflag:s23] =	ssyncadd.s32 $0xFFFFFFFF  }
0xa5: {  	s26 =	simm.s32 $execute0_lowered;
	[smem:$0x3FD2] =	sst s25  }
0xa6: {  	s5 =	sshll.u32 s26, $0x1;
	_ =	strace $0x80000046;
	[dreg:$0x1] =	wrdreg $0xFFFFFFFF  }
0xa7: {  	s28 =	simm.s32 $_size_execute0_lowered;
	s3 =	sadd.s32 s3, s5;
	[dreg:$0x0] =	wrdreg $0x0  }
0xa8: {  	s5 =	sshll.u32 s28, $0x1;
	[dreg:$0x2] =	wrdreg s3  }
0xa9: {  	[dreg:$0x3] =	wrdreg s5  }
0xaa: {  	[dreg:$0x4] =	wrdreg $0xC0  }
0xab: {  	_ =	task [dreg:s7], $0x5FFFF  }
0xac: {  	[dreg:$0x1] =	wrdreg $0xFFFFFFFF  }
0xad: {  	[dreg:$0x0] =	wrdreg $0x60  }
0xae: {  	[dreg:$0x2] =	wrdreg s2  }
0xaf: {  	[dreg:$0x3] =	wrdreg s24  }
0xb0: {  	[dreg:$0x4] =	wrdreg $0xAC000  }
0xb1: {  	[dreg:$0x5] =	wrdreg $0x9  }
0xb2: {  	_ =	task.clear_ibuf [dreg:s7], $0x6FFFF;
	_ =	strace $0x90000046  }
0xb3: {  	s29 =	simm.s32 $0x9;
	_ =	strace $0x80000048  }
0xb4: {  	_ =	swait.ge [sflag:s29], $0x1  }
0xb5: {  	[sflag:s29] =	ssyncadd.s32 $0xFFFFFFFF  }
0xb6: {  	_ =	strace $0x90000048  }
0xb7: {  	_ =	sfence  }
0xb8: {  	s30 =	sld [smem:$0x0];
	_ =	sdelay $0x2  }
0xb9: {  	s31 =	sshll.u32 s1, $0xD;
	s1 =	sshrl.u32 s1, $0x2  }
0xba: {  	s3 =	sand.u32 $0x4000, s31;
	s1 =	sadd.s32 s1, s30  }
0xbb: {  	s0 =	sor.u32 s3, s0;
	s1 =	sshll.u32 s1, $0x11  }
0xbc: {  	s0 =	sor.u32 s1, s0  }
0xbd: {  	s0 =	sadd.s32 $0x8F2B, s0  }
0xbe: {  	[sflag:s0] =	ssyncadd.remote.s32 $0x1  }
0xbf: {  	_ =	sfence.sel $0xFFFF  }
0xc0: {  	[dreg:$0x0] =	wrdreg $0xFFFFFFFF;
	(pc) =	sbr.abs _section_cstart, $3  }
0xc1: {  	[dreg:$0x1] =	wrdreg $0xFFFFFFFF  }
0xc2: {  	_ =	task.clear_ibuf [dreg:s7], $0x2FFFF;
	_ =	strace $0x9FFFFFFF  }
0xc3: {  	(tm) =	ssettm $0x7FFFFFFF  }
tec
execute0_lowered:
.L_overlay_start_1:
0x0: {  	(tag) =	ssettag $0x1  }
0x1: {  	s0 =	rddreg [dreg:$0x0]  }
0x2: {  	s1 =	srdreg.scid;
	s2 =	rddreg [dreg:$0x1]  }
0x3: {  	s3 =	rddreg [dreg:$0x2];
	s14 =	stileid.u32;
	s4 =	simm.s32 $0x0  }
0x4: {  	s28 =	simm.s32 $0x5;
	s29 =	simm.s32 $0x80;
	s30 =	simm.s32 $0x2C00  }
0x5: {  	s31 =	simm.s32 $0x1;
	s16 =	simm.s32 $0x0;
	s9 =	smul.u32 $0x2780, s14  }
0x6: {  	s1 =	sand.u32 $0x1, s1;
	[smem:$0x7FF] =	sst s4;
	s11 =	smul.u32 $0x4F000, s14  }
0x7: {  	s12 =	sadd.s32 $0x47E00, s2;
	s19 =	sadd.s32 $0x128400, s3;
	s22 =	smul.u32 $0x13C00, s14  }
0x8: {  	p0 =	seq.s32 s14, $0xF;
	s5 =	sshll.u32 s1, $0x4;
	_ =	strace $0x80000047  }
0x9: {  	s10 =	ssub.s32 $0x2, s1;
	[dreg:$0x7] =	wrdreg s19;
	s1 =	smul.u32 $0x138800, s1  }
0xa: {  	s7 =	sor.u32 s14, s5;
	s5 =	sadd.s32 $0x16C00, s2;
	s9 =	sadd.s32 s9, s2  }
0xb: {  	s13 =	sshrl.u32 s10, $0x1;
	s11 =	sshrl.u32 s11, $0x2;
	s6 =	smul.u32 $0x500, s7  }
0xc: {  	s14 =	simm.s32 $0x4;
	s10 =	ssub.s32 s10, s13;
	s7 =	smul.u32 $0x2800, s7  }
0xd: {  	s17 =	sadd.s32 s11, s3;
	s18 =	sadd.s32 $0x20C00, s9;
	s25 =	sadd.s32 s22, s1  }
0xe: {  	s1 =	sshrl.u32 s1, $0x3;
	s11 =	simm.s32 $0x3;
	[dreg:$0x5] =	wrdreg s17  }
0xf: {  	s13 =	simm.s32 $0x2B80;
	[dreg:$0x6] =	wrdreg s18;
	s1 =	sadd.s32 s12, s1  }
0x10: {  	s26 =	smax.u32 s10, $0x1;
	s10 =	simm.s32 $0x2;
	s8 =	sadd.s32 s6, s2  }
0x11: {  	s6 =	sadd.s32 $0xCC00, s2;
	s2 =	sadd.s32 $0x45C80, s2;
	[dreg:$0xf] =	wrdreg s26  }
0x12: {  	s20 =	sshrl.u32 s7, $0x3;
	s1 =	sadd.s32 $0x25080, s1;
	[dreg:$0x8] =	wrdreg s2  }
0x13: {  	s17 =	sor.u32 $0x200, s7;
	s8 =	sadd.s32 $0x2C00, s8;
	[dreg:$0xe] =	wrdreg s1  }
0x14: {  	s18 =	sor.u32 $0x280, s7;
	s23 =	sadd.s32 s5, s20;
	[dreg:$0x4] =	wrdreg s8  }
0x15: {  	s21 =	sor.u32 $0x10, s20;
	[dreg:$0x9] =	wrdreg s23;
	s8 =	sadd.s32 s6, s20  }
.Ltmp0:
0x16: {  	s24 =	sadd.s32 s5, s21;
	[dreg:$0xa] =	wrdreg s8;
	(pc) =	sbr.rel .LBB2_1-.Ltmp0, $4  }
0x17: {  	s1 =	simm.s32 $0x6;
	s2 =	sadd.s32 s6, s21;
	[dreg:$0xb] =	wrdreg s24  }
0x18: {  	[dreg:$0xc] =	wrdreg s2;
	s2 =	sshrl.u32 s25, $0x3;
	s24 =	simm.s32 $0x2A00  }
0x19: {  	s25 =	simm.s32 $0x2880;
	s8 =	simm.s32 $0x2900;
	s2 =	sadd.s32 s12, s2  }
0x1a: {  	s12 =	simm.s32 $0x2980;
	[dreg:$0xd] =	wrdreg s2;
	s2 =	simm.s32 $0x6C00  }
.LBB2_12:
0x1b: {  	_ =	swait.ge [sflag:s14], $0x4000  }
0x1c: {  	[sflag:s14] =	ssyncset.done $0x0  }
0x1d: {  	[sflag:s14] =	ssyncadd.s32 $0xFFFFC000  }
0x1e: {  	[bflag:$0x0] =	sbarrier.arrive $0xFFFF  }
0x1f: {  	s15 =	rddreg [dreg:$0xe]  }
0x20: {  	s9 =	simm.s32 @p0 $0x1FC7;
	s16 =	rddreg [dreg:$0x11]  }
0x21: {  	[hbm:s15], [sflag:s9] =	dma.local @p0 [spmem:s16], $0x2080  }
0x22: {  	s9 =	simm.s32 @p0 $0x7  }
0x23: {  	_ =	swait.ge @p0 [sflag:s9], $0x2080  }
0x24: {  	s15 =	rddreg [dreg:$0x12]  }
0x25: {  	[sflag:s9] =	ssyncset.done @p0 $0x0;
	s16 =	rddreg [dreg:$0x13]  }
0x26: {  	[sflag:s9] =	ssyncadd.s32 @p0 $0xFFFFDF80;
	s9 =	rddreg [dreg:$0xd]  }
0x27: {  	[hbm:s9], [sflag:s15] =	dma.local @!p0 [spmem:s16], $0x2780  }
0x28: {  	s9 =	simm.s32 @!p0 $0x7  }
0x29: {  	_ =	swait.ge @!p0 [sflag:s9], $0x2780  }
0x2a: {  	s23 =	rddreg [dreg:$0x10]  }
0x2b: {  	s26 =	rddreg [dreg:$0xf];
	s16 =	sadd.s32 $0x1, s23  }
0x2c: {  	p1 =	sne.s32 s16, s26  }
.Ltmp1:
0x2d: {  	_ = 	snop;
	(pc) =	sbr.rel @!p1 .LBB2_13-.Ltmp1, $3  }
0x2e: {  	_ =	sdelay $0x1  }
0x2f: {  	[sflag:s9] =	ssyncset.done @!p0 $0x0  }
0x30: {  	[sflag:s9] =	ssyncadd.s32 @!p0 $0xFFFFD880  }
.LBB2_1:
0x31: {  	[dreg:$0x10] =	wrdreg s16  }
0x32: {  	s9 =	rddreg [dreg:$0x4];
	s16 =	simm.s32 $0x7  }
0x33: {  	[tilespmem:s4], [sflag:$0x7] =	stream.linear.gather [hbm4b:s9+s4], $0x2800, $0x38;
	[tilespmem:$0x1E480] =	vst v63  }
0x34: {  	_ =	swait.ge [sflag:s16], $0x2800  }
0x35: {  	[sflag:s16] =	ssyncset.done $0x0;
	s9 =	rddreg [dreg:$0x7]  }
0x36: {  	[sflag:s16] =	ssyncadd.s32 $0xFFFFD800;
	s16 =	sshrl.u32 @p0 s9, $0x3;
	s9 =	rddreg [dreg:$0x8]  }
0x37: {  	s15 =	simm.s32 @p0 $0x1FC7;
	[dreg:$0x11] =	wrdreg s16  }
0x38: {  	[spmem:s16], [sflag:s15] =	dma.local @p0 [hbm:s9], $0x2080  }
0x39: {  	s15 =	simm.s32 @p0 $0x7  }
0x3a: {  	_ =	swait.ge @p0 [sflag:s15], $0x2080  }
0x3b: {  	s9 =	stileid.u32;
	[sflag:s15] =	ssyncset.done @p0 $0x0  }
0x3c: {  	s16 =	sshll.u32 @!p0 s9, $0x6;
	s9 =	rddreg [dreg:$0x5];
	[sflag:s15] =	ssyncadd.s32 @p0 $0xFFFFDF80  }
0x3d: {  	s15 =	sor.u32 @!p0 $0x1C07, s16;
	s16 =	sshrl.u32 @!p0 s9, $0x3;
	s9 =	rddreg [dreg:$0x6]  }
0x3e: {  	[dreg:$0x12] =	wrdreg s15  }
0x3f: {  	[dreg:$0x13] =	wrdreg s16  }
0x40: {  	[spmem:s16], [sflag:s15] =	dma.local @!p0 [hbm:s9], $0x2780  }
0x41: {  	s15 =	simm.s32 @!p0 $0x7  }
0x42: {  	_ =	swait.ge @!p0 [sflag:s15], $0x2780  }
0x43: {  	[sflag:s15] =	ssyncset.done @!p0 $0x0  }
0x44: {  	[sflag:s15] =	ssyncadd.s32 @!p0 $0xFFFFD880  }
0x45: {  	[bflag:$0x0] =	sbarrier.arrive $0xFFFF  }
0x46: {  	s20 =	simm.s32 $0x2800;
	s19 =	rddreg [dreg:$0x9]  }
0x47: {  	[tilespmem:s20], [sflag:$0x5] =	stream.linear.gather [hbm4b:s19+s4], $0x80, $0x38;
	[tilespmem:$0x1E480] =	vst v63  }
0x48: {  	s21 =	rddreg [dreg:$0xa]  }
0x49: {  	[tilespmem:s24], [sflag:$0x5] =	stream.linear.gather [hbm4b:s21+s4], $0x80, $0x38;
	[tilespmem:$0x1E480] =	vst v63  }
0x4a: {  	s22 =	rddreg [dreg:$0xb]  }
0x4b: {  	[tilespmem:s25], [sflag:$0x6] =	stream.linear.gather [hbm4b:s22+s4], $0x80, $0x38;
	[tilespmem:$0x1E480] =	vst v63  }
0x4c: {  	s26 =	simm.s32 $0x2A80;
	s23 =	rddreg [dreg:$0xc]  }
0x4d: {  	[tilespmem:s26], [sflag:$0x6] =	stream.linear.gather [hbm4b:s23+s4], $0x80, $0x38;
	[tilespmem:$0x1E480] =	vst v63  }
0x4e: {  	_ =	swait.ge [sflag:s28], $0x80  }
0x4f: {  	[sflag:s28] =	ssyncset.done $0x0  }
0x50: {  	[sflag:s28] =	ssyncadd.s32 $0xFFFFFF80  }
0x51: {  	_ =	swait.ge [sflag:s28], $0x80  }
0x52: {  	[sflag:s28] =	ssyncset.done $0x0  }
0x53: {  	[sflag:s28] =	ssyncadd.s32 $0xFFFFFF80  }
0x54: {  	[tilespmem:s30], [sflag:$0x1] =	stream.indirect.gather [hbm4b:s0+s29], $0x80, s20, s29, $0xb8;
	[tilespmem:$0x1E480] =	vst v63  }
0x55: {  	s20 =	simm.s32 $0x0  }
.LBB2_2:
0x56: {  	_ =	swait.ge [sflag:s31], $0x4000  }
0x57: {  	p1 =	seq.s32 s20, $0x0;
	[sflag:s31] =	ssyncset.done $0x0  }
0x58: {  	s15 =	simm.s32 @!p1 $0x4;
	[sflag:s31] =	ssyncadd.s32 $0xFFFFC000  }
0x59: {  	_ =	swait.ge @!p1 [sflag:s15], $0x4000  }
0x5a: {  	[sflag:s15] =	ssyncset.done @!p1 $0x0  }
0x5b: {  	[sflag:s15] =	ssyncadd.s32 @!p1 $0xFFFFC000  }
0x5c: {  	_ =	swait.ge [sflag:s1], $0x80  }
0x5d: {  	[sflag:s1] =	ssyncset.done $0x0  }
0x5e: {  	[sflag:s1] =	ssyncadd.s32 $0xFFFFFF80  }
0x5f: {  	_ =	swait.ge [sflag:s1], $0x80  }
0x60: {  	s26 =	simm.s32 $0x0;
	[sflag:s1] =	ssyncset.done $0x0  }
0x61: {  	s16 =	simm.s32 $0x2C40;
	v0 =	vmov s26;
	[sflag:s1] =	ssyncadd.s32 $0xFFFFFF80  }
0x62: {  	[tilespmem:s2], [sflag:$0x2] =	stream.indirect.gather [hbm4b:s0+s29], $0x80, s25, s29, $0xb8;
	[tilespmem:$0x1E480] =	vst v63  }
0x63: {  	v4 =	vld [tilespmem:s16+$0x30]  }
0x64: {  	v7 =	vld [tilespmem:s16+$0x10]  }
0x65: {  	v5 =	vld [tilespmem:s16+$0xFFFFFFC0]  }
0x66: {  	v1 =	vld.idx.msk [tilespmem:v0+s24+$0x0], $0xffff  }
0x67: {  	v9 =	vld [tilespmem:s16+$0xFFFFFFE0]  }
0x68: {  	v0 =	vld [tilespmem:s16+$0xFFFFFFF0]  }
0x69: {  	v2 =	vld [tilespmem:s16+$0x20]  }
0x6a: {  	v3 =	vld [tilespmem:s16+$0xFFFFFFD0]  }
0x6b: {  	v8 =	vmul.f32 v4, v1;
	v4 =	vld [tilespmem:s16+$0x0]  }
0x6c: {  	v6 =	vmul.f32 v5, v1  }
0x6d: {  	s22 =	sshll.u32 s20, $0x2;
	s19 =	simm.s32 $0x2C40;
	s15 =	simm.s32 $0x1;
	v5 =	vmul.f32 v9, v1;
	v7 =	vmul.f32 v7, v1  }
.LBB2_3:
0x6e: {  	p1 =	sne.s32 s15, $0x7F  }
0x6f: {  	v3 =	vmul.f32 v3, v1;
	v2 =	vmul.f32 v2, v1;
	[tilespmem:s16+$0x30] =	vst v8;
	s19 =	sadd.s32 $0x80, s19;
	s21 =	smov.u32 s15;
	s15 =	sadd.s32 $0x1, s15  }
0x70: {  	[tilespmem:s16+$0xFFFFFFC0] =	vst v6;
	v6 =	vmul.f32 v0, v1;
	v1 =	vmul.f32 v4, v1  }
0x71: {  	[tilespmem:s16+$0x10] =	vst v7  }
0x72: {  	v4 =	vmov s21;
	[tilespmem:s16+$0xFFFFFFE0] =	vst v5  }
0x73: {  	v0 =	vld [tilespmem:s19+$0xFFFFFFF0];
	[tilespmem:s16+$0xFFFFFFF0] =	vst v6  }
0x74: {  	v5 =	vld [tilespmem:s19+$0x30];
	[tilespmem:s16+$0x0] =	vst v1  }
0x75: {  	v7 =	vld [tilespmem:s19+$0x10];
	[tilespmem:s16+$0x20] =	vst v2  }
0x76: {  	v6 =	vld [tilespmem:s19+$0xFFFFFFC0];
	[tilespmem:s16+$0xFFFFFFD0] =	vst v3;
	s16 =	smov.u32 s19  }
0x77: {  	v1 =	vld.idx.msk [tilespmem:v4+s24+$0x0], $0xffff  }
0x78: {  	v9 =	vld [tilespmem:s19+$0xFFFFFFE0]  }
0x79: {  	v2 =	vld [tilespmem:s19+$0x20]  }
.Ltmp2:
0x7a: {  	v3 =	vld [tilespmem:s19+$0xFFFFFFD0];
	(pc) =	sbr.rel @p1 .LBB2_3-.Ltmp2, $3  }
0x7b: {  	v4 =	vld [tilespmem:s19+$0x0];
	_ =	sdelay $0x1  }
0x7c: {  	v6 =	vmul.f32 v6, v1;
	v8 =	vmul.f32 v5, v1  }
0x7d: {  	v7 =	vmul.f32 v7, v1;
	v5 =	vmul.f32 v9, v1  }
0x7e: {  	[tilespmem:s16+$0x30] =	vst v8  }
0x7f: {  	[tilespmem:s16+$0xFFFFFFC0] =	vst v6  }
0x80: {  	v0 =	vmul.f32 v0, v1;
	[tilespmem:s16+$0x10] =	vst v7  }
0x81: {  	v2 =	vmul.f32 v2, v1;
	[tilespmem:s16+$0xFFFFFFE0] =	vst v5  }
0x82: {  	v4 =	vmul.f32 v4, v1;
	[tilespmem:s16+$0xFFFFFFF0] =	vst v0  }
0x83: {  	v0 =	vmul.f32 v3, v1;
	[tilespmem:s16+$0x20] =	vst v2  }
0x84: {  	s21 =	sshll.u32 s20, $0x9;
	s15 =	sor.u32 $0x2, s22;
	[tilespmem:s16+$0x0] =	vst v4  }
0x85: {  	s19 =	simm.s32 $0x80;
	s23 =	sand.u32 $0x3FFFFE00, s21;
	[tilespmem:s16+$0xFFFFFFD0] =	vst v0;
	s16 =	sshll.u32 s15, $0x7  }
0x86: {  	[spmem:s3] =	stream.indirect.scatter.add.f32 [tilespmem:s30], [sflag:$0x3], $0x80, s23, s19, $0xb8;
	[tilespmem:$0x1E480] =	vst v63  }
0x87: {  	s15 =	sadd.s32 s7, s16  }
0x88: {  	s15 =	sshrl.u32 s15, $0x3  }
0x89: {  	s9 =	simm.s32 $0x0;
	s26 =	sadd.s32 s5, s15  }
0x8a: {  	[tilespmem:s8], [sflag:$0x5] =	stream.linear.gather [hbm4b:s26+s9], $0x80, $0x38;
	[tilespmem:$0x1E480] =	vst v63  }
0x8b: {  	s15 =	sadd.s32 s6, s15;
	s26 =	simm.s32 $0x2B00  }
0x8c: {  	[tilespmem:s26], [sflag:$0x5] =	stream.linear.gather [hbm4b:s15+s9], $0x80, $0x38;
	[tilespmem:$0x1E480] =	vst v63  }
0x8d: {  	_ =	swait.ge [sflag:s10], $0x4000  }
0x8e: {  	[sflag:s10] =	ssyncset.done $0x0  }
0x8f: {  	[sflag:s10] =	ssyncadd.s32 $0xFFFFC000  }
0x90: {  	_ =	swait.ge [sflag:s11], $0x4000  }
0x91: {  	[sflag:s11] =	ssyncset.done $0x0  }
0x92: {  	[sflag:s11] =	ssyncadd.s32 $0xFFFFC000  }
0x93: {  	_ =	swait.ge [sflag:s28], $0x80  }
0x94: {  	[sflag:s28] =	ssyncset.done $0x0  }
0x95: {  	[sflag:s28] =	ssyncadd.s32 $0xFFFFFF80  }
0x96: {  	_ =	swait.ge [sflag:s28], $0x80  }
0x97: {  	[sflag:s28] =	ssyncset.done $0x0  }
0x98: {  	v0 =	vmov s19;
	s15 =	simm.s32 $0x0;
	[sflag:s28] =	ssyncadd.s32 $0xFFFFFF80  }
0x99: {  	[tilespmem:s30], [sflag:$0x1] =	stream.indirect.gather [hbm4b:s0+s19], $0x80, s8, s19, $0xb8;
	[tilespmem:$0x1E480] =	vst v63  }
0x9a: {  	v8 =	vld [tilespmem:s15+$0x6C20]  }
0x9b: {  	v7 =	vld [tilespmem:s15+$0x6C00]  }
0x9c: {  	v3 =	vld [tilespmem:s15+$0x6C50]  }
0x9d: {  	v0 =	vld.idx.msk [tilespmem:v0+s24+$0x0], $0xffff  }
0x9e: {  	v4 =	vld [tilespmem:s15+$0x6C30]  }
0x9f: {  	v2 =	vld [tilespmem:s15+$0x6C60]  }
0xa0: {  	v5 =	vld [tilespmem:s15+$0x6C40]  }
0xa1: {  	v6 =	vld [tilespmem:s15+$0x6C70]  }
0xa2: {  	s26 =	simm.s32 $0x200;
	v1 =	vld [tilespmem:s15+$0x6C10];
	v7 =	vmul.f32 v7, v0;
	v8 =	vmul.f32 v8, v0  }
.LBB2_5:
0xa3: {  	p1 =	sne.s32 s26, $0xFE00  }
0xa4: {  	v4 =	vmul.f32 v4, v0;
	v3 =	vmul.f32 v3, v0;
	s19 =	sadd.s32 $0x1, s19;
	s9 =	smov.u32 s26;
	s26 =	sadd.s32 $0x200, s26  }
0xa5: {  	v2 =	vmul.f32 v2, v0;
	[tilespmem:s15+$0x6C20] =	vst v8;
	v5 =	vmul.f32 v5, v0  }
0xa6: {  	[tilespmem:s15+$0x6C00] =	vst v7;
	v6 =	vmul.f32 v6, v0  }
0xa7: {  	v7 =	vmov s19;
	[tilespmem:s15+$0x6C50] =	vst v3  }
0xa8: {  	s9 =	sshra.s32 s9, $0x2;
	[tilespmem:s15+$0x6C70] =	vst v6  }
0xa9: {  	v0 =	vmul.f32 v1, v0;
	v8 =	vld [tilespmem:s9+$0x6C20];
	[tilespmem:s15+$0x6C30] =	vst v4  }
0xaa: {  	v9 =	vld [tilespmem:s9+$0x6C00];
	[tilespmem:s15+$0x6C40] =	vst v5  }
0xab: {  	v3 =	vld [tilespmem:s9+$0x6C50];
	[tilespmem:s15+$0x6C60] =	vst v2  }
0xac: {  	v4 =	vld [tilespmem:s9+$0x6C30];
	[tilespmem:s15+$0x6C10] =	vst v0;
	s15 =	smov.u32 s9  }
0xad: {  	v0 =	vld.idx.msk [tilespmem:v7+s24+$0x0], $0xffff  }
0xae: {  	v2 =	vld [tilespmem:s15+$0x6C60]  }
.Ltmp3:
0xaf: {  	v1 =	vld [tilespmem:s15+$0x6C10];
	(pc) =	sbr.rel @p1 .LBB2_5-.Ltmp3, $3  }
0xb0: {  	v5 =	vld [tilespmem:s15+$0x6C40]  }
0xb1: {  	v6 =	vld [tilespmem:s15+$0x6C70];
	_ =	sdelay $0x1  }
0xb2: {  	v7 =	vmul.f32 v9, v0;
	v8 =	vmul.f32 v8, v0  }
0xb3: {  	_ = 	snop  }
0xb4: {  	v3 =	vmul.f32 v3, v0;
	[tilespmem:s15+$0x6C20] =	vst v8  }
0xb5: {  	v4 =	vmul.f32 v4, v0;
	[tilespmem:s15+$0x6C00] =	vst v7  }
0xb6: {  	v2 =	vmul.f32 v2, v0;
	[tilespmem:s15+$0x6C50] =	vst v3  }
0xb7: {  	v6 =	vmul.f32 v6, v0;
	[tilespmem:s15+$0x6C30] =	vst v4  }
0xb8: {  	v3 =	vmul.f32 v5, v0;
	[tilespmem:s15+$0x6C60] =	vst v2  }
0xb9: {  	v0 =	vmul.f32 v1, v0;
	[tilespmem:s15+$0x6C70] =	vst v6  }
0xba: {  	s22 =	sor.u32 $0x3, s22;
	[tilespmem:s15+$0x6C40] =	vst v3  }
0xbb: {  	s9 =	sadd.s32 $0x80, s23;
	s22 =	sshll.u32 s22, $0x7;
	[tilespmem:s15+$0x6C10] =	vst v0  }
0xbc: {  	[spmem:s3] =	stream.indirect.scatter.add.f32 [tilespmem:s2], [sflag:$0x4], $0x80, s9, s29, $0xb8;
	[tilespmem:$0x1E480] =	vst v63  }
0xbd: {  	s9 =	sadd.s32 s7, s22  }
0xbe: {  	s9 =	sshrl.u32 s9, $0x3  }
0xbf: {  	s23 =	sadd.s32 s5, s9  }
0xc0: {  	[tilespmem:s12], [sflag:$0x6] =	stream.linear.gather [hbm4b:s23+s4], $0x80, $0x38;
	[tilespmem:$0x1E480] =	vst v63  }
0xc1: {  	s9 =	sadd.s32 s6, s9  }
0xc2: {  	[tilespmem:s13], [sflag:$0x6] =	stream.linear.gather [hbm4b:s9+s4], $0x80, $0x38;
	[tilespmem:$0x1E480] =	vst v63  }
0xc3: {  	_ =	swait.ge [sflag:s31], $0x4000  }
0xc4: {  	[sflag:s31] =	ssyncset.done $0x0  }
0xc5: {  	[sflag:s31] =	ssyncadd.s32 $0xFFFFC000  }
0xc6: {  	_ =	swait.ge [sflag:s14], $0x4000  }
0xc7: {  	[sflag:s14] =	ssyncset.done $0x0  }
0xc8: {  	[sflag:s14] =	ssyncadd.s32 $0xFFFFC000  }
0xc9: {  	_ =	swait.ge [sflag:s1], $0x80  }
0xca: {  	[sflag:s1] =	ssyncset.done $0x0  }
0xcb: {  	[sflag:s1] =	ssyncadd.s32 $0xFFFFFF80  }
0xcc: {  	_ =	swait.ge [sflag:s1], $0x80  }
0xcd: {  	s26 =	simm.s32 $0x100;
	[sflag:s1] =	ssyncset.done $0x0  }
0xce: {  	v0 =	vmov s26;
	s15 =	simm.s32 $0x2C40;
	[sflag:s1] =	ssyncadd.s32 $0xFFFFFF80  }
0xcf: {  	[tilespmem:s2], [sflag:$0x2] =	stream.indirect.gather [hbm4b:s0+s29], $0x80, s12, s29, $0xb8;
	[tilespmem:$0x1E480] =	vst v63  }
0xd0: {  	v4 =	vld [tilespmem:s15+$0x30]  }
0xd1: {  	v7 =	vld [tilespmem:s15+$0x10]  }
0xd2: {  	v5 =	vld [tilespmem:s15+$0xFFFFFFC0]  }
0xd3: {  	v1 =	vld.idx.msk [tilespmem:v0+s24+$0x0], $0xffff  }
0xd4: {  	v9 =	vld [tilespmem:s15+$0xFFFFFFE0]  }
0xd5: {  	v0 =	vld [tilespmem:s15+$0xFFFFFFF0]  }
0xd6: {  	v2 =	vld [tilespmem:s15+$0x20]  }
0xd7: {  	v3 =	vld [tilespmem:s15+$0xFFFFFFD0]  }
0xd8: {  	v8 =	vmul.f32 v4, v1;
	v4 =	vld [tilespmem:s15+$0x0]  }
0xd9: {  	v6 =	vmul.f32 v5, v1  }
0xda: {  	s19 =	simm.s32 $0x101;
	s23 =	simm.s32 $0x2C40;
	v5 =	vmul.f32 v9, v1;
	v7 =	vmul.f32 v7, v1  }
.LBB2_7:
0xdb: {  	p1 =	sne.s32 s19, $0x17F  }
0xdc: {  	v3 =	vmul.f32 v3, v1;
	v2 =	vmul.f32 v2, v1;
	[tilespmem:s15+$0x30] =	vst v8;
	s23 =	sadd.s32 $0x80, s23;
	s9 =	smov.u32 s19;
	s19 =	sadd.s32 $0x1, s19  }
0xdd: {  	[tilespmem:s15+$0xFFFFFFC0] =	vst v6;
	v6 =	vmul.f32 v0, v1;
	v1 =	vmul.f32 v4, v1  }
0xde: {  	[tilespmem:s15+$0x10] =	vst v7  }
0xdf: {  	v4 =	vmov s9;
	[tilespmem:s15+$0xFFFFFFE0] =	vst v5  }
0xe0: {  	v0 =	vld [tilespmem:s23+$0xFFFFFFF0];
	[tilespmem:s15+$0xFFFFFFF0] =	vst v6  }
0xe1: {  	v5 =	vld [tilespmem:s23+$0x30];
	[tilespmem:s15+$0x0] =	vst v1  }
0xe2: {  	v7 =	vld [tilespmem:s23+$0x10];
	[tilespmem:s15+$0x20] =	vst v2  }
0xe3: {  	v6 =	vld [tilespmem:s23+$0xFFFFFFC0];
	[tilespmem:s15+$0xFFFFFFD0] =	vst v3;
	s15 =	smov.u32 s23  }
0xe4: {  	v1 =	vld.idx.msk [tilespmem:v4+s24+$0x0], $0xffff  }
0xe5: {  	v9 =	vld [tilespmem:s23+$0xFFFFFFE0]  }
0xe6: {  	v2 =	vld [tilespmem:s23+$0x20]  }
.Ltmp4:
0xe7: {  	v3 =	vld [tilespmem:s23+$0xFFFFFFD0];
	(pc) =	sbr.rel @p1 .LBB2_7-.Ltmp4, $3  }
0xe8: {  	v4 =	vld [tilespmem:s23+$0x0];
	_ =	sdelay $0x1  }
0xe9: {  	v6 =	vmul.f32 v6, v1;
	v8 =	vmul.f32 v5, v1  }
0xea: {  	v7 =	vmul.f32 v7, v1;
	v5 =	vmul.f32 v9, v1  }
0xeb: {  	[tilespmem:s15+$0x30] =	vst v8  }
0xec: {  	[tilespmem:s15+$0xFFFFFFC0] =	vst v6  }
0xed: {  	v0 =	vmul.f32 v0, v1;
	[tilespmem:s15+$0x10] =	vst v7  }
0xee: {  	v2 =	vmul.f32 v2, v1;
	[tilespmem:s15+$0xFFFFFFE0] =	vst v5  }
0xef: {  	v4 =	vmul.f32 v4, v1;
	[tilespmem:s15+$0xFFFFFFF0] =	vst v0  }
0xf0: {  	v0 =	vmul.f32 v3, v1;
	[tilespmem:s15+$0x20] =	vst v2  }
0xf1: {  	[tilespmem:s15+$0x0] =	vst v4  }
0xf2: {  	s9 =	sand.u32 $0x3FFFFF80, s16;
	p1 =	seq.s32 s20, $0x13;
	[tilespmem:s15+$0xFFFFFFD0] =	vst v0  }
0xf3: {  	[spmem:s3] =	stream.indirect.scatter.add.f32 [tilespmem:s30], [sflag:$0x3], $0x80, s9, s29, $0xb8;
	[tilespmem:$0x1E480] =	vst v63  }
0xf4: {  	s9 =	simm.s32 @p1 $0x2  }
0xf5: {  	_ =	swait.ge @p1 [sflag:s9], $0x4000  }
0xf6: {  	[sflag:s9] =	ssyncset.done @p1 $0x0  }
0xf7: {  	[sflag:s9] =	ssyncadd.s32 @p1 $0xFFFFC000;
	s9 =	simm.s32 @p1 $0x3  }
0xf8: {  	s15 =	sshll.u32 @!p1 s20, $0x9;
	_ =	swait.ge @p1 [sflag:s9], $0x4000  }
0xf9: {  	s15 =	sadd.s32 @!p1 s15, s17;
	[sflag:s9] =	ssyncset.done @p1 $0x0  }
0xfa: {  	[sflag:s9] =	ssyncadd.s32 @p1 $0xFFFFC000;
	s9 =	sshrl.u32 @!p1 s15, $0x3  }
0xfb: {  	s16 =	simm.s32 @!p1 $0x0;
	s19 =	simm.s32 @!p1 $0x2800;
	s15 =	sadd.s32 @!p1 s5, s9  }
0xfc: {  	[tilespmem:s19], [sflag:$0x5] =	stream.linear.gather @!p1 [hbm4b:s15+s16], $0x80, $0x38;
	[tilespmem:$0x1E480] =	vst v63  }
0xfd: {  	s9 =	sadd.s32 @!p1 s6, s9;
	s15 =	simm.s32 @!p1 $0x2A00  }
0xfe: {  	[tilespmem:s15], [sflag:$0x5] =	stream.linear.gather @!p1 [hbm4b:s9+s16], $0x80, $0x38;
	[tilespmem:$0x1E480] =	vst v63  }
0xff: {  	s9 =	simm.s32 @!p1 $0x2  }
0x100: {  	_ =	swait.ge @!p1 [sflag:s9], $0x4000  }
0x101: {  	[sflag:s9] =	ssyncset.done @!p1 $0x0  }
0x102: {  	[sflag:s9] =	ssyncadd.s32 @!p1 $0xFFFFC000;
	s9 =	simm.s32 @!p1 $0x3  }
0x103: {  	_ =	swait.ge @!p1 [sflag:s9], $0x4000  }
0x104: {  	[sflag:s9] =	ssyncset.done @!p1 $0x0  }
0x105: {  	[sflag:s9] =	ssyncadd.s32 @!p1 $0xFFFFC000;
	s9 =	simm.s32 @!p1 $0x5  }
0x106: {  	_ =	swait.ge @!p1 [sflag:s9], $0x80  }
0x107: {  	[sflag:s9] =	ssyncset.done @!p1 $0x0  }
0x108: {  	[sflag:s9] =	ssyncadd.s32 @!p1 $0xFFFFFF80  }
0x109: {  	_ =	swait.ge @!p1 [sflag:s9], $0x80  }
0x10a: {  	s15 =	simm.s32 @!p1 $0x2C00;
	[sflag:s9] =	ssyncset.done @!p1 $0x0  }
0x10b: {  	s16 =	simm.s32 $0x180;
	[sflag:s9] =	ssyncadd.s32 @!p1 $0xFFFFFF80;
	s9 =	simm.s32 @!p1 $0x80  }
0x10c: {  	v0 =	vmov s16;
	[tilespmem:s15], [sflag:$0x1] =	stream.indirect.gather @!p1 [hbm4b:s0+s9], $0x80, s19, s9, $0xb8;
	[tilespmem:$0x1E480] =	vst v63  }
0x10d: {  	s15 =	simm.s32 $0x0  }
0x10e: {  	v8 =	vld [tilespmem:s15+$0x6C20]  }
0x10f: {  	v7 =	vld [tilespmem:s15+$0x6C00]  }
0x110: {  	v3 =	vld [tilespmem:s15+$0x6C50]  }
0x111: {  	v0 =	vld.idx.msk [tilespmem:v0+s24+$0x0], $0xffff  }
0x112: {  	v4 =	vld [tilespmem:s15+$0x6C30]  }
0x113: {  	v2 =	vld [tilespmem:s15+$0x6C60]  }
0x114: {  	v5 =	vld [tilespmem:s15+$0x6C40]  }
0x115: {  	v6 =	vld [tilespmem:s15+$0x6C70]  }
0x116: {  	s19 =	simm.s32 $0x200;
	v1 =	vld [tilespmem:s15+$0x6C10];
	v7 =	vmul.f32 v7, v0;
	v8 =	vmul.f32 v8, v0  }
.LBB2_9:
0x117: {  	p2 =	sne.s32 s19, $0xFE00  }
0x118: {  	v4 =	vmul.f32 v4, v0;
	v3 =	vmul.f32 v3, v0;
	s16 =	sadd.s32 $0x1, s16;
	s9 =	smov.u32 s19;
	s19 =	sadd.s32 $0x200, s19  }
0x119: {  	v2 =	vmul.f32 v2, v0;
	[tilespmem:s15+$0x6C20] =	vst v8;
	v5 =	vmul.f32 v5, v0  }
0x11a: {  	[tilespmem:s15+$0x6C00] =	vst v7;
	v6 =	vmul.f32 v6, v0  }
0x11b: {  	v7 =	vmov s16;
	[tilespmem:s15+$0x6C50] =	vst v3  }
0x11c: {  	s9 =	sshra.s32 s9, $0x2;
	[tilespmem:s15+$0x6C70] =	vst v6  }
0x11d: {  	v0 =	vmul.f32 v1, v0;
	v8 =	vld [tilespmem:s9+$0x6C20];
	[tilespmem:s15+$0x6C30] =	vst v4  }
0x11e: {  	v9 =	vld [tilespmem:s9+$0x6C00];
	[tilespmem:s15+$0x6C40] =	vst v5  }
0x11f: {  	v3 =	vld [tilespmem:s9+$0x6C50];
	[tilespmem:s15+$0x6C60] =	vst v2  }
0x120: {  	v4 =	vld [tilespmem:s9+$0x6C30];
	[tilespmem:s15+$0x6C10] =	vst v0;
	s15 =	smov.u32 s9  }
0x121: {  	v0 =	vld.idx.msk [tilespmem:v7+s24+$0x0], $0xffff  }
0x122: {  	v2 =	vld [tilespmem:s15+$0x6C60]  }
.Ltmp5:
0x123: {  	v1 =	vld [tilespmem:s15+$0x6C10];
	(pc) =	sbr.rel @p2 .LBB2_9-.Ltmp5, $3  }
0x124: {  	v5 =	vld [tilespmem:s15+$0x6C40]  }
0x125: {  	v6 =	vld [tilespmem:s15+$0x6C70];
	_ =	sdelay $0x1  }
0x126: {  	v7 =	vmul.f32 v9, v0;
	v8 =	vmul.f32 v8, v0  }
0x127: {  	_ = 	snop  }
0x128: {  	v3 =	vmul.f32 v3, v0;
	[tilespmem:s15+$0x6C20] =	vst v8  }
0x129: {  	v4 =	vmul.f32 v4, v0;
	[tilespmem:s15+$0x6C00] =	vst v7  }
0x12a: {  	v2 =	vmul.f32 v2, v0;
	[tilespmem:s15+$0x6C50] =	vst v3  }
0x12b: {  	v63 =	vmul.f32 v1, v0;
	[tilespmem:s15+$0x6C30] =	vst v4  }
.Ltmp6:
0x12c: {  	v62 =	vmul.f32 v5, v0;
	[tilespmem:s15+$0x6C60] =	vst v2;
	(pc) =	sbr.rel @p1 .LBB2_12-.Ltmp6, $4  }
0x12d: {  	v6 =	vmul.f32 v6, v0;
	[tilespmem:s15+$0x6C10] =	vst v63  }
0x12e: {  	[tilespmem:s15+$0x6C40] =	vst v62  }
0x12f: {  	s9 =	sand.u32 $0x3FFFFF80, s22;
	[tilespmem:s15+$0x6C70] =	vst v6  }
0x130: {  	[spmem:s3] =	stream.indirect.scatter.add.f32 [tilespmem:s2], [sflag:$0x4], $0x80, s9, s29, $0xb8;
	[tilespmem:$0x1E480] =	vst v63  }
0x131: {  	s9 =	sadd.s32 s21, s18  }
.Ltmp7:
0x132: {  	s9 =	sshrl.u32 s9, $0x3;
	(pc) =	sbr.rel .LBB2_2-.Ltmp7, $4  }
0x133: {  	s15 =	sadd.s32 s5, s9  }
0x134: {  	[tilespmem:s25], [sflag:$0x6] =	stream.linear.gather [hbm4b:s15+s4], $0x80, $0x38;
	[tilespmem:$0x1E480] =	vst v63  }
0x135: {  	s26 =	simm.s32 $0x2A80;
	s20 =	sadd.s32 $0x1, s20;
	s9 =	sadd.s32 s6, s9  }
0x136: {  	[tilespmem:s26], [sflag:$0x6] =	stream.linear.gather [hbm4b:s9+s4], $0x80, $0x38;
	[tilespmem:$0x1E480] =	vst v63  }
.LBB2_13:
0x137: {  	_ =	sfence.sel $0x180000  }
0x138: {  	[bflag:$0x0] =	sbarrier.arrive $0xFFFF  }
0x139: {  	_ =	strace $0x90000047  }
0x13a: {  	s0 =	stileid.u32;
	[bflag:$0x2] =	sbarrier.arrive $0xFFFF  }
0x13b: {  	p0 =	sne.s32 s0, $0x0;
	s0 =	rddreg [dreg:$0x3]  }
0x13c: {  	s0 =	sadd.s32 @!p0 $0x100000, s0  }
0x13d: {  	[sflag:s0] =	ssyncadd.tile.s32 @!p0 $0x1;
	_ =	shalt  }
.Lfunc_end2:
_tile_overlayer_lowered:
.L_overlay_start_2:
0x13e: {  	(tag) =	ssettag $0x2  }
0x13f: {  	s0 =	rddreg [dreg:$0x0];
	s2 =	stileid.u32  }
0x140: {  	s1 =	rddreg [dreg:$0x1];
	p0 =	sne.s32 s2, $0x0  }
0x141: {  	s3 =	rddreg [dreg:$0x2];
	[bflag:$0x3] =	sbarrier.arrive $0xFFFF;
	s2 =	simm.s32 @!p0 $0x1C07  }
0x142: {  	[timem:s3], [sflag:s2] =	dma.local @!p0 [hbm:s0], s1  }
0x143: {  	s0 =	simm.s32 @!p0 $0x7  }
0x144: {  	_ =	swait.ge @!p0 [sflag:s0], s1  }
0x145: {  	s1 =	ssub.s32 @!p0 $0x0, s1;
	[sflag:s0] =	ssyncset.done @!p0 $0x0  }
0x146: {  	[sflag:s0] =	ssyncadd.s32 @!p0 s1  }
0x147: {  	[bflag:$0x3] =	sbarrier.arrive $0xFFFF  }
0x148: {  	_ =	shalt  }

</sc_bundles>
